<compile_context>
chip_gen: v7x
topology: tpu7x:2x2x1
jax: 0.10.2.dev20260603
libtpu: 0.0.44.dev20260713+nightly
codegen_flags: <defaults>
</compile_context>

<pallas_src>
import functools

import jax
import jax.numpy as jnp
from jax import lax
from jax.experimental import pallas as pl
from jax.experimental.pallas import tpu as pltpu
from jax.experimental.pallas import tpu_sc as plsc

N = 10000
NPAD = 10240
E = 320000
NC = 2
NS = 16
NW = NC * NS
EPT = E // NW
ROWS = 125
CW = 80
SLICE = NPAD // NS
PSL = NPAD // NW
PR = 4

_sc_mesh = plsc.VectorSubcoreMesh(core_axis_name="c", subcore_axis_name="s")
_sc_params = pltpu.CompilerParams(needs_layout_passes=False)


def _zero_fill(buf, nwords):
    def body(i, _):
        buf[pl.ds(i * 16, 16)] = jnp.zeros((16,), jnp.float32)
        return 0
    lax.fori_loop(0, nwords // 16, body, 0)


@functools.partial(
    pl.kernel,
    mesh=_sc_mesh,
    compiler_params=_sc_params,
    out_type=jax.ShapeDtypeStruct((NC, NPAD), jnp.float32),
    scratch_types=[
        pltpu.VMEM((ROWS, CW), jnp.int32),
        pltpu.VMEM((ROWS, CW), jnp.float32),
        pltpu.VMEM((SLICE,), jnp.float32),
        pltpu.VMEM_SHARED((NPAD,), jnp.float32),
        pltpu.SemaphoreType.DMA,
    ],
)
def _deg_kernel(col_hbm, w_hbm, degp_hbm, col_v, w_v, z_v, deg_sh, sem):
    c = lax.axis_index("c")
    s = lax.axis_index("s")
    wid = c * NS + s
    d1 = pltpu.async_copy(col_hbm.at[wid], col_v, sem)
    d2 = pltpu.async_copy(w_hbm.at[wid], w_v, sem)
    _zero_fill(z_v, SLICE)
    pltpu.sync_copy(z_v, deg_sh.at[pl.ds(s * SLICE, SLICE)])
    d1.wait()
    d2.wait()
    plsc.subcore_barrier()

    def sgrp(g, _):
        ds = []
        for jj in range(5):
            j = g * 5 + jj
            ds.append(pltpu.async_copy(
                w_v.at[j], deg_sh.at[col_v.at[j]], sem, add=True))
        for d in ds:
            d.wait()
        return 0
    lax.fori_loop(0, ROWS // 5, sgrp, 0)
    plsc.subcore_barrier()
    pltpu.sync_copy(deg_sh.at[pl.ds(s * SLICE, SLICE)],
                    degp_hbm.at[c, pl.ds(s * SLICE, SLICE)])


def _mid_body(dpa_ref, dpb_ref, x_ref, w_ref, dis_ref, xw_ref):
    deg = dpa_ref[...] + dpb_ref[...] + 1.0
    dis_ref[...] = 1.0 / jnp.sqrt(deg)
    xw_ref[...] = jnp.dot(x_ref[...], w_ref[...],
                          preferred_element_type=jnp.float32)


def _mid_call(dpa, dpb, x_p, w_p):
    return pl.pallas_call(
        _mid_body,
        out_shape=(
            jax.ShapeDtypeStruct((NPAD // 128, 128), jnp.float32),
            jax.ShapeDtypeStruct((NPAD, 128), jnp.float32),
        ),
    )(dpa, dpb, x_p, w_p)


@functools.partial(
    pl.kernel,
    mesh=_sc_mesh,
    compiler_params=_sc_params,
    out_type=(
        jax.ShapeDtypeStruct((NC, NPAD), jnp.float32),
        jax.ShapeDtypeStruct((NC, NPAD), jnp.float32),
    ),
    scratch_types=[
        pltpu.VMEM((ROWS, CW), jnp.int32),
        pltpu.VMEM((ROWS, CW), jnp.int32),
        pltpu.VMEM((ROWS, CW), jnp.float32),
        pltpu.VMEM((ROWS, CW), jnp.float32),
        pltpu.VMEM((ROWS, CW), jnp.float32),
        pltpu.VMEM((NPAD,), jnp.float32),
        pltpu.VMEM((NPAD,), jnp.float32),
        pltpu.VMEM((NPAD,), jnp.float32),
        pltpu.VMEM((SLICE,), jnp.float32),
        pltpu.VMEM_SHARED((NPAD,), jnp.float32),
        pltpu.VMEM_SHARED((NPAD,), jnp.float32),
        pltpu.SemaphoreType.DMA,
    ],
)
def _msg_kernel(row_hbm, col_hbm, w_hbm, dis_hbm, xw0_hbm, xw1_hbm,
                op0_hbm, op1_hbm,
                row_v, col_v, w_v, m0_v, m1_v, dis_v, x0_v, x1_v, z_v,
                o0_sh, o1_sh, sem):
    c = lax.axis_index("c")
    s = lax.axis_index("s")
    wid = c * NS + s
    stage = [
        pltpu.async_copy(row_hbm.at[wid], row_v, sem),
        pltpu.async_copy(col_hbm.at[wid], col_v, sem),
        pltpu.async_copy(w_hbm.at[wid], w_v, sem),
        pltpu.async_copy(dis_hbm, dis_v, sem),
        pltpu.async_copy(xw0_hbm, x0_v, sem),
        pltpu.async_copy(xw1_hbm, x1_v, sem),
    ]
    _zero_fill(z_v, SLICE)
    pltpu.sync_copy(z_v, o0_sh.at[pl.ds(s * SLICE, SLICE)])
    pltpu.sync_copy(z_v, o1_sh.at[pl.ds(s * SLICE, SLICE)])
    for d in stage:
        d.wait()
    plsc.subcore_barrier()

    def mrow(j, _):
        for k in range(CW // 16):
            sl = pl.ds(k * 16, 16)
            r = row_v[j, sl]
            cc = col_v[j, sl]
            wv = w_v[j, sl]
            dr = plsc.load_gather(dis_v, [r])
            dc = plsc.load_gather(dis_v, [cc])
            a0 = plsc.load_gather(x0_v, [r])
            a1 = plsc.load_gather(x1_v, [r])
            nrm = dr * wv * dc
            m0_v[j, sl] = a0 * nrm
            m1_v[j, sl] = a1 * nrm
        return 0
    lax.fori_loop(0, ROWS, mrow, 0)

    def sgrp(g, _):
        ds = []
        for jj in range(5):
            j = g * 5 + jj
            ds.append(pltpu.async_copy(
                m0_v.at[j], o0_sh.at[col_v.at[j]], sem, add=True))
            ds.append(pltpu.async_copy(
                m1_v.at[j], o1_sh.at[col_v.at[j]], sem, add=True))
        for d in ds:
            d.wait()
        return 0
    lax.fori_loop(0, ROWS // 5, sgrp, 0)
    plsc.subcore_barrier()
    d1 = pltpu.async_copy(o0_sh.at[pl.ds(s * SLICE, SLICE)],
                          op0_hbm.at[c, pl.ds(s * SLICE, SLICE)], sem)
    d2 = pltpu.async_copy(o1_sh.at[pl.ds(s * SLICE, SLICE)],
                          op1_hbm.at[c, pl.ds(s * SLICE, SLICE)], sem)
    d1.wait()
    d2.wait()


def _elem_body(pa0, pb0, pa1, pb1, xw0, xw1, dis, p_ref, b_ref,
               s_ref, q0_ref, q1_ref):
    d = dis[...]
    dis2 = d * d
    o0 = jnp.maximum(pa0[...] + pb0[...] + xw0[...] * dis2 + b_ref[0], 0.0)
    o1 = jnp.maximum(pa1[...] + pb1[...] + xw1[...] * dis2 + b_ref[1], 0.0)
    pnorm = jnp.sqrt(p_ref[0] * p_ref[0] + p_ref[1] * p_ref[1])
    score = (o0 * p_ref[0] + o1 * p_ref[1]) / pnorm
    sv = jnp.tanh(score)
    shape = s_ref.shape
    ii = (lax.broadcasted_iota(jnp.int32, shape, 0) * shape[1]
          + lax.broadcasted_iota(jnp.int32, shape, 1))
    valid = ii < N
    sv = jnp.where(valid, sv, -2.0)
    s_ref[...] = sv
    q0_ref[...] = jnp.where(valid, o0 * sv, 0.0)
    q1_ref[...] = jnp.where(valid, o1 * sv, 0.0)


def _elem_call(pa0, pb0, pa1, pb1, xw0, xw1, dis, p, b):
    shp = (NPAD // 128, 128)
    return pl.pallas_call(
        _elem_body,
        in_specs=[pl.BlockSpec(shp, lambda: (0, 0))] * 7
        + [pl.BlockSpec(memory_space=pltpu.SMEM)] * 2,
        out_specs=[pl.BlockSpec(shp, lambda: (0, 0))] * 3,
        out_shape=(jax.ShapeDtypeStruct(shp, jnp.float32),) * 3,
    )(pa0, pb0, pa1, pb1, xw0, xw1, dis, p, b)


_IB = 256
_JB = 2048


def _rank_body(srow_ref, scol_ref, rank_ref):
    i = pl.program_id(0)
    j = pl.program_id(1)
    a = srow_ref[...]
    c = scol_ref[...]
    diag = i // (_JB // _IB)

    @pl.when(j == 0)
    def _():
        rank_ref[...] = jnp.zeros((1, _IB), jnp.float32)

    @pl.when(j < diag)
    def _():
        cnt = jnp.sum(jnp.where(c >= a, 1.0, 0.0), axis=0, keepdims=True)
        rank_ref[...] += cnt

    @pl.when(j > diag)
    def _():
        cnt = jnp.sum(jnp.where(c > a, 1.0, 0.0), axis=0, keepdims=True)
        rank_ref[...] += cnt

    @pl.when(j == diag)
    def _():
        jj = j * _JB + lax.broadcasted_iota(jnp.int32, (_JB, _IB), 0)
        ii = i * _IB + lax.broadcasted_iota(jnp.int32, (_JB, _IB), 1)
        hit = jnp.logical_or(c > a, jnp.logical_and(c == a, jj < ii))
        rank_ref[...] += jnp.sum(jnp.where(hit, 1.0, 0.0),
                                 axis=0, keepdims=True)


def _rank_call(s_row, s_col):
    return pl.pallas_call(
        _rank_body,
        grid=(NPAD // _IB, NPAD // _JB),
        in_specs=[
            pl.BlockSpec((1, _IB), lambda i, j: (0, i)),
            pl.BlockSpec((_JB, 1), lambda i, j: (j, 0)),
        ],
        out_specs=pl.BlockSpec((1, _IB), lambda i, j: (0, i)),
        out_shape=jax.ShapeDtypeStruct((1, NPAD), jnp.float32),
    )(s_row, s_col)


@functools.partial(
    pl.kernel,
    mesh=_sc_mesh,
    compiler_params=_sc_params,
    out_type=(
        jax.ShapeDtypeStruct((NPAD,), jnp.float32),
        jax.ShapeDtypeStruct((NPAD,), jnp.float32),
    ),
    scratch_types=[
        pltpu.VMEM((PR, CW), jnp.int32),
        pltpu.VMEM((PR, CW), jnp.float32),
        pltpu.VMEM((PR, CW), jnp.float32),
        pltpu.SemaphoreType.DMA,
    ],
)
def _scat_kernel(rank_hbm, q0_hbm, q1_hbm, p0_hbm, p1_hbm,
                 rank_v, q0_v, q1_v, sem):
    c = lax.axis_index("c")
    s = lax.axis_index("s")
    wid = c * NS + s
    stage = [
        pltpu.async_copy(rank_hbm.at[wid], rank_v, sem),
        pltpu.async_copy(q0_hbm.at[wid], q0_v, sem),
        pltpu.async_copy(q1_hbm.at[wid], q1_v, sem),
    ]
    for d in stage:
        d.wait()
    ds = []
    for j in range(PR):
        ds.append(pltpu.async_copy(q0_v.at[j], p0_hbm.at[rank_v.at[j]], sem))
        ds.append(pltpu.async_copy(q1_v.at[j], p1_hbm.at[rank_v.at[j]], sem))
    for d in ds:
        d.wait()


def kernel(x, edge_list, edge_attr, W, b, p):
    row3 = edge_list[0].reshape(NW, ROWS, CW)
    col3 = edge_list[1].reshape(NW, ROWS, CW)
    w3 = edge_attr.reshape(NW, ROWS, CW)

    degp = _deg_kernel(col3, w3)

    x_p = jnp.pad(x, ((0, NPAD - N), (0, 0)))
    w_p = jnp.pad(W, ((0, 0), (0, 128 - W.shape[1])))
    shp = (NPAD // 128, 128)
    dis2d, xw = _mid_call(degp[0].reshape(shp), degp[1].reshape(shp),
                          x_p, w_p)
    dis = dis2d.reshape(NPAD)
    xw0 = xw[:, 0]
    xw1 = xw[:, 1]

    op0, op1 = _msg_kernel(row3, col3, w3, dis, xw0, xw1)

    s2d, q0, q1 = _elem_call(
        op0[0].reshape(shp), op0[1].reshape(shp),
        op1[0].reshape(shp), op1[1].reshape(shp),
        xw0.reshape(shp), xw1.reshape(shp), dis2d, p, b)

    s_flat = s2d.reshape(NPAD)
    rank_f = _rank_call(s_flat.reshape(1, NPAD), s_flat.reshape(NPAD, 1))
    rank = rank_f.reshape(NPAD).astype(jnp.int32)

    p0v, p1v = _scat_kernel(rank.reshape(NW, PR, CW),
                            q0.reshape(NPAD).reshape(NW, PR, CW),
                            q1.reshape(NPAD).reshape(NW, PR, CW))
    return jnp.stack([p0v[:N], p1v[:N]], axis=1)

# --- scband reference (transcript-rebuilt; emitter-appended) ---
"""Pipeline reference for scband-graph-embedder-54228257080067 (READ-ONLY COPY).

The authoritative reference and input builder live on the scoring server;
editing this copy changes nothing except your own understanding.
"""

import jax, jax.numpy as jnp
import numpy as np

N = 10000
E = 320000
D_FEAT = 128
DIM = 2


def setup_inputs(seed: int = 0) -> dict:
    key = jax.random.key(seed)
    k1, k2, k3, k4, k5 = jax.random.split(key, 5)
    x = jax.random.normal(k1, (N, D_FEAT), dtype=jnp.float32)
    edge_list = jax.random.randint(k2, (2, E), 0, N, dtype=jnp.int32)
    edge_attr = jax.random.uniform(k3, (E,), dtype=jnp.float32)
    # GCNConv linear weight (xavier-ish) and bias
    limit = float(np.sqrt(6.0 / (D_FEAT + DIM)))
    W = jax.random.uniform(k4, (D_FEAT, DIM), dtype=jnp.float32, minval=-limit, maxval=limit)
    b = jnp.zeros((DIM,), dtype=jnp.float32)
    # TopKPooling projection vector
    p = jax.random.normal(k5, (DIM,), dtype=jnp.float32)
    return {"x": x, "edge_list": edge_list, "edge_attr": edge_attr, "W": W, "b": b, "p": p}


def reference(x, edge_list, edge_attr, W, b, p):
    # ---- GCNConv with edge weights (PyG semantics, add_self_loops=True) ----
    row = edge_list[0]
    col = edge_list[1]
    loop = jnp.arange(N, dtype=edge_list.dtype)
    row_f = jnp.concatenate([row, loop])
    col_f = jnp.concatenate([col, loop])
    w_f = jnp.concatenate([edge_attr, jnp.ones((N,), dtype=x.dtype)])
    # symmetric normalization: deg computed at target (col)
    deg = jax.ops.segment_sum(w_f, col_f, num_segments=N)
    deg_inv_sqrt = jnp.where(deg > 0, 1.0 / jnp.sqrt(deg), 0.0)
    norm = deg_inv_sqrt[row_f] * w_f * deg_inv_sqrt[col_f]
    xw = x @ W
    msg = xw[row_f] * norm[:, None]
    out = jax.ops.segment_sum(msg, col_f, num_segments=N) + b
    # ---- ReLU ----
    out = jax.nn.relu(out)
    # ---- TopKPooling with k = num_nodes (selects/sorts all nodes) ----
    score = out @ p / jnp.linalg.norm(p)
    score = jnp.tanh(score)
    vals, perm = jax.lax.top_k(score, N)
    pooled = out[perm] * vals[:, None]
    return pooled

if __name__ == "__main__":
    import jax
    _d = setup_inputs()
    print(jax.jit(kernel)(*tuple(_d.values())))

</pallas_src>

<mosaic_0001>
#map = affine_map<(d0, d1) -> (0, 0, 0)>
#map1 = affine_map<(d0, d1) -> (0)>
#map2 = affine_map<(d0, d1) -> (0, 0)>
module attributes {stable_mosaic.version = 14 : i64} {
  func.func @_msg_kernel(%arg0: i32, %arg1: i32, %arg2: memref<32x125x80xi32, #tpu.memory_space<hbm>>, %arg3: memref<32x125x80xi32, #tpu.memory_space<hbm>>, %arg4: memref<32x125x80xf32, #tpu.memory_space<hbm>>, %arg5: memref<10240xf32, #tpu.memory_space<hbm>>, %arg6: memref<10240xf32, #tpu.memory_space<hbm>>, %arg7: memref<10240xf32, #tpu.memory_space<hbm>>, %arg8: memref<2x10240xf32, #tpu.memory_space<hbm>>, %arg9: memref<2x10240xf32, #tpu.memory_space<hbm>>, %arg10: memref<125x80xi32, #tpu.memory_space<vmem>>, %arg11: memref<125x80xi32, #tpu.memory_space<vmem>>, %arg12: memref<125x80xf32, #tpu.memory_space<vmem>>, %arg13: memref<125x80xf32, #tpu.memory_space<vmem>>, %arg14: memref<125x80xf32, #tpu.memory_space<vmem>>, %arg15: memref<10240xf32, #tpu.memory_space<vmem>>, %arg16: memref<10240xf32, #tpu.memory_space<vmem>>, %arg17: memref<10240xf32, #tpu.memory_space<vmem>>, %arg18: memref<640xf32, #tpu.memory_space<vmem>>, %arg19: memref<10240xf32, #tpu.memory_space<vmem_shared>>, %arg20: memref<10240xf32, #tpu.memory_space<vmem_shared>>, %arg21: memref<!tpu.dma_semaphore, #tpu.memory_space<semaphore_mem>>) attributes {dimension_semantics = [#tpu.dimension_semantics<core_parallel>, #tpu.dimension_semantics<subcore_parallel>], iteration_bounds = array<i64: 2, 16>, scalar_prefetch = 0 : i64, scratch_operands = 12 : i64, tpu.core_type = #tpu.core_type<sc_vector_subcore>, window_params = [{transform_indices = #map}, {transform_indices = #map}, {transform_indices = #map}, {transform_indices = #map1}, {transform_indices = #map1}, {transform_indices = #map1}, {transform_indices = #map2}, {transform_indices = #map2}]} {
    %mul3A = arith.constant 16 : i32
    %mul3A_0 = arith.muli %arg0, %mul3A : i32
    %add3A = arith.addi %mul3A_0, %arg1 : i32
    %dma_start3A = arith.constant 0 : i32
    %dma_start3A_1 = arith.constant 0 : i32
    %dma_start3A_2 = tpu.memref_slice %arg2[%add3A, %dma_start3A, %dma_start3A_1] : memref<32x125x80xi32, #tpu.memory_space<hbm>> -> memref<1x125x80xi32, #tpu.memory_space<hbm>>
    %dma_start3A_3 = tpu.memref_squeeze %dma_start3A_2 : memref<1x125x80xi32, #tpu.memory_space<hbm>> -> memref<125x80xi32, #tpu.memory_space<hbm>>
    %dma_start3A_4 = arith.constant 0 : i32
    %dma_start3A_5 = arith.constant 0 : i32
    %dma_start3A_6 = tpu.memref_slice %arg2[%add3A, %dma_start3A_4, %dma_start3A_5] : memref<32x125x80xi32, #tpu.memory_space<hbm>> -> memref<1x125x80xi32, #tpu.memory_space<hbm>>
    %dma_start3A_7 = tpu.memref_squeeze %dma_start3A_6 : memref<1x125x80xi32, #tpu.memory_space<hbm>> -> memref<125x80xi32, #tpu.memory_space<hbm>>
    tpu.enqueue_dma source(%dma_start3A_7 : memref<125x80xi32, #tpu.memory_space<hbm>>) target(%arg10 : memref<125x80xi32, #tpu.memory_space<vmem>>) target_semaphore(%arg21 : memref<!tpu.dma_semaphore, #tpu.memory_space<semaphore_mem>>)
    %dma_start3A_8 = arith.constant 0 : i32
    %dma_start3A_9 = arith.constant 0 : i32
    %dma_start3A_10 = tpu.memref_slice %arg3[%add3A, %dma_start3A_8, %dma_start3A_9] : memref<32x125x80xi32, #tpu.memory_space<hbm>> -> memref<1x125x80xi32, #tpu.memory_space<hbm>>
    %dma_start3A_11 = tpu.memref_squeeze %dma_start3A_10 : memref<1x125x80xi32, #tpu.memory_space<hbm>> -> memref<125x80xi32, #tpu.memory_space<hbm>>
    %dma_start3A_12 = arith.constant 0 : i32
    %dma_start3A_13 = arith.constant 0 : i32
    %dma_start3A_14 = tpu.memref_slice %arg3[%add3A, %dma_start3A_12, %dma_start3A_13] : memref<32x125x80xi32, #tpu.memory_space<hbm>> -> memref<1x125x80xi32, #tpu.memory_space<hbm>>
    %dma_start3A_15 = tpu.memref_squeeze %dma_start3A_14 : memref<1x125x80xi32, #tpu.memory_space<hbm>> -> memref<125x80xi32, #tpu.memory_space<hbm>>
    tpu.enqueue_dma source(%dma_start3A_15 : memref<125x80xi32, #tpu.memory_space<hbm>>) target(%arg11 : memref<125x80xi32, #tpu.memory_space<vmem>>) target_semaphore(%arg21 : memref<!tpu.dma_semaphore, #tpu.memory_space<semaphore_mem>>)
    %dma_start3A_16 = arith.constant 0 : i32
    %dma_start3A_17 = arith.constant 0 : i32
    %dma_start3A_18 = tpu.memref_slice %arg4[%add3A, %dma_start3A_16, %dma_start3A_17] : memref<32x125x80xf32, #tpu.memory_space<hbm>> -> memref<1x125x80xf32, #tpu.memory_space<hbm>>
    %dma_start3A_19 = tpu.memref_squeeze %dma_start3A_18 : memref<1x125x80xf32, #tpu.memory_space<hbm>> -> memref<125x80xf32, #tpu.memory_space<hbm>>
    %dma_start3A_20 = arith.constant 0 : i32
    %dma_start3A_21 = arith.constant 0 : i32
    %dma_start3A_22 = tpu.memref_slice %arg4[%add3A, %dma_start3A_20, %dma_start3A_21] : memref<32x125x80xf32, #tpu.memory_space<hbm>> -> memref<1x125x80xf32, #tpu.memory_space<hbm>>
    %dma_start3A_23 = tpu.memref_squeeze %dma_start3A_22 : memref<1x125x80xf32, #tpu.memory_space<hbm>> -> memref<125x80xf32, #tpu.memory_space<hbm>>
    tpu.enqueue_dma source(%dma_start3A_23 : memref<125x80xf32, #tpu.memory_space<hbm>>) target(%arg12 : memref<125x80xf32, #tpu.memory_space<vmem>>) target_semaphore(%arg21 : memref<!tpu.dma_semaphore, #tpu.memory_space<semaphore_mem>>)
    tpu.enqueue_dma source(%arg5 : memref<10240xf32, #tpu.memory_space<hbm>>) target(%arg15 : memref<10240xf32, #tpu.memory_space<vmem>>) target_semaphore(%arg21 : memref<!tpu.dma_semaphore, #tpu.memory_space<semaphore_mem>>)
    tpu.enqueue_dma source(%arg6 : memref<10240xf32, #tpu.memory_space<hbm>>) target(%arg16 : memref<10240xf32, #tpu.memory_space<vmem>>) target_semaphore(%arg21 : memref<!tpu.dma_semaphore, #tpu.memory_space<semaphore_mem>>)
    tpu.enqueue_dma source(%arg7 : memref<10240xf32, #tpu.memory_space<hbm>>) target(%arg17 : memref<10240xf32, #tpu.memory_space<vmem>>) target_semaphore(%arg21 : memref<!tpu.dma_semaphore, #tpu.memory_space<semaphore_mem>>)
    %scan3A = arith.constant 0 : i32
    %scan3A_24 = arith.constant 0 : i32
    %scan3A_25 = arith.constant 40 : i32
    %scan3A_26 = arith.addi %scan3A_24, %scan3A_25 : i32
    %scan3A_27 = arith.constant 1 : i32
    %scan3A_28 = scf.for %scan3A_92 = %scan3A_24 to %scan3A_26 step %scan3A_27 iter_args(%scan3A_93 = %scan3A) -> (i32)  : i32 {
      %broadcast_in_dim3A = arith.constant 0.000000e+00 : f32
      %broadcast_in_dim3A_94 = vector.broadcast %broadcast_in_dim3A : f32 to vector<16xf32>
      %mul3A_95 = arith.constant 16 : i32
      %mul3A_96 = arith.muli %scan3A_92, %mul3A_95 : i32
      %swap3A = arith.index_cast %mul3A_96 : i32 to index
      %swap3A_97 = tpu.vector_load %arg18[%swap3A] {strides = array<i32>} : memref<640xf32, #tpu.memory_space<vmem>>, vector<16xf32>,
      tpu.vector_store %arg18[%swap3A], %broadcast_in_dim3A_94 {strides = array<i32>} : memref<640xf32, #tpu.memory_space<vmem>>, vector<16xf32>,
      %scan3A_98 = arith.constant 0 : i32
      scf.yield %scan3A_98 : i32
    }
    %scan3A_29 = arith.constant 40 : i32
    %mul3A_30 = arith.constant 640 : i32
    %mul3A_31 = arith.muli %arg1, %mul3A_30 : i32
    "tpu.region"() ({
      %run_scoped3A = tpu.sem_alloc : memref<!tpu.dma_semaphore, #tpu.memory_space<semaphore_mem>>
      %dma_start3A_92 = tpu.memref_slice %arg19[%mul3A_31] : memref<10240xf32, #tpu.memory_space<vmem_shared>> -> memref<640xf32, #tpu.memory_space<vmem_shared>>
      %dma_start3A_93 = tpu.memref_slice %arg19[%mul3A_31] : memref<10240xf32, #tpu.memory_space<vmem_shared>> -> memref<640xf32, #tpu.memory_space<vmem_shared>>
      tpu.enqueue_dma source(%arg18 : memref<640xf32, #tpu.memory_space<vmem>>) target(%dma_start3A_93 : memref<640xf32, #tpu.memory_space<vmem_shared>>) target_semaphore(%run_scoped3A : memref<!tpu.dma_semaphore, #tpu.memory_space<semaphore_mem>>)
      %dma_wait3A_94 = tpu.memref_slice %arg19[%mul3A_31] : memref<10240xf32, #tpu.memory_space<vmem_shared>> -> memref<640xf32, #tpu.memory_space<vmem_shared>>
      %dma_wait3A_95 = tpu.memref_slice %arg19[%mul3A_31] : memref<10240xf32, #tpu.memory_space<vmem_shared>> -> memref<640xf32, #tpu.memory_space<vmem_shared>>
      tpu.wait_dma2 semaphore(%run_scoped3A : memref<!tpu.dma_semaphore, #tpu.memory_space<semaphore_mem>>) src(%arg18 : memref<640xf32, #tpu.memory_space<vmem>>) dst(%dma_wait3A_95 : memref<640xf32, #tpu.memory_space<vmem_shared>>)
      tpu.yield
    }) : () -> ()
    %mul3A_32 = arith.constant 640 : i32
    %mul3A_33 = arith.muli %arg1, %mul3A_32 : i32
    "tpu.region"() ({
      %run_scoped3A = tpu.sem_alloc : memref<!tpu.dma_semaphore, #tpu.memory_space<semaphore_mem>>
      %dma_start3A_92 = tpu.memref_slice %arg20[%mul3A_33] : memref<10240xf32, #tpu.memory_space<vmem_shared>> -> memref<640xf32, #tpu.memory_space<vmem_shared>>
      %dma_start3A_93 = tpu.memref_slice %arg20[%mul3A_33] : memref<10240xf32, #tpu.memory_space<vmem_shared>> -> memref<640xf32, #tpu.memory_space<vmem_shared>>
      tpu.enqueue_dma source(%arg18 : memref<640xf32, #tpu.memory_space<vmem>>) target(%dma_start3A_93 : memref<640xf32, #tpu.memory_space<vmem_shared>>) target_semaphore(%run_scoped3A : memref<!tpu.dma_semaphore, #tpu.memory_space<semaphore_mem>>)
      %dma_wait3A_94 = tpu.memref_slice %arg20[%mul3A_33] : memref<10240xf32, #tpu.memory_space<vmem_shared>> -> memref<640xf32, #tpu.memory_space<vmem_shared>>
      %dma_wait3A_95 = tpu.memref_slice %arg20[%mul3A_33] : memref<10240xf32, #tpu.memory_space<vmem_shared>> -> memref<640xf32, #tpu.memory_space<vmem_shared>>
      tpu.wait_dma2 semaphore(%run_scoped3A : memref<!tpu.dma_semaphore, #tpu.memory_space<semaphore_mem>>) src(%arg18 : memref<640xf32, #tpu.memory_space<vmem>>) dst(%dma_wait3A_95 : memref<640xf32, #tpu.memory_space<vmem_shared>>)
      tpu.yield
    }) : () -> ()
    %dma_wait3A = arith.constant 0 : i32
    %dma_wait3A_34 = arith.constant 0 : i32
    %dma_wait3A_35 = tpu.memref_slice %arg2[%add3A, %dma_wait3A, %dma_wait3A_34] : memref<32x125x80xi32, #tpu.memory_space<hbm>> -> memref<1x125x80xi32, #tpu.memory_space<hbm>>
    %dma_wait3A_36 = tpu.memref_squeeze %dma_wait3A_35 : memref<1x125x80xi32, #tpu.memory_space<hbm>> -> memref<125x80xi32, #tpu.memory_space<hbm>>
    %dma_wait3A_37 = arith.constant 0 : i32
    %dma_wait3A_38 = arith.constant 0 : i32
    %dma_wait3A_39 = tpu.memref_slice %arg2[%add3A, %dma_wait3A_37, %dma_wait3A_38] : memref<32x125x80xi32, #tpu.memory_space<hbm>> -> memref<1x125x80xi32, #tpu.memory_space<hbm>>
    %dma_wait3A_40 = tpu.memref_squeeze %dma_wait3A_39 : memref<1x125x80xi32, #tpu.memory_space<hbm>> -> memref<125x80xi32, #tpu.memory_space<hbm>>
    tpu.wait_dma2 semaphore(%arg21 : memref<!tpu.dma_semaphore, #tpu.memory_space<semaphore_mem>>) src(%dma_wait3A_40 : memref<125x80xi32, #tpu.memory_space<hbm>>) dst(%arg10 : memref<125x80xi32, #tpu.memory_space<vmem>>)
    %dma_wait3A_41 = arith.constant 0 : i32
    %dma_wait3A_42 = arith.constant 0 : i32
    %dma_wait3A_43 = tpu.memref_slice %arg3[%add3A, %dma_wait3A_41, %dma_wait3A_42] : memref<32x125x80xi32, #tpu.memory_space<hbm>> -> memref<1x125x80xi32, #tpu.memory_space<hbm>>
    %dma_wait3A_44 = tpu.memref_squeeze %dma_wait3A_43 : memref<1x125x80xi32, #tpu.memory_space<hbm>> -> memref<125x80xi32, #tpu.memory_space<hbm>>
    %dma_wait3A_45 = arith.constant 0 : i32
    %dma_wait3A_46 = arith.constant 0 : i32
    %dma_wait3A_47 = tpu.memref_slice %arg3[%add3A, %dma_wait3A_45, %dma_wait3A_46] : memref<32x125x80xi32, #tpu.memory_space<hbm>> -> memref<1x125x80xi32, #tpu.memory_space<hbm>>
    %dma_wait3A_48 = tpu.memref_squeeze %dma_wait3A_47 : memref<1x125x80xi32, #tpu.memory_space<hbm>> -> memref<125x80xi32, #tpu.memory_space<hbm>>
    tpu.wait_dma2 semaphore(%arg21 : memref<!tpu.dma_semaphore, #tpu.memory_space<semaphore_mem>>) src(%dma_wait3A_48 : memref<125x80xi32, #tpu.memory_space<hbm>>) dst(%arg11 : memref<125x80xi32, #tpu.memory_space<vmem>>)
    %dma_wait3A_49 = arith.constant 0 : i32
    %dma_wait3A_50 = arith.constant 0 : i32
    %dma_wait3A_51 = tpu.memref_slice %arg4[%add3A, %dma_wait3A_49, %dma_wait3A_50] : memref<32x125x80xf32, #tpu.memory_space<hbm>> -> memref<1x125x80xf32, #tpu.memory_space<hbm>>
    %dma_wait3A_52 = tpu.memref_squeeze %dma_wait3A_51 : memref<1x125x80xf32, #tpu.memory_space<hbm>> -> memref<125x80xf32, #tpu.memory_space<hbm>>
    %dma_wait3A_53 = arith.constant 0 : i32
    %dma_wait3A_54 = arith.constant 0 : i32
    %dma_wait3A_55 = tpu.memref_slice %arg4[%add3A, %dma_wait3A_53, %dma_wait3A_54] : memref<32x125x80xf32, #tpu.memory_space<hbm>> -> memref<1x125x80xf32, #tpu.memory_space<hbm>>
    %dma_wait3A_56 = tpu.memref_squeeze %dma_wait3A_55 : memref<1x125x80xf32, #tpu.memory_space<hbm>> -> memref<125x80xf32, #tpu.memory_space<hbm>>
    tpu.wait_dma2 semaphore(%arg21 : memref<!tpu.dma_semaphore, #tpu.memory_space<semaphore_mem>>) src(%dma_wait3A_56 : memref<125x80xf32, #tpu.memory_space<hbm>>) dst(%arg12 : memref<125x80xf32, #tpu.memory_space<vmem>>)
    tpu.wait_dma2 semaphore(%arg21 : memref<!tpu.dma_semaphore, #tpu.memory_space<semaphore_mem>>) src(%arg5 : memref<10240xf32, #tpu.memory_space<hbm>>) dst(%arg15 : memref<10240xf32, #tpu.memory_space<vmem>>)
    tpu.wait_dma2 semaphore(%arg21 : memref<!tpu.dma_semaphore, #tpu.memory_space<semaphore_mem>>) src(%arg6 : memref<10240xf32, #tpu.memory_space<hbm>>) dst(%arg16 : memref<10240xf32, #tpu.memory_space<vmem>>)
    tpu.wait_dma2 semaphore(%arg21 : memref<!tpu.dma_semaphore, #tpu.memory_space<semaphore_mem>>) src(%arg7 : memref<10240xf32, #tpu.memory_space<hbm>>) dst(%arg17 : memref<10240xf32, #tpu.memory_space<vmem>>)
    %barrier3A = arith.constant 0 : index
    tpu.barrier barrier_id(%barrier3A)
    %scan3A_57 = arith.constant 0 : i32
    %scan3A_58 = arith.constant 0 : i32
    %scan3A_59 = arith.constant 125 : i32
    %scan3A_60 = arith.addi %scan3A_58, %scan3A_59 : i32
    %scan3A_61 = arith.constant 1 : i32
    %scan3A_62 = scf.for %scan3A_92 = %scan3A_58 to %scan3A_60 step %scan3A_61 iter_args(%scan3A_93 = %scan3A_57) -> (i32)  : i32 {
      %get3A = arith.index_cast %scan3A_92 : i32 to index
      %get3A_94 = arith.constant 0 : index
      %get3A_95 = tpu.vector_load %arg10[%get3A, %get3A_94] {strides = array<i32>} : memref<125x80xi32, #tpu.memory_space<vmem>>, vector<16xi32>,
      %get3A_96 = arith.index_cast %scan3A_92 : i32 to index
      %get3A_97 = arith.constant 0 : index
      %get3A_98 = tpu.vector_load %arg11[%get3A_96, %get3A_97] {strides = array<i32>} : memref<125x80xi32, #tpu.memory_space<vmem>>, vector<16xi32>,
      %get3A_99 = arith.index_cast %scan3A_92 : i32 to index
      %get3A_100 = arith.constant 0 : index
      %get3A_101 = tpu.vector_load %arg12[%get3A_99, %get3A_100] {strides = array<i32>} : memref<125x80xf32, #tpu.memory_space<vmem>>, vector<16xf32>,
      %gather3A = tpu.vector_load_idx %arg15[%get3A_95] : memref<10240xf32, #tpu.memory_space<vmem>>[vector<16xi32>], vector<16xf32>,
      %gather3A_102 = tpu.vector_load_idx %arg15[%get3A_98] : memref<10240xf32, #tpu.memory_space<vmem>>[vector<16xi32>], vector<16xf32>,
      %gather3A_103 = tpu.vector_load_idx %arg16[%get3A_95] : memref<10240xf32, #tpu.memory_space<vmem>>[vector<16xi32>], vector<16xf32>,
      %gather3A_104 = tpu.vector_load_idx %arg17[%get3A_95] : memref<10240xf32, #tpu.memory_space<vmem>>[vector<16xi32>], vector<16xf32>,
      %mul3A_105 = arith.mulf %gather3A, %get3A_101 : vector<16xf32>
      %mul3A_106 = arith.mulf %mul3A_105, %gather3A_102 : vector<16xf32>
      %mul3A_107 = arith.mulf %gather3A_103, %mul3A_106 : vector<16xf32>
      %swap3A = arith.index_cast %scan3A_92 : i32 to index
      %swap3A_108 = arith.constant 0 : index
      %swap3A_109 = tpu.vector_load %arg13[%swap3A, %swap3A_108] {strides = array<i32>} : memref<125x80xf32, #tpu.memory_space<vmem>>, vector<16xf32>,
      tpu.vector_store %arg13[%swap3A, %swap3A_108], %mul3A_107 {strides = array<i32>} : memref<125x80xf32, #tpu.memory_space<vmem>>, vector<16xf32>,
      %mul3A_110 = arith.mulf %gather3A_104, %mul3A_106 : vector<16xf32>
      %swap3A_111 = arith.index_cast %scan3A_92 : i32 to index
      %swap3A_112 = arith.constant 0 : index
      %swap3A_113 = tpu.vector_load %arg14[%swap3A_111, %swap3A_112] {strides = array<i32>} : memref<125x80xf32, #tpu.memory_space<vmem>>, vector<16xf32>,
      tpu.vector_store %arg14[%swap3A_111, %swap3A_112], %mul3A_110 {strides = array<i32>} : memref<125x80xf32, #tpu.memory_space<vmem>>, vector<16xf32>,
      %get3A_114 = arith.index_cast %scan3A_92 : i32 to index
      %get3A_115 = arith.constant 16 : index
      %get3A_116 = tpu.vector_load %arg10[%get3A_114, %get3A_115] {strides = array<i32>} : memref<125x80xi32, #tpu.memory_space<vmem>>, vector<16xi32>,
      %get3A_117 = arith.index_cast %scan3A_92 : i32 to index
      %get3A_118 = arith.constant 16 : index
      %get3A_119 = tpu.vector_load %arg11[%get3A_117, %get3A_118] {strides = array<i32>} : memref<125x80xi32, #tpu.memory_space<vmem>>, vector<16xi32>,
      %get3A_120 = arith.index_cast %scan3A_92 : i32 to index
      %get3A_121 = arith.constant 16 : index
      %get3A_122 = tpu.vector_load %arg12[%get3A_120, %get3A_121] {strides = array<i32>} : memref<125x80xf32, #tpu.memory_space<vmem>>, vector<16xf32>,
      %gather3A_123 = tpu.vector_load_idx %arg15[%get3A_116] : memref<10240xf32, #tpu.memory_space<vmem>>[vector<16xi32>], vector<16xf32>,
      %gather3A_124 = tpu.vector_load_idx %arg15[%get3A_119] : memref<10240xf32, #tpu.memory_space<vmem>>[vector<16xi32>], vector<16xf32>,
      %gather3A_125 = tpu.vector_load_idx %arg16[%get3A_116] : memref<10240xf32, #tpu.memory_space<vmem>>[vector<16xi32>], vector<16xf32>,
      %gather3A_126 = tpu.vector_load_idx %arg17[%get3A_116] : memref<10240xf32, #tpu.memory_space<vmem>>[vector<16xi32>], vector<16xf32>,
      %mul3A_127 = arith.mulf %gather3A_123, %get3A_122 : vector<16xf32>
      %mul3A_128 = arith.mulf %mul3A_127, %gather3A_124 : vector<16xf32>
      %mul3A_129 = arith.mulf %gather3A_125, %mul3A_128 : vector<16xf32>
      %swap3A_130 = arith.index_cast %scan3A_92 : i32 to index
      %swap3A_131 = arith.constant 16 : index
      %swap3A_132 = tpu.vector_load %arg13[%swap3A_130, %swap3A_131] {strides = array<i32>} : memref<125x80xf32, #tpu.memory_space<vmem>>, vector<16xf32>,
      tpu.vector_store %arg13[%swap3A_130, %swap3A_131], %mul3A_129 {strides = array<i32>} : memref<125x80xf32, #tpu.memory_space<vmem>>, vector<16xf32>,
      %mul3A_133 = arith.mulf %gather3A_126, %mul3A_128 : vector<16xf32>
      %swap3A_134 = arith.index_cast %scan3A_92 : i32 to index
      %swap3A_135 = arith.constant 16 : index
      %swap3A_136 = tpu.vector_load %arg14[%swap3A_134, %swap3A_135] {strides = array<i32>} : memref<125x80xf32, #tpu.memory_space<vmem>>, vector<16xf32>,
      tpu.vector_store %arg14[%swap3A_134, %swap3A_135], %mul3A_133 {strides = array<i32>} : memref<125x80xf32, #tpu.memory_space<vmem>>, vector<16xf32>,
      %get3A_137 = arith.index_cast %scan3A_92 : i32 to index
      %get3A_138 = arith.constant 32 : index
      %get3A_139 = tpu.vector_load %arg10[%get3A_137, %get3A_138] {strides = array<i32>} : memref<125x80xi32, #tpu.memory_space<vmem>>, vector<16xi32>,
      %get3A_140 = arith.index_cast %scan3A_92 : i32 to index
      %get3A_141 = arith.constant 32 : index
      %get3A_142 = tpu.vector_load %arg11[%get3A_140, %get3A_141] {strides = array<i32>} : memref<125x80xi32, #tpu.memory_space<vmem>>, vector<16xi32>,
      %get3A_143 = arith.index_cast %scan3A_92 : i32 to index
      %get3A_144 = arith.constant 32 : index
      %get3A_145 = tpu.vector_load %arg12[%get3A_143, %get3A_144] {strides = array<i32>} : memref<125x80xf32, #tpu.memory_space<vmem>>, vector<16xf32>,
      %gather3A_146 = tpu.vector_load_idx %arg15[%get3A_139] : memref<10240xf32, #tpu.memory_space<vmem>>[vector<16xi32>], vector<16xf32>,
      %gather3A_147 = tpu.vector_load_idx %arg15[%get3A_142] : memref<10240xf32, #tpu.memory_space<vmem>>[vector<16xi32>], vector<16xf32>,
      %gather3A_148 = tpu.vector_load_idx %arg16[%get3A_139] : memref<10240xf32, #tpu.memory_space<vmem>>[vector<16xi32>], vector<16xf32>,
      %gather3A_149 = tpu.vector_load_idx %arg17[%get3A_139] : memref<10240xf32, #tpu.memory_space<vmem>>[vector<16xi32>], vector<16xf32>,
      %mul3A_150 = arith.mulf %gather3A_146, %get3A_145 : vector<16xf32>
      %mul3A_151 = arith.mulf %mul3A_150, %gather3A_147 : vector<16xf32>
      %mul3A_152 = arith.mulf %gather3A_148, %mul3A_151 : vector<16xf32>
      %swap3A_153 = arith.index_cast %scan3A_92 : i32 to index
      %swap3A_154 = arith.constant 32 : index
      %swap3A_155 = tpu.vector_load %arg13[%swap3A_153, %swap3A_154] {strides = array<i32>} : memref<125x80xf32, #tpu.memory_space<vmem>>, vector<16xf32>,
      tpu.vector_store %arg13[%swap3A_153, %swap3A_154], %mul3A_152 {strides = array<i32>} : memref<125x80xf32, #tpu.memory_space<vmem>>, vector<16xf32>,
      %mul3A_156 = arith.mulf %gather3A_149, %mul3A_151 : vector<16xf32>
      %swap3A_157 = arith.index_cast %scan3A_92 : i32 to index
      %swap3A_158 = arith.constant 32 : index
      %swap3A_159 = tpu.vector_load %arg14[%swap3A_157, %swap3A_158] {strides = array<i32>} : memref<125x80xf32, #tpu.memory_space<vmem>>, vector<16xf32>,
      tpu.vector_store %arg14[%swap3A_157, %swap3A_158], %mul3A_156 {strides = array<i32>} : memref<125x80xf32, #tpu.memory_space<vmem>>, vector<16xf32>,
      %get3A_160 = arith.index_cast %scan3A_92 : i32 to index
      %get3A_161 = arith.constant 48 : index
      %get3A_162 = tpu.vector_load %arg10[%get3A_160, %get3A_161] {strides = array<i32>} : memref<125x80xi32, #tpu.memory_space<vmem>>, vector<16xi32>,
      %get3A_163 = arith.index_cast %scan3A_92 : i32 to index
      %get3A_164 = arith.constant 48 : index
      %get3A_165 = tpu.vector_load %arg11[%get3A_163, %get3A_164] {strides = array<i32>} : memref<125x80xi32, #tpu.memory_space<vmem>>, vector<16xi32>,
      %get3A_166 = arith.index_cast %scan3A_92 : i32 to index
      %get3A_167 = arith.constant 48 : index
      %get3A_168 = tpu.vector_load %arg12[%get3A_166, %get3A_167] {strides = array<i32>} : memref<125x80xf32, #tpu.memory_space<vmem>>, vector<16xf32>,
      %gather3A_169 = tpu.vector_load_idx %arg15[%get3A_162] : memref<10240xf32, #tpu.memory_space<vmem>>[vector<16xi32>], vector<16xf32>,
      %gather3A_170 = tpu.vector_load_idx %arg15[%get3A_165] : memref<10240xf32, #tpu.memory_space<vmem>>[vector<16xi32>], vector<16xf32>,
      %gather3A_171 = tpu.vector_load_idx %arg16[%get3A_162] : memref<10240xf32, #tpu.memory_space<vmem>>[vector<16xi32>], vector<16xf32>,
      %gather3A_172 = tpu.vector_load_idx %arg17[%get3A_162] : memref<10240xf32, #tpu.memory_space<vmem>>[vector<16xi32>], vector<16xf32>,
      %mul3A_173 = arith.mulf %gather3A_169, %get3A_168 : vector<16xf32>
      %mul3A_174 = arith.mulf %mul3A_173, %gather3A_170 : vector<16xf32>
      %mul3A_175 = arith.mulf %gather3A_171, %mul3A_174 : vector<16xf32>
      %swap3A_176 = arith.index_cast %scan3A_92 : i32 to index
      %swap3A_177 = arith.constant 48 : index
      %swap3A_178 = tpu.vector_load %arg13[%swap3A_176, %swap3A_177] {strides = array<i32>} : memref<125x80xf32, #tpu.memory_space<vmem>>, vector<16xf32>,
      tpu.vector_store %arg13[%swap3A_176, %swap3A_177], %mul3A_175 {strides = array<i32>} : memref<125x80xf32, #tpu.memory_space<vmem>>, vector<16xf32>,
      %mul3A_179 = arith.mulf %gather3A_172, %mul3A_174 : vector<16xf32>
      %swap3A_180 = arith.index_cast %scan3A_92 : i32 to index
      %swap3A_181 = arith.constant 48 : index
      %swap3A_182 = tpu.vector_load %arg14[%swap3A_180, %swap3A_181] {strides = array<i32>} : memref<125x80xf32, #tpu.memory_space<vmem>>, vector<16xf32>,
      tpu.vector_store %arg14[%swap3A_180, %swap3A_181], %mul3A_179 {strides = array<i32>} : memref<125x80xf32, #tpu.memory_space<vmem>>, vector<16xf32>,
      %get3A_183 = arith.index_cast %scan3A_92 : i32 to index
      %get3A_184 = arith.constant 64 : index
      %get3A_185 = tpu.vector_load %arg10[%get3A_183, %get3A_184] {strides = array<i32>} : memref<125x80xi32, #tpu.memory_space<vmem>>, vector<16xi32>,
      %get3A_186 = arith.index_cast %scan3A_92 : i32 to index
      %get3A_187 = arith.constant 64 : index
      %get3A_188 = tpu.vector_load %arg11[%get3A_186, %get3A_187] {strides = array<i32>} : memref<125x80xi32, #tpu.memory_space<vmem>>, vector<16xi32>,
      %get3A_189 = arith.index_cast %scan3A_92 : i32 to index
      %get3A_190 = arith.constant 64 : index
      %get3A_191 = tpu.vector_load %arg12[%get3A_189, %get3A_190] {strides = array<i32>} : memref<125x80xf32, #tpu.memory_space<vmem>>, vector<16xf32>,
      %gather3A_192 = tpu.vector_load_idx %arg15[%get3A_185] : memref<10240xf32, #tpu.memory_space<vmem>>[vector<16xi32>], vector<16xf32>,
      %gather3A_193 = tpu.vector_load_idx %arg15[%get3A_188] : memref<10240xf32, #tpu.memory_space<vmem>>[vector<16xi32>], vector<16xf32>,
      %gather3A_194 = tpu.vector_load_idx %arg16[%get3A_185] : memref<10240xf32, #tpu.memory_space<vmem>>[vector<16xi32>], vector<16xf32>,
      %gather3A_195 = tpu.vector_load_idx %arg17[%get3A_185] : memref<10240xf32, #tpu.memory_space<vmem>>[vector<16xi32>], vector<16xf32>,
      %mul3A_196 = arith.mulf %gather3A_192, %get3A_191 : vector<16xf32>
      %mul3A_197 = arith.mulf %mul3A_196, %gather3A_193 : vector<16xf32>
      %mul3A_198 = arith.mulf %gather3A_194, %mul3A_197 : vector<16xf32>
      %swap3A_199 = arith.index_cast %scan3A_92 : i32 to index
      %swap3A_200 = arith.constant 64 : index
      %swap3A_201 = tpu.vector_load %arg13[%swap3A_199, %swap3A_200] {strides = array<i32>} : memref<125x80xf32, #tpu.memory_space<vmem>>, vector<16xf32>,
      tpu.vector_store %arg13[%swap3A_199, %swap3A_200], %mul3A_198 {strides = array<i32>} : memref<125x80xf32, #tpu.memory_space<vmem>>, vector<16xf32>,
      %mul3A_202 = arith.mulf %gather3A_195, %mul3A_197 : vector<16xf32>
      %swap3A_203 = arith.index_cast %scan3A_92 : i32 to index
      %swap3A_204 = arith.constant 64 : index
      %swap3A_205 = tpu.vector_load %arg14[%swap3A_203, %swap3A_204] {strides = array<i32>} : memref<125x80xf32, #tpu.memory_space<vmem>>, vector<16xf32>,
      tpu.vector_store %arg14[%swap3A_203, %swap3A_204], %mul3A_202 {strides = array<i32>} : memref<125x80xf32, #tpu.memory_space<vmem>>, vector<16xf32>,
      %scan3A_206 = arith.constant 0 : i32
      scf.yield %scan3A_206 : i32
    }
    %scan3A_63 = arith.constant 125 : i32
    %scan3A_64 = arith.constant 0 : i32
    %scan3A_65 = arith.constant 0 : i32
    %scan3A_66 = arith.constant 25 : i32
    %scan3A_67 = arith.addi %scan3A_65, %scan3A_66 : i32
    %scan3A_68 = arith.constant 1 : i32
    %scan3A_69 = scf.for %scan3A_92 = %scan3A_65 to %scan3A_67 step %scan3A_68 iter_args(%scan3A_93 = %scan3A_64) -> (i32)  : i32 {
      %mul3A_94 = arith.constant 5 : i32
      %mul3A_95 = arith.muli %scan3A_92, %mul3A_94 : i32
      %add3A_96 = arith.constant 0 : i32
      %add3A_97 = arith.addi %mul3A_95, %add3A_96 : i32
      %dma_start3A_98 = arith.constant 0 : i32
      %dma_start3A_99 = tpu.memref_slice %arg13[%add3A_97, %dma_start3A_98] : memref<125x80xf32, #tpu.memory_space<vmem>> -> memref<1x80xf32, #tpu.memory_space<vmem>>
      %dma_start3A_100 = tpu.memref_squeeze %dma_start3A_99 : memref<1x80xf32, #tpu.memory_space<vmem>> -> memref<80xf32, #tpu.memory_space<vmem>>
      %dma_start3A_101 = arith.constant 0 : i32
      %dma_start3A_102 = tpu.memref_slice %arg11[%add3A_97, %dma_start3A_101] : memref<125x80xi32, #tpu.memory_space<vmem>> -> memref<1x80xi32, #tpu.memory_space<vmem>>
      %dma_start3A_103 = tpu.memref_squeeze %dma_start3A_102 : memref<1x80xi32, #tpu.memory_space<vmem>> -> memref<80xi32, #tpu.memory_space<vmem>>
      %dma_start3A_104 = arith.constant 0 : i32
      %dma_start3A_105 = tpu.memref_slice %arg19[%dma_start3A_104] : memref<10240xf32, #tpu.memory_space<vmem_shared>> -> memref<10240xf32, #tpu.memory_space<vmem_shared>>
      tpu.enqueue_indirect_dma source(%dma_start3A_100 : memref<80xf32, #tpu.memory_space<vmem>>) target(%dma_start3A_105 : memref<10240xf32, #tpu.memory_space<vmem_shared>>) offsets(%dma_start3A_103 : memref<80xi32, #tpu.memory_space<vmem>>) semaphore(%arg21 : memref<!tpu.dma_semaphore, #tpu.memory_space<semaphore_mem>>) {add = true}
      %dma_start3A_106 = arith.constant 0 : i32
      %dma_start3A_107 = tpu.memref_slice %arg14[%add3A_97, %dma_start3A_106] : memref<125x80xf32, #tpu.memory_space<vmem>> -> memref<1x80xf32, #tpu.memory_space<vmem>>
      %dma_start3A_108 = tpu.memref_squeeze %dma_start3A_107 : memref<1x80xf32, #tpu.memory_space<vmem>> -> memref<80xf32, #tpu.memory_space<vmem>>
      %dma_start3A_109 = arith.constant 0 : i32
      %dma_start3A_110 = tpu.memref_slice %arg11[%add3A_97, %dma_start3A_109] : memref<125x80xi32, #tpu.memory_space<vmem>> -> memref<1x80xi32, #tpu.memory_space<vmem>>
      %dma_start3A_111 = tpu.memref_squeeze %dma_start3A_110 : memref<1x80xi32, #tpu.memory_space<vmem>> -> memref<80xi32, #tpu.memory_space<vmem>>
      %dma_start3A_112 = arith.constant 0 : i32
      %dma_start3A_113 = tpu.memref_slice %arg20[%dma_start3A_112] : memref<10240xf32, #tpu.memory_space<vmem_shared>> -> memref<10240xf32, #tpu.memory_space<vmem_shared>>
      tpu.enqueue_indirect_dma source(%dma_start3A_108 : memref<80xf32, #tpu.memory_space<vmem>>) target(%dma_start3A_113 : memref<10240xf32, #tpu.memory_space<vmem_shared>>) offsets(%dma_start3A_111 : memref<80xi32, #tpu.memory_space<vmem>>) semaphore(%arg21 : memref<!tpu.dma_semaphore, #tpu.memory_space<semaphore_mem>>) {add = true}
      %mul3A_114 = arith.constant 5 : i32
      %mul3A_115 = arith.muli %scan3A_92, %mul3A_114 : i32
      %add3A_116 = arith.constant 1 : i32
      %add3A_117 = arith.addi %mul3A_115, %add3A_116 : i32
      %dma_start3A_118 = arith.constant 0 : i32
      %dma_start3A_119 = tpu.memref_slice %arg13[%add3A_117, %dma_start3A_118] : memref<125x80xf32, #tpu.memory_space<vmem>> -> memref<1x80xf32, #tpu.memory_space<vmem>>
      %dma_start3A_120 = tpu.memref_squeeze %dma_start3A_119 : memref<1x80xf32, #tpu.memory_space<vmem>> -> memref<80xf32, #tpu.memory_space<vmem>>
      %dma_start3A_121 = arith.constant 0 : i32
      %dma_start3A_122 = tpu.memref_slice %arg11[%add3A_117, %dma_start3A_121] : memref<125x80xi32, #tpu.memory_space<vmem>> -> memref<1x80xi32, #tpu.memory_space<vmem>>
      %dma_start3A_123 = tpu.memref_squeeze %dma_start3A_122 : memref<1x80xi32, #tpu.memory_space<vmem>> -> memref<80xi32, #tpu.memory_space<vmem>>
      %dma_start3A_124 = arith.constant 0 : i32
      %dma_start3A_125 = tpu.memref_slice %arg19[%dma_start3A_124] : memref<10240xf32, #tpu.memory_space<vmem_shared>> -> memref<10240xf32, #tpu.memory_space<vmem_shared>>
      tpu.enqueue_indirect_dma source(%dma_start3A_120 : memref<80xf32, #tpu.memory_space<vmem>>) target(%dma_start3A_125 : memref<10240xf32, #tpu.memory_space<vmem_shared>>) offsets(%dma_start3A_123 : memref<80xi32, #tpu.memory_space<vmem>>) semaphore(%arg21 : memref<!tpu.dma_semaphore, #tpu.memory_space<semaphore_mem>>) {add = true}
      %dma_start3A_126 = arith.constant 0 : i32
      %dma_start3A_127 = tpu.memref_slice %arg14[%add3A_117, %dma_start3A_126] : memref<125x80xf32, #tpu.memory_space<vmem>> -> memref<1x80xf32, #tpu.memory_space<vmem>>
      %dma_start3A_128 = tpu.memref_squeeze %dma_start3A_127 : memref<1x80xf32, #tpu.memory_space<vmem>> -> memref<80xf32, #tpu.memory_space<vmem>>
      %dma_start3A_129 = arith.constant 0 : i32
      %dma_start3A_130 = tpu.memref_slice %arg11[%add3A_117, %dma_start3A_129] : memref<125x80xi32, #tpu.memory_space<vmem>> -> memref<1x80xi32, #tpu.memory_space<vmem>>
      %dma_start3A_131 = tpu.memref_squeeze %dma_start3A_130 : memref<1x80xi32, #tpu.memory_space<vmem>> -> memref<80xi32, #tpu.memory_space<vmem>>
      %dma_start3A_132 = arith.constant 0 : i32
      %dma_start3A_133 = tpu.memref_slice %arg20[%dma_start3A_132] : memref<10240xf32, #tpu.memory_space<vmem_shared>> -> memref<10240xf32, #tpu.memory_space<vmem_shared>>
      tpu.enqueue_indirect_dma source(%dma_start3A_128 : memref<80xf32, #tpu.memory_space<vmem>>) target(%dma_start3A_133 : memref<10240xf32, #tpu.memory_space<vmem_shared>>) offsets(%dma_start3A_131 : memref<80xi32, #tpu.memory_space<vmem>>) semaphore(%arg21 : memref<!tpu.dma_semaphore, #tpu.memory_space<semaphore_mem>>) {add = true}
      %mul3A_134 = arith.constant 5 : i32
      %mul3A_135 = arith.muli %scan3A_92, %mul3A_134 : i32
      %add3A_136 = arith.constant 2 : i32
      %add3A_137 = arith.addi %mul3A_135, %add3A_136 : i32
      %dma_start3A_138 = arith.constant 0 : i32
      %dma_start3A_139 = tpu.memref_slice %arg13[%add3A_137, %dma_start3A_138] : memref<125x80xf32, #tpu.memory_space<vmem>> -> memref<1x80xf32, #tpu.memory_space<vmem>>
      %dma_start3A_140 = tpu.memref_squeeze %dma_start3A_139 : memref<1x80xf32, #tpu.memory_space<vmem>> -> memref<80xf32, #tpu.memory_space<vmem>>
      %dma_start3A_141 = arith.constant 0 : i32
      %dma_start3A_142 = tpu.memref_slice %arg11[%add3A_137, %dma_start3A_141] : memref<125x80xi32, #tpu.memory_space<vmem>> -> memref<1x80xi32, #tpu.memory_space<vmem>>
      %dma_start3A_143 = tpu.memref_squeeze %dma_start3A_142 : memref<1x80xi32, #tpu.memory_space<vmem>> -> memref<80xi32, #tpu.memory_space<vmem>>
      %dma_start3A_144 = arith.constant 0 : i32
      %dma_start3A_145 = tpu.memref_slice %arg19[%dma_start3A_144] : memref<10240xf32, #tpu.memory_space<vmem_shared>> -> memref<10240xf32, #tpu.memory_space<vmem_shared>>
      tpu.enqueue_indirect_dma source(%dma_start3A_140 : memref<80xf32, #tpu.memory_space<vmem>>) target(%dma_start3A_145 : memref<10240xf32, #tpu.memory_space<vmem_shared>>) offsets(%dma_start3A_143 : memref<80xi32, #tpu.memory_space<vmem>>) semaphore(%arg21 : memref<!tpu.dma_semaphore, #tpu.memory_space<semaphore_mem>>) {add = true}
      %dma_start3A_146 = arith.constant 0 : i32
      %dma_start3A_147 = tpu.memref_slice %arg14[%add3A_137, %dma_start3A_146] : memref<125x80xf32, #tpu.memory_space<vmem>> -> memref<1x80xf32, #tpu.memory_space<vmem>>
      %dma_start3A_148 = tpu.memref_squeeze %dma_start3A_147 : memref<1x80xf32, #tpu.memory_space<vmem>> -> memref<80xf32, #tpu.memory_space<vmem>>
      %dma_start3A_149 = arith.constant 0 : i32
      %dma_start3A_150 = tpu.memref_slice %arg11[%add3A_137, %dma_start3A_149] : memref<125x80xi32, #tpu.memory_space<vmem>> -> memref<1x80xi32, #tpu.memory_space<vmem>>
      %dma_start3A_151 = tpu.memref_squeeze %dma_start3A_150 : memref<1x80xi32, #tpu.memory_space<vmem>> -> memref<80xi32, #tpu.memory_space<vmem>>
      %dma_start3A_152 = arith.constant 0 : i32
      %dma_start3A_153 = tpu.memref_slice %arg20[%dma_start3A_152] : memref<10240xf32, #tpu.memory_space<vmem_shared>> -> memref<10240xf32, #tpu.memory_space<vmem_shared>>
      tpu.enqueue_indirect_dma source(%dma_start3A_148 : memref<80xf32, #tpu.memory_space<vmem>>) target(%dma_start3A_153 : memref<10240xf32, #tpu.memory_space<vmem_shared>>) offsets(%dma_start3A_151 : memref<80xi32, #tpu.memory_space<vmem>>) semaphore(%arg21 : memref<!tpu.dma_semaphore, #tpu.memory_space<semaphore_mem>>) {add = true}
      %mul3A_154 = arith.constant 5 : i32
      %mul3A_155 = arith.muli %scan3A_92, %mul3A_154 : i32
      %add3A_156 = arith.constant 3 : i32
      %add3A_157 = arith.addi %mul3A_155, %add3A_156 : i32
      %dma_start3A_158 = arith.constant 0 : i32
      %dma_start3A_159 = tpu.memref_slice %arg13[%add3A_157, %dma_start3A_158] : memref<125x80xf32, #tpu.memory_space<vmem>> -> memref<1x80xf32, #tpu.memory_space<vmem>>
      %dma_start3A_160 = tpu.memref_squeeze %dma_start3A_159 : memref<1x80xf32, #tpu.memory_space<vmem>> -> memref<80xf32, #tpu.memory_space<vmem>>
      %dma_start3A_161 = arith.constant 0 : i32
      %dma_start3A_162 = tpu.memref_slice %arg11[%add3A_157, %dma_start3A_161] : memref<125x80xi32, #tpu.memory_space<vmem>> -> memref<1x80xi32, #tpu.memory_space<vmem>>
      %dma_start3A_163 = tpu.memref_squeeze %dma_start3A_162 : memref<1x80xi32, #tpu.memory_space<vmem>> -> memref<80xi32, #tpu.memory_space<vmem>>
      %dma_start3A_164 = arith.constant 0 : i32
      %dma_start3A_165 = tpu.memref_slice %arg19[%dma_start3A_164] : memref<10240xf32, #tpu.memory_space<vmem_shared>> -> memref<10240xf32, #tpu.memory_space<vmem_shared>>
      tpu.enqueue_indirect_dma source(%dma_start3A_160 : memref<80xf32, #tpu.memory_space<vmem>>) target(%dma_start3A_165 : memref<10240xf32, #tpu.memory_space<vmem_shared>>) offsets(%dma_start3A_163 : memref<80xi32, #tpu.memory_space<vmem>>) semaphore(%arg21 : memref<!tpu.dma_semaphore, #tpu.memory_space<semaphore_mem>>) {add = true}
      %dma_start3A_166 = arith.constant 0 : i32
      %dma_start3A_167 = tpu.memref_slice %arg14[%add3A_157, %dma_start3A_166] : memref<125x80xf32, #tpu.memory_space<vmem>> -> memref<1x80xf32, #tpu.memory_space<vmem>>
      %dma_start3A_168 = tpu.memref_squeeze %dma_start3A_167 : memref<1x80xf32, #tpu.memory_space<vmem>> -> memref<80xf32, #tpu.memory_space<vmem>>
      %dma_start3A_169 = arith.constant 0 : i32
      %dma_start3A_170 = tpu.memref_slice %arg11[%add3A_157, %dma_start3A_169] : memref<125x80xi32, #tpu.memory_space<vmem>> -> memref<1x80xi32, #tpu.memory_space<vmem>>
      %dma_start3A_171 = tpu.memref_squeeze %dma_start3A_170 : memref<1x80xi32, #tpu.memory_space<vmem>> -> memref<80xi32, #tpu.memory_space<vmem>>
      %dma_start3A_172 = arith.constant 0 : i32
      %dma_start3A_173 = tpu.memref_slice %arg20[%dma_start3A_172] : memref<10240xf32, #tpu.memory_space<vmem_shared>> -> memref<10240xf32, #tpu.memory_space<vmem_shared>>
      tpu.enqueue_indirect_dma source(%dma_start3A_168 : memref<80xf32, #tpu.memory_space<vmem>>) target(%dma_start3A_173 : memref<10240xf32, #tpu.memory_space<vmem_shared>>) offsets(%dma_start3A_171 : memref<80xi32, #tpu.memory_space<vmem>>) semaphore(%arg21 : memref<!tpu.dma_semaphore, #tpu.memory_space<semaphore_mem>>) {add = true}
      %mul3A_174 = arith.constant 5 : i32
      %mul3A_175 = arith.muli %scan3A_92, %mul3A_174 : i32
      %add3A_176 = arith.constant 4 : i32
      %add3A_177 = arith.addi %mul3A_175, %add3A_176 : i32
      %dma_start3A_178 = arith.constant 0 : i32
      %dma_start3A_179 = tpu.memref_slice %arg13[%add3A_177, %dma_start3A_178] : memref<125x80xf32, #tpu.memory_space<vmem>> -> memref<1x80xf32, #tpu.memory_space<vmem>>
      %dma_start3A_180 = tpu.memref_squeeze %dma_start3A_179 : memref<1x80xf32, #tpu.memory_space<vmem>> -> memref<80xf32, #tpu.memory_space<vmem>>
      %dma_start3A_181 = arith.constant 0 : i32
      %dma_start3A_182 = tpu.memref_slice %arg11[%add3A_177, %dma_start3A_181] : memref<125x80xi32, #tpu.memory_space<vmem>> -> memref<1x80xi32, #tpu.memory_space<vmem>>
      %dma_start3A_183 = tpu.memref_squeeze %dma_start3A_182 : memref<1x80xi32, #tpu.memory_space<vmem>> -> memref<80xi32, #tpu.memory_space<vmem>>
      %dma_start3A_184 = arith.constant 0 : i32
      %dma_start3A_185 = tpu.memref_slice %arg19[%dma_start3A_184] : memref<10240xf32, #tpu.memory_space<vmem_shared>> -> memref<10240xf32, #tpu.memory_space<vmem_shared>>
      tpu.enqueue_indirect_dma source(%dma_start3A_180 : memref<80xf32, #tpu.memory_space<vmem>>) target(%dma_start3A_185 : memref<10240xf32, #tpu.memory_space<vmem_shared>>) offsets(%dma_start3A_183 : memref<80xi32, #tpu.memory_space<vmem>>) semaphore(%arg21 : memref<!tpu.dma_semaphore, #tpu.memory_space<semaphore_mem>>) {add = true}
      %dma_start3A_186 = arith.constant 0 : i32
      %dma_start3A_187 = tpu.memref_slice %arg14[%add3A_177, %dma_start3A_186] : memref<125x80xf32, #tpu.memory_space<vmem>> -> memref<1x80xf32, #tpu.memory_space<vmem>>
      %dma_start3A_188 = tpu.memref_squeeze %dma_start3A_187 : memref<1x80xf32, #tpu.memory_space<vmem>> -> memref<80xf32, #tpu.memory_space<vmem>>
      %dma_start3A_189 = arith.constant 0 : i32
      %dma_start3A_190 = tpu.memref_slice %arg11[%add3A_177, %dma_start3A_189] : memref<125x80xi32, #tpu.memory_space<vmem>> -> memref<1x80xi32, #tpu.memory_space<vmem>>
      %dma_start3A_191 = tpu.memref_squeeze %dma_start3A_190 : memref<1x80xi32, #tpu.memory_space<vmem>> -> memref<80xi32, #tpu.memory_space<vmem>>
      %dma_start3A_192 = arith.constant 0 : i32
      %dma_start3A_193 = tpu.memref_slice %arg20[%dma_start3A_192] : memref<10240xf32, #tpu.memory_space<vmem_shared>> -> memref<10240xf32, #tpu.memory_space<vmem_shared>>
      tpu.enqueue_indirect_dma source(%dma_start3A_188 : memref<80xf32, #tpu.memory_space<vmem>>) target(%dma_start3A_193 : memref<10240xf32, #tpu.memory_space<vmem_shared>>) offsets(%dma_start3A_191 : memref<80xi32, #tpu.memory_space<vmem>>) semaphore(%arg21 : memref<!tpu.dma_semaphore, #tpu.memory_space<semaphore_mem>>) {add = true}
      %dma_wait3A_194 = arith.constant 0 : i32
      %dma_wait3A_195 = tpu.memref_slice %arg13[%add3A_97, %dma_wait3A_194] : memref<125x80xf32, #tpu.memory_space<vmem>> -> memref<1x80xf32, #tpu.memory_space<vmem>>
      %dma_wait3A_196 = tpu.memref_squeeze %dma_wait3A_195 : memref<1x80xf32, #tpu.memory_space<vmem>> -> memref<80xf32, #tpu.memory_space<vmem>>
      %dma_wait3A_197 = arith.constant 0 : i32
      %dma_wait3A_198 = tpu.memref_slice %arg11[%add3A_97, %dma_wait3A_197] : memref<125x80xi32, #tpu.memory_space<vmem>> -> memref<1x80xi32, #tpu.memory_space<vmem>>
      %dma_wait3A_199 = tpu.memref_squeeze %dma_wait3A_198 : memref<1x80xi32, #tpu.memory_space<vmem>> -> memref<80xi32, #tpu.memory_space<vmem>>
      %dma_wait3A_200 = arith.constant 0 : i32
      %dma_wait3A_201 = tpu.memref_slice %arg19[%dma_wait3A_200] : memref<10240xf32, #tpu.memory_space<vmem_shared>> -> memref<10240xf32, #tpu.memory_space<vmem_shared>>
      tpu.wait_indirect_dma semaphore(%arg21 : memref<!tpu.dma_semaphore, #tpu.memory_space<semaphore_mem>>) src(%dma_wait3A_196 : memref<80xf32, #tpu.memory_space<vmem>>) dst(%dma_wait3A_201 : memref<10240xf32, #tpu.memory_space<vmem_shared>>)
      %dma_wait3A_202 = arith.constant 0 : i32
      %dma_wait3A_203 = tpu.memref_slice %arg14[%add3A_97, %dma_wait3A_202] : memref<125x80xf32, #tpu.memory_space<vmem>> -> memref<1x80xf32, #tpu.memory_space<vmem>>
      %dma_wait3A_204 = tpu.memref_squeeze %dma_wait3A_203 : memref<1x80xf32, #tpu.memory_space<vmem>> -> memref<80xf32, #tpu.memory_space<vmem>>
      %dma_wait3A_205 = arith.constant 0 : i32
      %dma_wait3A_206 = tpu.memref_slice %arg11[%add3A_97, %dma_wait3A_205] : memref<125x80xi32, #tpu.memory_space<vmem>> -> memref<1x80xi32, #tpu.memory_space<vmem>>
      %dma_wait3A_207 = tpu.memref_squeeze %dma_wait3A_206 : memref<1x80xi32, #tpu.memory_space<vmem>> -> memref<80xi32, #tpu.memory_space<vmem>>
      %dma_wait3A_208 = arith.constant 0 : i32
      %dma_wait3A_209 = tpu.memref_slice %arg20[%dma_wait3A_208] : memref<10240xf32, #tpu.memory_space<vmem_shared>> -> memref<10240xf32, #tpu.memory_space<vmem_shared>>
      tpu.wait_indirect_dma semaphore(%arg21 : memref<!tpu.dma_semaphore, #tpu.memory_space<semaphore_mem>>) src(%dma_wait3A_204 : memref<80xf32, #tpu.memory_space<vmem>>) dst(%dma_wait3A_209 : memref<10240xf32, #tpu.memory_space<vmem_shared>>)
      %dma_wait3A_210 = arith.constant 0 : i32
      %dma_wait3A_211 = tpu.memref_slice %arg13[%add3A_117, %dma_wait3A_210] : memref<125x80xf32, #tpu.memory_space<vmem>> -> memref<1x80xf32, #tpu.memory_space<vmem>>
      %dma_wait3A_212 = tpu.memref_squeeze %dma_wait3A_211 : memref<1x80xf32, #tpu.memory_space<vmem>> -> memref<80xf32, #tpu.memory_space<vmem>>
      %dma_wait3A_213 = arith.constant 0 : i32
      %dma_wait3A_214 = tpu.memref_slice %arg11[%add3A_117, %dma_wait3A_213] : memref<125x80xi32, #tpu.memory_space<vmem>> -> memref<1x80xi32, #tpu.memory_space<vmem>>
      %dma_wait3A_215 = tpu.memref_squeeze %dma_wait3A_214 : memref<1x80xi32, #tpu.memory_space<vmem>> -> memref<80xi32, #tpu.memory_space<vmem>>
      %dma_wait3A_216 = arith.constant 0 : i32
      %dma_wait3A_217 = tpu.memref_slice %arg19[%dma_wait3A_216] : memref<10240xf32, #tpu.memory_space<vmem_shared>> -> memref<10240xf32, #tpu.memory_space<vmem_shared>>
      tpu.wait_indirect_dma semaphore(%arg21 : memref<!tpu.dma_semaphore, #tpu.memory_space<semaphore_mem>>) src(%dma_wait3A_212 : memref<80xf32, #tpu.memory_space<vmem>>) dst(%dma_wait3A_217 : memref<10240xf32, #tpu.memory_space<vmem_shared>>)
      %dma_wait3A_218 = arith.constant 0 : i32
      %dma_wait3A_219 = tpu.memref_slice %arg14[%add3A_117, %dma_wait3A_218] : memref<125x80xf32, #tpu.memory_space<vmem>> -> memref<1x80xf32, #tpu.memory_space<vmem>>
      %dma_wait3A_220 = tpu.memref_squeeze %dma_wait3A_219 : memref<1x80xf32, #tpu.memory_space<vmem>> -> memref<80xf32, #tpu.memory_space<vmem>>
      %dma_wait3A_221 = arith.constant 0 : i32
      %dma_wait3A_222 = tpu.memref_slice %arg11[%add3A_117, %dma_wait3A_221] : memref<125x80xi32, #tpu.memory_space<vmem>> -> memref<1x80xi32, #tpu.memory_space<vmem>>
      %dma_wait3A_223 = tpu.memref_squeeze %dma_wait3A_222 : memref<1x80xi32, #tpu.memory_space<vmem>> -> memref<80xi32, #tpu.memory_space<vmem>>
      %dma_wait3A_224 = arith.constant 0 : i32
      %dma_wait3A_225 = tpu.memref_slice %arg20[%dma_wait3A_224] : memref<10240xf32, #tpu.memory_space<vmem_shared>> -> memref<10240xf32, #tpu.memory_space<vmem_shared>>
      tpu.wait_indirect_dma semaphore(%arg21 : memref<!tpu.dma_semaphore, #tpu.memory_space<semaphore_mem>>) src(%dma_wait3A_220 : memref<80xf32, #tpu.memory_space<vmem>>) dst(%dma_wait3A_225 : memref<10240xf32, #tpu.memory_space<vmem_shared>>)
      %dma_wait3A_226 = arith.constant 0 : i32
      %dma_wait3A_227 = tpu.memref_slice %arg13[%add3A_137, %dma_wait3A_226] : memref<125x80xf32, #tpu.memory_space<vmem>> -> memref<1x80xf32, #tpu.memory_space<vmem>>
      %dma_wait3A_228 = tpu.memref_squeeze %dma_wait3A_227 : memref<1x80xf32, #tpu.memory_space<vmem>> -> memref<80xf32, #tpu.memory_space<vmem>>
      %dma_wait3A_229 = arith.constant 0 : i32
      %dma_wait3A_230 = tpu.memref_slice %arg11[%add3A_137, %dma_wait3A_229] : memref<125x80xi32, #tpu.memory_space<vmem>> -> memref<1x80xi32, #tpu.memory_space<vmem>>
      %dma_wait3A_231 = tpu.memref_squeeze %dma_wait3A_230 : memref<1x80xi32, #tpu.memory_space<vmem>> -> memref<80xi32, #tpu.memory_space<vmem>>
      %dma_wait3A_232 = arith.constant 0 : i32
      %dma_wait3A_233 = tpu.memref_slice %arg19[%dma_wait3A_232] : memref<10240xf32, #tpu.memory_space<vmem_shared>> -> memref<10240xf32, #tpu.memory_space<vmem_shared>>
      tpu.wait_indirect_dma semaphore(%arg21 : memref<!tpu.dma_semaphore, #tpu.memory_space<semaphore_mem>>) src(%dma_wait3A_228 : memref<80xf32, #tpu.memory_space<vmem>>) dst(%dma_wait3A_233 : memref<10240xf32, #tpu.memory_space<vmem_shared>>)
      %dma_wait3A_234 = arith.constant 0 : i32
      %dma_wait3A_235 = tpu.memref_slice %arg14[%add3A_137, %dma_wait3A_234] : memref<125x80xf32, #tpu.memory_space<vmem>> -> memref<1x80xf32, #tpu.memory_space<vmem>>
      %dma_wait3A_236 = tpu.memref_squeeze %dma_wait3A_235 : memref<1x80xf32, #tpu.memory_space<vmem>> -> memref<80xf32, #tpu.memory_space<vmem>>
      %dma_wait3A_237 = arith.constant 0 : i32
      %dma_wait3A_238 = tpu.memref_slice %arg11[%add3A_137, %dma_wait3A_237] : memref<125x80xi32, #tpu.memory_space<vmem>> -> memref<1x80xi32, #tpu.memory_space<vmem>>
      %dma_wait3A_239 = tpu.memref_squeeze %dma_wait3A_238 : memref<1x80xi32, #tpu.memory_space<vmem>> -> memref<80xi32, #tpu.memory_space<vmem>>
      %dma_wait3A_240 = arith.constant 0 : i32
      %dma_wait3A_241 = tpu.memref_slice %arg20[%dma_wait3A_240] : memref<10240xf32, #tpu.memory_space<vmem_shared>> -> memref<10240xf32, #tpu.memory_space<vmem_shared>>
      tpu.wait_indirect_dma semaphore(%arg21 : memref<!tpu.dma_semaphore, #tpu.memory_space<semaphore_mem>>) src(%dma_wait3A_236 : memref<80xf32, #tpu.memory_space<vmem>>) dst(%dma_wait3A_241 : memref<10240xf32, #tpu.memory_space<vmem_shared>>)
      %dma_wait3A_242 = arith.constant 0 : i32
      %dma_wait3A_243 = tpu.memref_slice %arg13[%add3A_157, %dma_wait3A_242] : memref<125x80xf32, #tpu.memory_space<vmem>> -> memref<1x80xf32, #tpu.memory_space<vmem>>
      %dma_wait3A_244 = tpu.memref_squeeze %dma_wait3A_243 : memref<1x80xf32, #tpu.memory_space<vmem>> -> memref<80xf32, #tpu.memory_space<vmem>>
      %dma_wait3A_245 = arith.constant 0 : i32
      %dma_wait3A_246 = tpu.memref_slice %arg11[%add3A_157, %dma_wait3A_245] : memref<125x80xi32, #tpu.memory_space<vmem>> -> memref<1x80xi32, #tpu.memory_space<vmem>>
      %dma_wait3A_247 = tpu.memref_squeeze %dma_wait3A_246 : memref<1x80xi32, #tpu.memory_space<vmem>> -> memref<80xi32, #tpu.memory_space<vmem>>
      %dma_wait3A_248 = arith.constant 0 : i32
      %dma_wait3A_249 = tpu.memref_slice %arg19[%dma_wait3A_248] : memref<10240xf32, #tpu.memory_space<vmem_shared>> -> memref<10240xf32, #tpu.memory_space<vmem_shared>>
      tpu.wait_indirect_dma semaphore(%arg21 : memref<!tpu.dma_semaphore, #tpu.memory_space<semaphore_mem>>) src(%dma_wait3A_244 : memref<80xf32, #tpu.memory_space<vmem>>) dst(%dma_wait3A_249 : memref<10240xf32, #tpu.memory_space<vmem_shared>>)
      %dma_wait3A_250 = arith.constant 0 : i32
      %dma_wait3A_251 = tpu.memref_slice %arg14[%add3A_157, %dma_wait3A_250] : memref<125x80xf32, #tpu.memory_space<vmem>> -> memref<1x80xf32, #tpu.memory_space<vmem>>
      %dma_wait3A_252 = tpu.memref_squeeze %dma_wait3A_251 : memref<1x80xf32, #tpu.memory_space<vmem>> -> memref<80xf32, #tpu.memory_space<vmem>>
      %dma_wait3A_253 = arith.constant 0 : i32
      %dma_wait3A_254 = tpu.memref_slice %arg11[%add3A_157, %dma_wait3A_253] : memref<125x80xi32, #tpu.memory_space<vmem>> -> memref<1x80xi32, #tpu.memory_space<vmem>>
      %dma_wait3A_255 = tpu.memref_squeeze %dma_wait3A_254 : memref<1x80xi32, #tpu.memory_space<vmem>> -> memref<80xi32, #tpu.memory_space<vmem>>
      %dma_wait3A_256 = arith.constant 0 : i32
      %dma_wait3A_257 = tpu.memref_slice %arg20[%dma_wait3A_256] : memref<10240xf32, #tpu.memory_space<vmem_shared>> -> memref<10240xf32, #tpu.memory_space<vmem_shared>>
      tpu.wait_indirect_dma semaphore(%arg21 : memref<!tpu.dma_semaphore, #tpu.memory_space<semaphore_mem>>) src(%dma_wait3A_252 : memref<80xf32, #tpu.memory_space<vmem>>) dst(%dma_wait3A_257 : memref<10240xf32, #tpu.memory_space<vmem_shared>>)
      %dma_wait3A_258 = arith.constant 0 : i32
      %dma_wait3A_259 = tpu.memref_slice %arg13[%add3A_177, %dma_wait3A_258] : memref<125x80xf32, #tpu.memory_space<vmem>> -> memref<1x80xf32, #tpu.memory_space<vmem>>
      %dma_wait3A_260 = tpu.memref_squeeze %dma_wait3A_259 : memref<1x80xf32, #tpu.memory_space<vmem>> -> memref<80xf32, #tpu.memory_space<vmem>>
      %dma_wait3A_261 = arith.constant 0 : i32
      %dma_wait3A_262 = tpu.memref_slice %arg11[%add3A_177, %dma_wait3A_261] : memref<125x80xi32, #tpu.memory_space<vmem>> -> memref<1x80xi32, #tpu.memory_space<vmem>>
      %dma_wait3A_263 = tpu.memref_squeeze %dma_wait3A_262 : memref<1x80xi32, #tpu.memory_space<vmem>> -> memref<80xi32, #tpu.memory_space<vmem>>
      %dma_wait3A_264 = arith.constant 0 : i32
      %dma_wait3A_265 = tpu.memref_slice %arg19[%dma_wait3A_264] : memref<10240xf32, #tpu.memory_space<vmem_shared>> -> memref<10240xf32, #tpu.memory_space<vmem_shared>>
      tpu.wait_indirect_dma semaphore(%arg21 : memref<!tpu.dma_semaphore, #tpu.memory_space<semaphore_mem>>) src(%dma_wait3A_260 : memref<80xf32, #tpu.memory_space<vmem>>) dst(%dma_wait3A_265 : memref<10240xf32, #tpu.memory_space<vmem_shared>>)
      %dma_wait3A_266 = arith.constant 0 : i32
      %dma_wait3A_267 = tpu.memref_slice %arg14[%add3A_177, %dma_wait3A_266] : memref<125x80xf32, #tpu.memory_space<vmem>> -> memref<1x80xf32, #tpu.memory_space<vmem>>
      %dma_wait3A_268 = tpu.memref_squeeze %dma_wait3A_267 : memref<1x80xf32, #tpu.memory_space<vmem>> -> memref<80xf32, #tpu.memory_space<vmem>>
      %dma_wait3A_269 = arith.constant 0 : i32
      %dma_wait3A_270 = tpu.memref_slice %arg11[%add3A_177, %dma_wait3A_269] : memref<125x80xi32, #tpu.memory_space<vmem>> -> memref<1x80xi32, #tpu.memory_space<vmem>>
      %dma_wait3A_271 = tpu.memref_squeeze %dma_wait3A_270 : memref<1x80xi32, #tpu.memory_space<vmem>> -> memref<80xi32, #tpu.memory_space<vmem>>
      %dma_wait3A_272 = arith.constant 0 : i32
      %dma_wait3A_273 = tpu.memref_slice %arg20[%dma_wait3A_272] : memref<10240xf32, #tpu.memory_space<vmem_shared>> -> memref<10240xf32, #tpu.memory_space<vmem_shared>>
      tpu.wait_indirect_dma semaphore(%arg21 : memref<!tpu.dma_semaphore, #tpu.memory_space<semaphore_mem>>) src(%dma_wait3A_268 : memref<80xf32, #tpu.memory_space<vmem>>) dst(%dma_wait3A_273 : memref<10240xf32, #tpu.memory_space<vmem_shared>>)
      %scan3A_274 = arith.constant 0 : i32
      scf.yield %scan3A_274 : i32
    }
    %scan3A_70 = arith.constant 25 : i32
    %barrier3A_71 = arith.constant 0 : index
    tpu.barrier barrier_id(%barrier3A_71)
    %mul3A_72 = arith.constant 640 : i32
    %mul3A_73 = arith.muli %arg1, %mul3A_72 : i32
    %mul3A_74 = arith.constant 640 : i32
    %mul3A_75 = arith.muli %arg1, %mul3A_74 : i32
    %dma_start3A_76 = tpu.memref_slice %arg8[%arg0, %mul3A_75] : memref<2x10240xf32, #tpu.memory_space<hbm>> -> memref<1x640xf32, #tpu.memory_space<hbm>>
    %dma_start3A_77 = tpu.memref_squeeze %dma_start3A_76 : memref<1x640xf32, #tpu.memory_space<hbm>> -> memref<640xf32, #tpu.memory_space<hbm>>
    %dma_start3A_78 = tpu.memref_slice %arg19[%mul3A_73] : memref<10240xf32, #tpu.memory_space<vmem_shared>> -> memref<640xf32, #tpu.memory_space<vmem_shared>>
    tpu.enqueue_dma source(%dma_start3A_78 : memref<640xf32, #tpu.memory_space<vmem_shared>>) target(%dma_start3A_77 : memref<640xf32, #tpu.memory_space<hbm>>) target_semaphore(%arg21 : memref<!tpu.dma_semaphore, #tpu.memory_space<semaphore_mem>>)
    %mul3A_79 = arith.constant 640 : i32
    %mul3A_80 = arith.muli %arg1, %mul3A_79 : i32
    %mul3A_81 = arith.constant 640 : i32
    %mul3A_82 = arith.muli %arg1, %mul3A_81 : i32
    %dma_start3A_83 = tpu.memref_slice %arg9[%arg0, %mul3A_82] : memref<2x10240xf32, #tpu.memory_space<hbm>> -> memref<1x640xf32, #tpu.memory_space<hbm>>
    %dma_start3A_84 = tpu.memref_squeeze %dma_start3A_83 : memref<1x640xf32, #tpu.memory_space<hbm>> -> memref<640xf32, #tpu.memory_space<hbm>>
    %dma_start3A_85 = tpu.memref_slice %arg20[%mul3A_80] : memref<10240xf32, #tpu.memory_space<vmem_shared>> -> memref<640xf32, #tpu.memory_space<vmem_shared>>
    tpu.enqueue_dma source(%dma_start3A_85 : memref<640xf32, #tpu.memory_space<vmem_shared>>) target(%dma_start3A_84 : memref<640xf32, #tpu.memory_space<hbm>>) target_semaphore(%arg21 : memref<!tpu.dma_semaphore, #tpu.memory_space<semaphore_mem>>)
    %dma_wait3A_86 = tpu.memref_slice %arg8[%arg0, %mul3A_75] : memref<2x10240xf32, #tpu.memory_space<hbm>> -> memref<1x640xf32, #tpu.memory_space<hbm>>
    %dma_wait3A_87 = tpu.memref_squeeze %dma_wait3A_86 : memref<1x640xf32, #tpu.memory_space<hbm>> -> memref<640xf32, #tpu.memory_space<hbm>>
    %dma_wait3A_88 = tpu.memref_slice %arg19[%mul3A_73] : memref<10240xf32, #tpu.memory_space<vmem_shared>> -> memref<640xf32, #tpu.memory_space<vmem_shared>>
    tpu.wait_dma2 semaphore(%arg21 : memref<!tpu.dma_semaphore, #tpu.memory_space<semaphore_mem>>) src(%dma_wait3A_88 : memref<640xf32, #tpu.memory_space<vmem_shared>>) dst(%dma_wait3A_87 : memref<640xf32, #tpu.memory_space<hbm>>)
    %dma_wait3A_89 = tpu.memref_slice %arg9[%arg0, %mul3A_82] : memref<2x10240xf32, #tpu.memory_space<hbm>> -> memref<1x640xf32, #tpu.memory_space<hbm>>
    %dma_wait3A_90 = tpu.memref_squeeze %dma_wait3A_89 : memref<1x640xf32, #tpu.memory_space<hbm>> -> memref<640xf32, #tpu.memory_space<hbm>>
    %dma_wait3A_91 = tpu.memref_slice %arg20[%mul3A_80] : memref<10240xf32, #tpu.memory_space<vmem_shared>> -> memref<640xf32, #tpu.memory_space<vmem_shared>>
    tpu.wait_dma2 semaphore(%arg21 : memref<!tpu.dma_semaphore, #tpu.memory_space<semaphore_mem>>) src(%dma_wait3A_91 : memref<640xf32, #tpu.memory_space<vmem_shared>>) dst(%dma_wait3A_90 : memref<640xf32, #tpu.memory_space<hbm>>)
    return
  }
}

#map = affine_map<(d0, d1) -> (0, 0, 0)>
#map1 = affine_map<(d0, d1) -> (0, 0)>
module attributes {stable_mosaic.version = 14 : i64} {
  func.func @_deg_kernel(%arg0: i32, %arg1: i32, %arg2: memref<32x125x80xi32, #tpu.memory_space<hbm>>, %arg3: memref<32x125x80xf32, #tpu.memory_space<hbm>>, %arg4: memref<2x10240xf32, #tpu.memory_space<hbm>>, %arg5: memref<125x80xi32, #tpu.memory_space<vmem>>, %arg6: memref<125x80xf32, #tpu.memory_space<vmem>>, %arg7: memref<640xf32, #tpu.memory_space<vmem>>, %arg8: memref<10240xf32, #tpu.memory_space<vmem_shared>>, %arg9: memref<!tpu.dma_semaphore, #tpu.memory_space<semaphore_mem>>) attributes {dimension_semantics = [#tpu.dimension_semantics<core_parallel>, #tpu.dimension_semantics<subcore_parallel>], iteration_bounds = array<i64: 2, 16>, scalar_prefetch = 0 : i64, scratch_operands = 5 : i64, tpu.core_type = #tpu.core_type<sc_vector_subcore>, window_params = [{transform_indices = #map}, {transform_indices = #map}, {transform_indices = #map1}]} {
    %mul3A = arith.constant 16 : i32
    %mul3A_0 = arith.muli %arg0, %mul3A : i32
    %add3A = arith.addi %mul3A_0, %arg1 : i32
    %dma_start3A = arith.constant 0 : i32
    %dma_start3A_1 = arith.constant 0 : i32
    %dma_start3A_2 = tpu.memref_slice %arg2[%add3A, %dma_start3A, %dma_start3A_1] : memref<32x125x80xi32, #tpu.memory_space<hbm>> -> memref<1x125x80xi32, #tpu.memory_space<hbm>>
    %dma_start3A_3 = tpu.memref_squeeze %dma_start3A_2 : memref<1x125x80xi32, #tpu.memory_space<hbm>> -> memref<125x80xi32, #tpu.memory_space<hbm>>
    %dma_start3A_4 = arith.constant 0 : i32
    %dma_start3A_5 = arith.constant 0 : i32
    %dma_start3A_6 = tpu.memref_slice %arg2[%add3A, %dma_start3A_4, %dma_start3A_5] : memref<32x125x80xi32, #tpu.memory_space<hbm>> -> memref<1x125x80xi32, #tpu.memory_space<hbm>>
    %dma_start3A_7 = tpu.memref_squeeze %dma_start3A_6 : memref<1x125x80xi32, #tpu.memory_space<hbm>> -> memref<125x80xi32, #tpu.memory_space<hbm>>
    tpu.enqueue_dma source(%dma_start3A_7 : memref<125x80xi32, #tpu.memory_space<hbm>>) target(%arg5 : memref<125x80xi32, #tpu.memory_space<vmem>>) target_semaphore(%arg9 : memref<!tpu.dma_semaphore, #tpu.memory_space<semaphore_mem>>)
    %dma_start3A_8 = arith.constant 0 : i32
    %dma_start3A_9 = arith.constant 0 : i32
    %dma_start3A_10 = tpu.memref_slice %arg3[%add3A, %dma_start3A_8, %dma_start3A_9] : memref<32x125x80xf32, #tpu.memory_space<hbm>> -> memref<1x125x80xf32, #tpu.memory_space<hbm>>
    %dma_start3A_11 = tpu.memref_squeeze %dma_start3A_10 : memref<1x125x80xf32, #tpu.memory_space<hbm>> -> memref<125x80xf32, #tpu.memory_space<hbm>>
    %dma_start3A_12 = arith.constant 0 : i32
    %dma_start3A_13 = arith.constant 0 : i32
    %dma_start3A_14 = tpu.memref_slice %arg3[%add3A, %dma_start3A_12, %dma_start3A_13] : memref<32x125x80xf32, #tpu.memory_space<hbm>> -> memref<1x125x80xf32, #tpu.memory_space<hbm>>
    %dma_start3A_15 = tpu.memref_squeeze %dma_start3A_14 : memref<1x125x80xf32, #tpu.memory_space<hbm>> -> memref<125x80xf32, #tpu.memory_space<hbm>>
    tpu.enqueue_dma source(%dma_start3A_15 : memref<125x80xf32, #tpu.memory_space<hbm>>) target(%arg6 : memref<125x80xf32, #tpu.memory_space<vmem>>) target_semaphore(%arg9 : memref<!tpu.dma_semaphore, #tpu.memory_space<semaphore_mem>>)
    %scan3A = arith.constant 0 : i32
    %scan3A_16 = arith.constant 0 : i32
    %scan3A_17 = arith.constant 40 : i32
    %scan3A_18 = arith.addi %scan3A_16, %scan3A_17 : i32
    %scan3A_19 = arith.constant 1 : i32
    %scan3A_20 = scf.for %scan3A_51 = %scan3A_16 to %scan3A_18 step %scan3A_19 iter_args(%scan3A_52 = %scan3A) -> (i32)  : i32 {
      %broadcast_in_dim3A = arith.constant 0.000000e+00 : f32
      %broadcast_in_dim3A_53 = vector.broadcast %broadcast_in_dim3A : f32 to vector<16xf32>
      %mul3A_54 = arith.constant 16 : i32
      %mul3A_55 = arith.muli %scan3A_51, %mul3A_54 : i32
      %swap3A = arith.index_cast %mul3A_55 : i32 to index
      %swap3A_56 = tpu.vector_load %arg7[%swap3A] {strides = array<i32>} : memref<640xf32, #tpu.memory_space<vmem>>, vector<16xf32>,
      tpu.vector_store %arg7[%swap3A], %broadcast_in_dim3A_53 {strides = array<i32>} : memref<640xf32, #tpu.memory_space<vmem>>, vector<16xf32>,
      %scan3A_57 = arith.constant 0 : i32
      scf.yield %scan3A_57 : i32
    }
    %scan3A_21 = arith.constant 40 : i32
    %mul3A_22 = arith.constant 640 : i32
    %mul3A_23 = arith.muli %arg1, %mul3A_22 : i32
    "tpu.region"() ({
      %run_scoped3A = tpu.sem_alloc : memref<!tpu.dma_semaphore, #tpu.memory_space<semaphore_mem>>
      %dma_start3A_51 = tpu.memref_slice %arg8[%mul3A_23] : memref<10240xf32, #tpu.memory_space<vmem_shared>> -> memref<640xf32, #tpu.memory_space<vmem_shared>>
      %dma_start3A_52 = tpu.memref_slice %arg8[%mul3A_23] : memref<10240xf32, #tpu.memory_space<vmem_shared>> -> memref<640xf32, #tpu.memory_space<vmem_shared>>
      tpu.enqueue_dma source(%arg7 : memref<640xf32, #tpu.memory_space<vmem>>) target(%dma_start3A_52 : memref<640xf32, #tpu.memory_space<vmem_shared>>) target_semaphore(%run_scoped3A : memref<!tpu.dma_semaphore, #tpu.memory_space<semaphore_mem>>)
      %dma_wait3A_53 = tpu.memref_slice %arg8[%mul3A_23] : memref<10240xf32, #tpu.memory_space<vmem_shared>> -> memref<640xf32, #tpu.memory_space<vmem_shared>>
      %dma_wait3A_54 = tpu.memref_slice %arg8[%mul3A_23] : memref<10240xf32, #tpu.memory_space<vmem_shared>> -> memref<640xf32, #tpu.memory_space<vmem_shared>>
      tpu.wait_dma2 semaphore(%run_scoped3A : memref<!tpu.dma_semaphore, #tpu.memory_space<semaphore_mem>>) src(%arg7 : memref<640xf32, #tpu.memory_space<vmem>>) dst(%dma_wait3A_54 : memref<640xf32, #tpu.memory_space<vmem_shared>>)
      tpu.yield
    }) : () -> ()
    %dma_wait3A = arith.constant 0 : i32
    %dma_wait3A_24 = arith.constant 0 : i32
    %dma_wait3A_25 = tpu.memref_slice %arg2[%add3A, %dma_wait3A, %dma_wait3A_24] : memref<32x125x80xi32, #tpu.memory_space<hbm>> -> memref<1x125x80xi32, #tpu.memory_space<hbm>>
    %dma_wait3A_26 = tpu.memref_squeeze %dma_wait3A_25 : memref<1x125x80xi32, #tpu.memory_space<hbm>> -> memref<125x80xi32, #tpu.memory_space<hbm>>
    %dma_wait3A_27 = arith.constant 0 : i32
    %dma_wait3A_28 = arith.constant 0 : i32
    %dma_wait3A_29 = tpu.memref_slice %arg2[%add3A, %dma_wait3A_27, %dma_wait3A_28] : memref<32x125x80xi32, #tpu.memory_space<hbm>> -> memref<1x125x80xi32, #tpu.memory_space<hbm>>
    %dma_wait3A_30 = tpu.memref_squeeze %dma_wait3A_29 : memref<1x125x80xi32, #tpu.memory_space<hbm>> -> memref<125x80xi32, #tpu.memory_space<hbm>>
    tpu.wait_dma2 semaphore(%arg9 : memref<!tpu.dma_semaphore, #tpu.memory_space<semaphore_mem>>) src(%dma_wait3A_30 : memref<125x80xi32, #tpu.memory_space<hbm>>) dst(%arg5 : memref<125x80xi32, #tpu.memory_space<vmem>>)
    %dma_wait3A_31 = arith.constant 0 : i32
    %dma_wait3A_32 = arith.constant 0 : i32
    %dma_wait3A_33 = tpu.memref_slice %arg3[%add3A, %dma_wait3A_31, %dma_wait3A_32] : memref<32x125x80xf32, #tpu.memory_space<hbm>> -> memref<1x125x80xf32, #tpu.memory_space<hbm>>
    %dma_wait3A_34 = tpu.memref_squeeze %dma_wait3A_33 : memref<1x125x80xf32, #tpu.memory_space<hbm>> -> memref<125x80xf32, #tpu.memory_space<hbm>>
    %dma_wait3A_35 = arith.constant 0 : i32
    %dma_wait3A_36 = arith.constant 0 : i32
    %dma_wait3A_37 = tpu.memref_slice %arg3[%add3A, %dma_wait3A_35, %dma_wait3A_36] : memref<32x125x80xf32, #tpu.memory_space<hbm>> -> memref<1x125x80xf32, #tpu.memory_space<hbm>>
    %dma_wait3A_38 = tpu.memref_squeeze %dma_wait3A_37 : memref<1x125x80xf32, #tpu.memory_space<hbm>> -> memref<125x80xf32, #tpu.memory_space<hbm>>
    tpu.wait_dma2 semaphore(%arg9 : memref<!tpu.dma_semaphore, #tpu.memory_space<semaphore_mem>>) src(%dma_wait3A_38 : memref<125x80xf32, #tpu.memory_space<hbm>>) dst(%arg6 : memref<125x80xf32, #tpu.memory_space<vmem>>)
    %barrier3A = arith.constant 0 : index
    tpu.barrier barrier_id(%barrier3A)
    %scan3A_39 = arith.constant 0 : i32
    %scan3A_40 = arith.constant 0 : i32
    %scan3A_41 = arith.constant 25 : i32
    %scan3A_42 = arith.addi %scan3A_40, %scan3A_41 : i32
    %scan3A_43 = arith.constant 1 : i32
    %scan3A_44 = scf.for %scan3A_51 = %scan3A_40 to %scan3A_42 step %scan3A_43 iter_args(%scan3A_52 = %scan3A_39) -> (i32)  : i32 {
      %mul3A_53 = arith.constant 5 : i32
      %mul3A_54 = arith.muli %scan3A_51, %mul3A_53 : i32
      %add3A_55 = arith.constant 0 : i32
      %add3A_56 = arith.addi %mul3A_54, %add3A_55 : i32
      %dma_start3A_57 = arith.constant 0 : i32
      %dma_start3A_58 = tpu.memref_slice %arg6[%add3A_56, %dma_start3A_57] : memref<125x80xf32, #tpu.memory_space<vmem>> -> memref<1x80xf32, #tpu.memory_space<vmem>>
      %dma_start3A_59 = tpu.memref_squeeze %dma_start3A_58 : memref<1x80xf32, #tpu.memory_space<vmem>> -> memref<80xf32, #tpu.memory_space<vmem>>
      %dma_start3A_60 = arith.constant 0 : i32
      %dma_start3A_61 = tpu.memref_slice %arg5[%add3A_56, %dma_start3A_60] : memref<125x80xi32, #tpu.memory_space<vmem>> -> memref<1x80xi32, #tpu.memory_space<vmem>>
      %dma_start3A_62 = tpu.memref_squeeze %dma_start3A_61 : memref<1x80xi32, #tpu.memory_space<vmem>> -> memref<80xi32, #tpu.memory_space<vmem>>
      %dma_start3A_63 = arith.constant 0 : i32
      %dma_start3A_64 = tpu.memref_slice %arg8[%dma_start3A_63] : memref<10240xf32, #tpu.memory_space<vmem_shared>> -> memref<10240xf32, #tpu.memory_space<vmem_shared>>
      tpu.enqueue_indirect_dma source(%dma_start3A_59 : memref<80xf32, #tpu.memory_space<vmem>>) target(%dma_start3A_64 : memref<10240xf32, #tpu.memory_space<vmem_shared>>) offsets(%dma_start3A_62 : memref<80xi32, #tpu.memory_space<vmem>>) semaphore(%arg9 : memref<!tpu.dma_semaphore, #tpu.memory_space<semaphore_mem>>) {add = true}
      %mul3A_65 = arith.constant 5 : i32
      %mul3A_66 = arith.muli %scan3A_51, %mul3A_65 : i32
      %add3A_67 = arith.constant 1 : i32
      %add3A_68 = arith.addi %mul3A_66, %add3A_67 : i32
      %dma_start3A_69 = arith.constant 0 : i32
      %dma_start3A_70 = tpu.memref_slice %arg6[%add3A_68, %dma_start3A_69] : memref<125x80xf32, #tpu.memory_space<vmem>> -> memref<1x80xf32, #tpu.memory_space<vmem>>
      %dma_start3A_71 = tpu.memref_squeeze %dma_start3A_70 : memref<1x80xf32, #tpu.memory_space<vmem>> -> memref<80xf32, #tpu.memory_space<vmem>>
      %dma_start3A_72 = arith.constant 0 : i32
      %dma_start3A_73 = tpu.memref_slice %arg5[%add3A_68, %dma_start3A_72] : memref<125x80xi32, #tpu.memory_space<vmem>> -> memref<1x80xi32, #tpu.memory_space<vmem>>
      %dma_start3A_74 = tpu.memref_squeeze %dma_start3A_73 : memref<1x80xi32, #tpu.memory_space<vmem>> -> memref<80xi32, #tpu.memory_space<vmem>>
      %dma_start3A_75 = arith.constant 0 : i32
      %dma_start3A_76 = tpu.memref_slice %arg8[%dma_start3A_75] : memref<10240xf32, #tpu.memory_space<vmem_shared>> -> memref<10240xf32, #tpu.memory_space<vmem_shared>>
      tpu.enqueue_indirect_dma source(%dma_start3A_71 : memref<80xf32, #tpu.memory_space<vmem>>) target(%dma_start3A_76 : memref<10240xf32, #tpu.memory_space<vmem_shared>>) offsets(%dma_start3A_74 : memref<80xi32, #tpu.memory_space<vmem>>) semaphore(%arg9 : memref<!tpu.dma_semaphore, #tpu.memory_space<semaphore_mem>>) {add = true}
      %mul3A_77 = arith.constant 5 : i32
      %mul3A_78 = arith.muli %scan3A_51, %mul3A_77 : i32
      %add3A_79 = arith.constant 2 : i32
      %add3A_80 = arith.addi %mul3A_78, %add3A_79 : i32
      %dma_start3A_81 = arith.constant 0 : i32
      %dma_start3A_82 = tpu.memref_slice %arg6[%add3A_80, %dma_start3A_81] : memref<125x80xf32, #tpu.memory_space<vmem>> -> memref<1x80xf32, #tpu.memory_space<vmem>>
      %dma_start3A_83 = tpu.memref_squeeze %dma_start3A_82 : memref<1x80xf32, #tpu.memory_space<vmem>> -> memref<80xf32, #tpu.memory_space<vmem>>
      %dma_start3A_84 = arith.constant 0 : i32
      %dma_start3A_85 = tpu.memref_slice %arg5[%add3A_80, %dma_start3A_84] : memref<125x80xi32, #tpu.memory_space<vmem>> -> memref<1x80xi32, #tpu.memory_space<vmem>>
      %dma_start3A_86 = tpu.memref_squeeze %dma_start3A_85 : memref<1x80xi32, #tpu.memory_space<vmem>> -> memref<80xi32, #tpu.memory_space<vmem>>
      %dma_start3A_87 = arith.constant 0 : i32
      %dma_start3A_88 = tpu.memref_slice %arg8[%dma_start3A_87] : memref<10240xf32, #tpu.memory_space<vmem_shared>> -> memref<10240xf32, #tpu.memory_space<vmem_shared>>
      tpu.enqueue_indirect_dma source(%dma_start3A_83 : memref<80xf32, #tpu.memory_space<vmem>>) target(%dma_start3A_88 : memref<10240xf32, #tpu.memory_space<vmem_shared>>) offsets(%dma_start3A_86 : memref<80xi32, #tpu.memory_space<vmem>>) semaphore(%arg9 : memref<!tpu.dma_semaphore, #tpu.memory_space<semaphore_mem>>) {add = true}
      %mul3A_89 = arith.constant 5 : i32
      %mul3A_90 = arith.muli %scan3A_51, %mul3A_89 : i32
      %add3A_91 = arith.constant 3 : i32
      %add3A_92 = arith.addi %mul3A_90, %add3A_91 : i32
      %dma_start3A_93 = arith.constant 0 : i32
      %dma_start3A_94 = tpu.memref_slice %arg6[%add3A_92, %dma_start3A_93] : memref<125x80xf32, #tpu.memory_space<vmem>> -> memref<1x80xf32, #tpu.memory_space<vmem>>
      %dma_start3A_95 = tpu.memref_squeeze %dma_start3A_94 : memref<1x80xf32, #tpu.memory_space<vmem>> -> memref<80xf32, #tpu.memory_space<vmem>>
      %dma_start3A_96 = arith.constant 0 : i32
      %dma_start3A_97 = tpu.memref_slice %arg5[%add3A_92, %dma_start3A_96] : memref<125x80xi32, #tpu.memory_space<vmem>> -> memref<1x80xi32, #tpu.memory_space<vmem>>
      %dma_start3A_98 = tpu.memref_squeeze %dma_start3A_97 : memref<1x80xi32, #tpu.memory_space<vmem>> -> memref<80xi32, #tpu.memory_space<vmem>>
      %dma_start3A_99 = arith.constant 0 : i32
      %dma_start3A_100 = tpu.memref_slice %arg8[%dma_start3A_99] : memref<10240xf32, #tpu.memory_space<vmem_shared>> -> memref<10240xf32, #tpu.memory_space<vmem_shared>>
      tpu.enqueue_indirect_dma source(%dma_start3A_95 : memref<80xf32, #tpu.memory_space<vmem>>) target(%dma_start3A_100 : memref<10240xf32, #tpu.memory_space<vmem_shared>>) offsets(%dma_start3A_98 : memref<80xi32, #tpu.memory_space<vmem>>) semaphore(%arg9 : memref<!tpu.dma_semaphore, #tpu.memory_space<semaphore_mem>>) {add = true}
      %mul3A_101 = arith.constant 5 : i32
      %mul3A_102 = arith.muli %scan3A_51, %mul3A_101 : i32
      %add3A_103 = arith.constant 4 : i32
      %add3A_104 = arith.addi %mul3A_102, %add3A_103 : i32
      %dma_start3A_105 = arith.constant 0 : i32
      %dma_start3A_106 = tpu.memref_slice %arg6[%add3A_104, %dma_start3A_105] : memref<125x80xf32, #tpu.memory_space<vmem>> -> memref<1x80xf32, #tpu.memory_space<vmem>>
      %dma_start3A_107 = tpu.memref_squeeze %dma_start3A_106 : memref<1x80xf32, #tpu.memory_space<vmem>> -> memref<80xf32, #tpu.memory_space<vmem>>
      %dma_start3A_108 = arith.constant 0 : i32
      %dma_start3A_109 = tpu.memref_slice %arg5[%add3A_104, %dma_start3A_108] : memref<125x80xi32, #tpu.memory_space<vmem>> -> memref<1x80xi32, #tpu.memory_space<vmem>>
      %dma_start3A_110 = tpu.memref_squeeze %dma_start3A_109 : memref<1x80xi32, #tpu.memory_space<vmem>> -> memref<80xi32, #tpu.memory_space<vmem>>
      %dma_start3A_111 = arith.constant 0 : i32
      %dma_start3A_112 = tpu.memref_slice %arg8[%dma_start3A_111] : memref<10240xf32, #tpu.memory_space<vmem_shared>> -> memref<10240xf32, #tpu.memory_space<vmem_shared>>
      tpu.enqueue_indirect_dma source(%dma_start3A_107 : memref<80xf32, #tpu.memory_space<vmem>>) target(%dma_start3A_112 : memref<10240xf32, #tpu.memory_space<vmem_shared>>) offsets(%dma_start3A_110 : memref<80xi32, #tpu.memory_space<vmem>>) semaphore(%arg9 : memref<!tpu.dma_semaphore, #tpu.memory_space<semaphore_mem>>) {add = true}
      %dma_wait3A_113 = arith.constant 0 : i32
      %dma_wait3A_114 = tpu.memref_slice %arg6[%add3A_56, %dma_wait3A_113] : memref<125x80xf32, #tpu.memory_space<vmem>> -> memref<1x80xf32, #tpu.memory_space<vmem>>
      %dma_wait3A_115 = tpu.memref_squeeze %dma_wait3A_114 : memref<1x80xf32, #tpu.memory_space<vmem>> -> memref<80xf32, #tpu.memory_space<vmem>>
      %dma_wait3A_116 = arith.constant 0 : i32
      %dma_wait3A_117 = tpu.memref_slice %arg5[%add3A_56, %dma_wait3A_116] : memref<125x80xi32, #tpu.memory_space<vmem>> -> memref<1x80xi32, #tpu.memory_space<vmem>>
      %dma_wait3A_118 = tpu.memref_squeeze %dma_wait3A_117 : memref<1x80xi32, #tpu.memory_space<vmem>> -> memref<80xi32, #tpu.memory_space<vmem>>
      %dma_wait3A_119 = arith.constant 0 : i32
      %dma_wait3A_120 = tpu.memref_slice %arg8[%dma_wait3A_119] : memref<10240xf32, #tpu.memory_space<vmem_shared>> -> memref<10240xf32, #tpu.memory_space<vmem_shared>>
      tpu.wait_indirect_dma semaphore(%arg9 : memref<!tpu.dma_semaphore, #tpu.memory_space<semaphore_mem>>) src(%dma_wait3A_115 : memref<80xf32, #tpu.memory_space<vmem>>) dst(%dma_wait3A_120 : memref<10240xf32, #tpu.memory_space<vmem_shared>>)
      %dma_wait3A_121 = arith.constant 0 : i32
      %dma_wait3A_122 = tpu.memref_slice %arg6[%add3A_68, %dma_wait3A_121] : memref<125x80xf32, #tpu.memory_space<vmem>> -> memref<1x80xf32, #tpu.memory_space<vmem>>
      %dma_wait3A_123 = tpu.memref_squeeze %dma_wait3A_122 : memref<1x80xf32, #tpu.memory_space<vmem>> -> memref<80xf32, #tpu.memory_space<vmem>>
      %dma_wait3A_124 = arith.constant 0 : i32
      %dma_wait3A_125 = tpu.memref_slice %arg5[%add3A_68, %dma_wait3A_124] : memref<125x80xi32, #tpu.memory_space<vmem>> -> memref<1x80xi32, #tpu.memory_space<vmem>>
      %dma_wait3A_126 = tpu.memref_squeeze %dma_wait3A_125 : memref<1x80xi32, #tpu.memory_space<vmem>> -> memref<80xi32, #tpu.memory_space<vmem>>
      %dma_wait3A_127 = arith.constant 0 : i32
      %dma_wait3A_128 = tpu.memref_slice %arg8[%dma_wait3A_127] : memref<10240xf32, #tpu.memory_space<vmem_shared>> -> memref<10240xf32, #tpu.memory_space<vmem_shared>>
      tpu.wait_indirect_dma semaphore(%arg9 : memref<!tpu.dma_semaphore, #tpu.memory_space<semaphore_mem>>) src(%dma_wait3A_123 : memref<80xf32, #tpu.memory_space<vmem>>) dst(%dma_wait3A_128 : memref<10240xf32, #tpu.memory_space<vmem_shared>>)
      %dma_wait3A_129 = arith.constant 0 : i32
      %dma_wait3A_130 = tpu.memref_slice %arg6[%add3A_80, %dma_wait3A_129] : memref<125x80xf32, #tpu.memory_space<vmem>> -> memref<1x80xf32, #tpu.memory_space<vmem>>
      %dma_wait3A_131 = tpu.memref_squeeze %dma_wait3A_130 : memref<1x80xf32, #tpu.memory_space<vmem>> -> memref<80xf32, #tpu.memory_space<vmem>>
      %dma_wait3A_132 = arith.constant 0 : i32
      %dma_wait3A_133 = tpu.memref_slice %arg5[%add3A_80, %dma_wait3A_132] : memref<125x80xi32, #tpu.memory_space<vmem>> -> memref<1x80xi32, #tpu.memory_space<vmem>>
      %dma_wait3A_134 = tpu.memref_squeeze %dma_wait3A_133 : memref<1x80xi32, #tpu.memory_space<vmem>> -> memref<80xi32, #tpu.memory_space<vmem>>
      %dma_wait3A_135 = arith.constant 0 : i32
      %dma_wait3A_136 = tpu.memref_slice %arg8[%dma_wait3A_135] : memref<10240xf32, #tpu.memory_space<vmem_shared>> -> memref<10240xf32, #tpu.memory_space<vmem_shared>>
      tpu.wait_indirect_dma semaphore(%arg9 : memref<!tpu.dma_semaphore, #tpu.memory_space<semaphore_mem>>) src(%dma_wait3A_131 : memref<80xf32, #tpu.memory_space<vmem>>) dst(%dma_wait3A_136 : memref<10240xf32, #tpu.memory_space<vmem_shared>>)
      %dma_wait3A_137 = arith.constant 0 : i32
      %dma_wait3A_138 = tpu.memref_slice %arg6[%add3A_92, %dma_wait3A_137] : memref<125x80xf32, #tpu.memory_space<vmem>> -> memref<1x80xf32, #tpu.memory_space<vmem>>
      %dma_wait3A_139 = tpu.memref_squeeze %dma_wait3A_138 : memref<1x80xf32, #tpu.memory_space<vmem>> -> memref<80xf32, #tpu.memory_space<vmem>>
      %dma_wait3A_140 = arith.constant 0 : i32
      %dma_wait3A_141 = tpu.memref_slice %arg5[%add3A_92, %dma_wait3A_140] : memref<125x80xi32, #tpu.memory_space<vmem>> -> memref<1x80xi32, #tpu.memory_space<vmem>>
      %dma_wait3A_142 = tpu.memref_squeeze %dma_wait3A_141 : memref<1x80xi32, #tpu.memory_space<vmem>> -> memref<80xi32, #tpu.memory_space<vmem>>
      %dma_wait3A_143 = arith.constant 0 : i32
      %dma_wait3A_144 = tpu.memref_slice %arg8[%dma_wait3A_143] : memref<10240xf32, #tpu.memory_space<vmem_shared>> -> memref<10240xf32, #tpu.memory_space<vmem_shared>>
      tpu.wait_indirect_dma semaphore(%arg9 : memref<!tpu.dma_semaphore, #tpu.memory_space<semaphore_mem>>) src(%dma_wait3A_139 : memref<80xf32, #tpu.memory_space<vmem>>) dst(%dma_wait3A_144 : memref<10240xf32, #tpu.memory_space<vmem_shared>>)
      %dma_wait3A_145 = arith.constant 0 : i32
      %dma_wait3A_146 = tpu.memref_slice %arg6[%add3A_104, %dma_wait3A_145] : memref<125x80xf32, #tpu.memory_space<vmem>> -> memref<1x80xf32, #tpu.memory_space<vmem>>
      %dma_wait3A_147 = tpu.memref_squeeze %dma_wait3A_146 : memref<1x80xf32, #tpu.memory_space<vmem>> -> memref<80xf32, #tpu.memory_space<vmem>>
      %dma_wait3A_148 = arith.constant 0 : i32
      %dma_wait3A_149 = tpu.memref_slice %arg5[%add3A_104, %dma_wait3A_148] : memref<125x80xi32, #tpu.memory_space<vmem>> -> memref<1x80xi32, #tpu.memory_space<vmem>>
      %dma_wait3A_150 = tpu.memref_squeeze %dma_wait3A_149 : memref<1x80xi32, #tpu.memory_space<vmem>> -> memref<80xi32, #tpu.memory_space<vmem>>
      %dma_wait3A_151 = arith.constant 0 : i32
      %dma_wait3A_152 = tpu.memref_slice %arg8[%dma_wait3A_151] : memref<10240xf32, #tpu.memory_space<vmem_shared>> -> memref<10240xf32, #tpu.memory_space<vmem_shared>>
      tpu.wait_indirect_dma semaphore(%arg9 : memref<!tpu.dma_semaphore, #tpu.memory_space<semaphore_mem>>) src(%dma_wait3A_147 : memref<80xf32, #tpu.memory_space<vmem>>) dst(%dma_wait3A_152 : memref<10240xf32, #tpu.memory_space<vmem_shared>>)
      %scan3A_153 = arith.constant 0 : i32
      scf.yield %scan3A_153 : i32
    }
    %scan3A_45 = arith.constant 25 : i32
    %barrier3A_46 = arith.constant 0 : index
    tpu.barrier barrier_id(%barrier3A_46)
    %mul3A_47 = arith.constant 640 : i32
    %mul3A_48 = arith.muli %arg1, %mul3A_47 : i32
    %mul3A_49 = arith.constant 640 : i32
    %mul3A_50 = arith.muli %arg1, %mul3A_49 : i32
    "tpu.region"() ({
      %run_scoped3A = tpu.sem_alloc : memref<!tpu.dma_semaphore, #tpu.memory_space<semaphore_mem>>
      %dma_start3A_51 = tpu.memref_slice %arg4[%arg0, %mul3A_50] : memref<2x10240xf32, #tpu.memory_space<hbm>> -> memref<1x640xf32, #tpu.memory_space<hbm>>
      %dma_start3A_52 = tpu.memref_squeeze %dma_start3A_51 : memref<1x640xf32, #tpu.memory_space<hbm>> -> memref<640xf32, #tpu.memory_space<hbm>>
      %dma_start3A_53 = tpu.memref_slice %arg8[%mul3A_48] : memref<10240xf32, #tpu.memory_space<vmem_shared>> -> memref<640xf32, #tpu.memory_space<vmem_shared>>
      tpu.enqueue_dma source(%dma_start3A_53 : memref<640xf32, #tpu.memory_space<vmem_shared>>) target(%dma_start3A_52 : memref<640xf32, #tpu.memory_space<hbm>>) target_semaphore(%run_scoped3A : memref<!tpu.dma_semaphore, #tpu.memory_space<semaphore_mem>>)
      %dma_wait3A_54 = tpu.memref_slice %arg4[%arg0, %mul3A_50] : memref<2x10240xf32, #tpu.memory_space<hbm>> -> memref<1x640xf32, #tpu.memory_space<hbm>>
      %dma_wait3A_55 = tpu.memref_squeeze %dma_wait3A_54 : memref<1x640xf32, #tpu.memory_space<hbm>> -> memref<640xf32, #tpu.memory_space<hbm>>
      %dma_wait3A_56 = tpu.memref_slice %arg8[%mul3A_48] : memref<10240xf32, #tpu.memory_space<vmem_shared>> -> memref<640xf32, #tpu.memory_space<vmem_shared>>
      tpu.wait_dma2 semaphore(%run_scoped3A : memref<!tpu.dma_semaphore, #tpu.memory_space<semaphore_mem>>) src(%dma_wait3A_56 : memref<640xf32, #tpu.memory_space<vmem_shared>>) dst(%dma_wait3A_55 : memref<640xf32, #tpu.memory_space<hbm>>)
      tpu.yield
    }) : () -> ()
    return
  }
}

#map = affine_map<(d0, d1) -> (0, 0, 0)>
#map1 = affine_map<(d0, d1) -> (0)>
module attributes {stable_mosaic.version = 14 : i64} {
  func.func @_scat_kernel(%arg0: i32, %arg1: i32, %arg2: memref<32x4x80xi32, #tpu.memory_space<hbm>>, %arg3: memref<32x4x80xf32, #tpu.memory_space<hbm>>, %arg4: memref<32x4x80xf32, #tpu.memory_space<hbm>>, %arg5: memref<10240xf32, #tpu.memory_space<hbm>>, %arg6: memref<10240xf32, #tpu.memory_space<hbm>>, %arg7: memref<4x80xi32, #tpu.memory_space<vmem>>, %arg8: memref<4x80xf32, #tpu.memory_space<vmem>>, %arg9: memref<4x80xf32, #tpu.memory_space<vmem>>, %arg10: memref<!tpu.dma_semaphore, #tpu.memory_space<semaphore_mem>>) attributes {dimension_semantics = [#tpu.dimension_semantics<core_parallel>, #tpu.dimension_semantics<subcore_parallel>], iteration_bounds = array<i64: 2, 16>, scalar_prefetch = 0 : i64, scratch_operands = 4 : i64, tpu.core_type = #tpu.core_type<sc_vector_subcore>, window_params = [{transform_indices = #map}, {transform_indices = #map}, {transform_indices = #map}, {transform_indices = #map1}, {transform_indices = #map1}]} {
    %mul3A = arith.constant 16 : i32
    %mul3A_0 = arith.muli %arg0, %mul3A : i32
    %add3A = arith.addi %mul3A_0, %arg1 : i32
    %dma_start3A = arith.constant 0 : i32
    %dma_start3A_1 = arith.constant 0 : i32
    %dma_start3A_2 = tpu.memref_slice %arg2[%add3A, %dma_start3A, %dma_start3A_1] : memref<32x4x80xi32, #tpu.memory_space<hbm>> -> memref<1x4x80xi32, #tpu.memory_space<hbm>>
    %dma_start3A_3 = tpu.memref_squeeze %dma_start3A_2 : memref<1x4x80xi32, #tpu.memory_space<hbm>> -> memref<4x80xi32, #tpu.memory_space<hbm>>
    %dma_start3A_4 = arith.constant 0 : i32
    %dma_start3A_5 = arith.constant 0 : i32
    %dma_start3A_6 = tpu.memref_slice %arg2[%add3A, %dma_start3A_4, %dma_start3A_5] : memref<32x4x80xi32, #tpu.memory_space<hbm>> -> memref<1x4x80xi32, #tpu.memory_space<hbm>>
    %dma_start3A_7 = tpu.memref_squeeze %dma_start3A_6 : memref<1x4x80xi32, #tpu.memory_space<hbm>> -> memref<4x80xi32, #tpu.memory_space<hbm>>
    tpu.enqueue_dma source(%dma_start3A_7 : memref<4x80xi32, #tpu.memory_space<hbm>>) target(%arg7 : memref<4x80xi32, #tpu.memory_space<vmem>>) target_semaphore(%arg10 : memref<!tpu.dma_semaphore, #tpu.memory_space<semaphore_mem>>)
    %dma_start3A_8 = arith.constant 0 : i32
    %dma_start3A_9 = arith.constant 0 : i32
    %dma_start3A_10 = tpu.memref_slice %arg3[%add3A, %dma_start3A_8, %dma_start3A_9] : memref<32x4x80xf32, #tpu.memory_space<hbm>> -> memref<1x4x80xf32, #tpu.memory_space<hbm>>
    %dma_start3A_11 = tpu.memref_squeeze %dma_start3A_10 : memref<1x4x80xf32, #tpu.memory_space<hbm>> -> memref<4x80xf32, #tpu.memory_space<hbm>>
    %dma_start3A_12 = arith.constant 0 : i32
    %dma_start3A_13 = arith.constant 0 : i32
    %dma_start3A_14 = tpu.memref_slice %arg3[%add3A, %dma_start3A_12, %dma_start3A_13] : memref<32x4x80xf32, #tpu.memory_space<hbm>> -> memref<1x4x80xf32, #tpu.memory_space<hbm>>
    %dma_start3A_15 = tpu.memref_squeeze %dma_start3A_14 : memref<1x4x80xf32, #tpu.memory_space<hbm>> -> memref<4x80xf32, #tpu.memory_space<hbm>>
    tpu.enqueue_dma source(%dma_start3A_15 : memref<4x80xf32, #tpu.memory_space<hbm>>) target(%arg8 : memref<4x80xf32, #tpu.memory_space<vmem>>) target_semaphore(%arg10 : memref<!tpu.dma_semaphore, #tpu.memory_space<semaphore_mem>>)
    %dma_start3A_16 = arith.constant 0 : i32
    %dma_start3A_17 = arith.constant 0 : i32
    %dma_start3A_18 = tpu.memref_slice %arg4[%add3A, %dma_start3A_16, %dma_start3A_17] : memref<32x4x80xf32, #tpu.memory_space<hbm>> -> memref<1x4x80xf32, #tpu.memory_space<hbm>>
    %dma_start3A_19 = tpu.memref_squeeze %dma_start3A_18 : memref<1x4x80xf32, #tpu.memory_space<hbm>> -> memref<4x80xf32, #tpu.memory_space<hbm>>
    %dma_start3A_20 = arith.constant 0 : i32
    %dma_start3A_21 = arith.constant 0 : i32
    %dma_start3A_22 = tpu.memref_slice %arg4[%add3A, %dma_start3A_20, %dma_start3A_21] : memref<32x4x80xf32, #tpu.memory_space<hbm>> -> memref<1x4x80xf32, #tpu.memory_space<hbm>>
    %dma_start3A_23 = tpu.memref_squeeze %dma_start3A_22 : memref<1x4x80xf32, #tpu.memory_space<hbm>> -> memref<4x80xf32, #tpu.memory_space<hbm>>
    tpu.enqueue_dma source(%dma_start3A_23 : memref<4x80xf32, #tpu.memory_space<hbm>>) target(%arg9 : memref<4x80xf32, #tpu.memory_space<vmem>>) target_semaphore(%arg10 : memref<!tpu.dma_semaphore, #tpu.memory_space<semaphore_mem>>)
    %dma_wait3A = arith.constant 0 : i32
    %dma_wait3A_24 = arith.constant 0 : i32
    %dma_wait3A_25 = tpu.memref_slice %arg2[%add3A, %dma_wait3A, %dma_wait3A_24] : memref<32x4x80xi32, #tpu.memory_space<hbm>> -> memref<1x4x80xi32, #tpu.memory_space<hbm>>
    %dma_wait3A_26 = tpu.memref_squeeze %dma_wait3A_25 : memref<1x4x80xi32, #tpu.memory_space<hbm>> -> memref<4x80xi32, #tpu.memory_space<hbm>>
    %dma_wait3A_27 = arith.constant 0 : i32
    %dma_wait3A_28 = arith.constant 0 : i32
    %dma_wait3A_29 = tpu.memref_slice %arg2[%add3A, %dma_wait3A_27, %dma_wait3A_28] : memref<32x4x80xi32, #tpu.memory_space<hbm>> -> memref<1x4x80xi32, #tpu.memory_space<hbm>>
    %dma_wait3A_30 = tpu.memref_squeeze %dma_wait3A_29 : memref<1x4x80xi32, #tpu.memory_space<hbm>> -> memref<4x80xi32, #tpu.memory_space<hbm>>
    tpu.wait_dma2 semaphore(%arg10 : memref<!tpu.dma_semaphore, #tpu.memory_space<semaphore_mem>>) src(%dma_wait3A_30 : memref<4x80xi32, #tpu.memory_space<hbm>>) dst(%arg7 : memref<4x80xi32, #tpu.memory_space<vmem>>)
    %dma_wait3A_31 = arith.constant 0 : i32
    %dma_wait3A_32 = arith.constant 0 : i32
    %dma_wait3A_33 = tpu.memref_slice %arg3[%add3A, %dma_wait3A_31, %dma_wait3A_32] : memref<32x4x80xf32, #tpu.memory_space<hbm>> -> memref<1x4x80xf32, #tpu.memory_space<hbm>>
    %dma_wait3A_34 = tpu.memref_squeeze %dma_wait3A_33 : memref<1x4x80xf32, #tpu.memory_space<hbm>> -> memref<4x80xf32, #tpu.memory_space<hbm>>
    %dma_wait3A_35 = arith.constant 0 : i32
    %dma_wait3A_36 = arith.constant 0 : i32
    %dma_wait3A_37 = tpu.memref_slice %arg3[%add3A, %dma_wait3A_35, %dma_wait3A_36] : memref<32x4x80xf32, #tpu.memory_space<hbm>> -> memref<1x4x80xf32, #tpu.memory_space<hbm>>
    %dma_wait3A_38 = tpu.memref_squeeze %dma_wait3A_37 : memref<1x4x80xf32, #tpu.memory_space<hbm>> -> memref<4x80xf32, #tpu.memory_space<hbm>>
    tpu.wait_dma2 semaphore(%arg10 : memref<!tpu.dma_semaphore, #tpu.memory_space<semaphore_mem>>) src(%dma_wait3A_38 : memref<4x80xf32, #tpu.memory_space<hbm>>) dst(%arg8 : memref<4x80xf32, #tpu.memory_space<vmem>>)
    %dma_wait3A_39 = arith.constant 0 : i32
    %dma_wait3A_40 = arith.constant 0 : i32
    %dma_wait3A_41 = tpu.memref_slice %arg4[%add3A, %dma_wait3A_39, %dma_wait3A_40] : memref<32x4x80xf32, #tpu.memory_space<hbm>> -> memref<1x4x80xf32, #tpu.memory_space<hbm>>
    %dma_wait3A_42 = tpu.memref_squeeze %dma_wait3A_41 : memref<1x4x80xf32, #tpu.memory_space<hbm>> -> memref<4x80xf32, #tpu.memory_space<hbm>>
    %dma_wait3A_43 = arith.constant 0 : i32
    %dma_wait3A_44 = arith.constant 0 : i32
    %dma_wait3A_45 = tpu.memref_slice %arg4[%add3A, %dma_wait3A_43, %dma_wait3A_44] : memref<32x4x80xf32, #tpu.memory_space<hbm>> -> memref<1x4x80xf32, #tpu.memory_space<hbm>>
    %dma_wait3A_46 = tpu.memref_squeeze %dma_wait3A_45 : memref<1x4x80xf32, #tpu.memory_space<hbm>> -> memref<4x80xf32, #tpu.memory_space<hbm>>
    tpu.wait_dma2 semaphore(%arg10 : memref<!tpu.dma_semaphore, #tpu.memory_space<semaphore_mem>>) src(%dma_wait3A_46 : memref<4x80xf32, #tpu.memory_space<hbm>>) dst(%arg9 : memref<4x80xf32, #tpu.memory_space<vmem>>)
    %dma_start3A_47 = arith.constant 0 : i32
    %dma_start3A_48 = arith.constant 0 : i32
    %dma_start3A_49 = arith.constant 0 : i32
    %dma_start3A_50 = tpu.memref_slice %arg8[%dma_start3A_47, %dma_start3A_49] : memref<4x80xf32, #tpu.memory_space<vmem>> -> memref<1x80xf32, #tpu.memory_space<vmem>>
    %dma_start3A_51 = tpu.memref_squeeze %dma_start3A_50 : memref<1x80xf32, #tpu.memory_space<vmem>> -> memref<80xf32, #tpu.memory_space<vmem>>
    %dma_start3A_52 = arith.constant 0 : i32
    %dma_start3A_53 = tpu.memref_slice %arg7[%dma_start3A_48, %dma_start3A_52] : memref<4x80xi32, #tpu.memory_space<vmem>> -> memref<1x80xi32, #tpu.memory_space<vmem>>
    %dma_start3A_54 = tpu.memref_squeeze %dma_start3A_53 : memref<1x80xi32, #tpu.memory_space<vmem>> -> memref<80xi32, #tpu.memory_space<vmem>>
    %dma_start3A_55 = arith.constant 0 : i32
    %dma_start3A_56 = tpu.memref_slice %arg5[%dma_start3A_55] : memref<10240xf32, #tpu.memory_space<hbm>> -> memref<10240xf32, #tpu.memory_space<hbm>>
    tpu.enqueue_indirect_dma source(%dma_start3A_51 : memref<80xf32, #tpu.memory_space<vmem>>) target(%dma_start3A_56 : memref<10240xf32, #tpu.memory_space<hbm>>) offsets(%dma_start3A_54 : memref<80xi32, #tpu.memory_space<vmem>>) semaphore(%arg10 : memref<!tpu.dma_semaphore, #tpu.memory_space<semaphore_mem>>)
    %dma_start3A_57 = arith.constant 0 : i32
    %dma_start3A_58 = arith.constant 0 : i32
    %dma_start3A_59 = arith.constant 0 : i32
    %dma_start3A_60 = tpu.memref_slice %arg9[%dma_start3A_57, %dma_start3A_59] : memref<4x80xf32, #tpu.memory_space<vmem>> -> memref<1x80xf32, #tpu.memory_space<vmem>>
    %dma_start3A_61 = tpu.memref_squeeze %dma_start3A_60 : memref<1x80xf32, #tpu.memory_space<vmem>> -> memref<80xf32, #tpu.memory_space<vmem>>
    %dma_start3A_62 = arith.constant 0 : i32
    %dma_start3A_63 = tpu.memref_slice %arg7[%dma_start3A_58, %dma_start3A_62] : memref<4x80xi32, #tpu.memory_space<vmem>> -> memref<1x80xi32, #tpu.memory_space<vmem>>
    %dma_start3A_64 = tpu.memref_squeeze %dma_start3A_63 : memref<1x80xi32, #tpu.memory_space<vmem>> -> memref<80xi32, #tpu.memory_space<vmem>>
    %dma_start3A_65 = arith.constant 0 : i32
    %dma_start3A_66 = tpu.memref_slice %arg6[%dma_start3A_65] : memref<10240xf32, #tpu.memory_space<hbm>> -> memref<10240xf32, #tpu.memory_space<hbm>>
    tpu.enqueue_indirect_dma source(%dma_start3A_61 : memref<80xf32, #tpu.memory_space<vmem>>) target(%dma_start3A_66 : memref<10240xf32, #tpu.memory_space<hbm>>) offsets(%dma_start3A_64 : memref<80xi32, #tpu.memory_space<vmem>>) semaphore(%arg10 : memref<!tpu.dma_semaphore, #tpu.memory_space<semaphore_mem>>)
    %dma_start3A_67 = arith.constant 1 : i32
    %dma_start3A_68 = arith.constant 1 : i32
    %dma_start3A_69 = arith.constant 0 : i32
    %dma_start3A_70 = tpu.memref_slice %arg8[%dma_start3A_67, %dma_start3A_69] : memref<4x80xf32, #tpu.memory_space<vmem>> -> memref<1x80xf32, #tpu.memory_space<vmem>>
    %dma_start3A_71 = tpu.memref_squeeze %dma_start3A_70 : memref<1x80xf32, #tpu.memory_space<vmem>> -> memref<80xf32, #tpu.memory_space<vmem>>
    %dma_start3A_72 = arith.constant 0 : i32
    %dma_start3A_73 = tpu.memref_slice %arg7[%dma_start3A_68, %dma_start3A_72] : memref<4x80xi32, #tpu.memory_space<vmem>> -> memref<1x80xi32, #tpu.memory_space<vmem>>
    %dma_start3A_74 = tpu.memref_squeeze %dma_start3A_73 : memref<1x80xi32, #tpu.memory_space<vmem>> -> memref<80xi32, #tpu.memory_space<vmem>>
    %dma_start3A_75 = arith.constant 0 : i32
    %dma_start3A_76 = tpu.memref_slice %arg5[%dma_start3A_75] : memref<10240xf32, #tpu.memory_space<hbm>> -> memref<10240xf32, #tpu.memory_space<hbm>>
    tpu.enqueue_indirect_dma source(%dma_start3A_71 : memref<80xf32, #tpu.memory_space<vmem>>) target(%dma_start3A_76 : memref<10240xf32, #tpu.memory_space<hbm>>) offsets(%dma_start3A_74 : memref<80xi32, #tpu.memory_space<vmem>>) semaphore(%arg10 : memref<!tpu.dma_semaphore, #tpu.memory_space<semaphore_mem>>)
    %dma_start3A_77 = arith.constant 1 : i32
    %dma_start3A_78 = arith.constant 1 : i32
    %dma_start3A_79 = arith.constant 0 : i32
    %dma_start3A_80 = tpu.memref_slice %arg9[%dma_start3A_77, %dma_start3A_79] : memref<4x80xf32, #tpu.memory_space<vmem>> -> memref<1x80xf32, #tpu.memory_space<vmem>>
    %dma_start3A_81 = tpu.memref_squeeze %dma_start3A_80 : memref<1x80xf32, #tpu.memory_space<vmem>> -> memref<80xf32, #tpu.memory_space<vmem>>
    %dma_start3A_82 = arith.constant 0 : i32
    %dma_start3A_83 = tpu.memref_slice %arg7[%dma_start3A_78, %dma_start3A_82] : memref<4x80xi32, #tpu.memory_space<vmem>> -> memref<1x80xi32, #tpu.memory_space<vmem>>
    %dma_start3A_84 = tpu.memref_squeeze %dma_start3A_83 : memref<1x80xi32, #tpu.memory_space<vmem>> -> memref<80xi32, #tpu.memory_space<vmem>>
    %dma_start3A_85 = arith.constant 0 : i32
    %dma_start3A_86 = tpu.memref_slice %arg6[%dma_start3A_85] : memref<10240xf32, #tpu.memory_space<hbm>> -> memref<10240xf32, #tpu.memory_space<hbm>>
    tpu.enqueue_indirect_dma source(%dma_start3A_81 : memref<80xf32, #tpu.memory_space<vmem>>) target(%dma_start3A_86 : memref<10240xf32, #tpu.memory_space<hbm>>) offsets(%dma_start3A_84 : memref<80xi32, #tpu.memory_space<vmem>>) semaphore(%arg10 : memref<!tpu.dma_semaphore, #tpu.memory_space<semaphore_mem>>)
    %dma_start3A_87 = arith.constant 2 : i32
    %dma_start3A_88 = arith.constant 2 : i32
    %dma_start3A_89 = arith.constant 0 : i32
    %dma_start3A_90 = tpu.memref_slice %arg8[%dma_start3A_87, %dma_start3A_89] : memref<4x80xf32, #tpu.memory_space<vmem>> -> memref<1x80xf32, #tpu.memory_space<vmem>>
    %dma_start3A_91 = tpu.memref_squeeze %dma_start3A_90 : memref<1x80xf32, #tpu.memory_space<vmem>> -> memref<80xf32, #tpu.memory_space<vmem>>
    %dma_start3A_92 = arith.constant 0 : i32
    %dma_start3A_93 = tpu.memref_slice %arg7[%dma_start3A_88, %dma_start3A_92] : memref<4x80xi32, #tpu.memory_space<vmem>> -> memref<1x80xi32, #tpu.memory_space<vmem>>
    %dma_start3A_94 = tpu.memref_squeeze %dma_start3A_93 : memref<1x80xi32, #tpu.memory_space<vmem>> -> memref<80xi32, #tpu.memory_space<vmem>>
    %dma_start3A_95 = arith.constant 0 : i32
    %dma_start3A_96 = tpu.memref_slice %arg5[%dma_start3A_95] : memref<10240xf32, #tpu.memory_space<hbm>> -> memref<10240xf32, #tpu.memory_space<hbm>>
    tpu.enqueue_indirect_dma source(%dma_start3A_91 : memref<80xf32, #tpu.memory_space<vmem>>) target(%dma_start3A_96 : memref<10240xf32, #tpu.memory_space<hbm>>) offsets(%dma_start3A_94 : memref<80xi32, #tpu.memory_space<vmem>>) semaphore(%arg10 : memref<!tpu.dma_semaphore, #tpu.memory_space<semaphore_mem>>)
    %dma_start3A_97 = arith.constant 2 : i32
    %dma_start3A_98 = arith.constant 2 : i32
    %dma_start3A_99 = arith.constant 0 : i32
    %dma_start3A_100 = tpu.memref_slice %arg9[%dma_start3A_97, %dma_start3A_99] : memref<4x80xf32, #tpu.memory_space<vmem>> -> memref<1x80xf32, #tpu.memory_space<vmem>>
    %dma_start3A_101 = tpu.memref_squeeze %dma_start3A_100 : memref<1x80xf32, #tpu.memory_space<vmem>> -> memref<80xf32, #tpu.memory_space<vmem>>
    %dma_start3A_102 = arith.constant 0 : i32
    %dma_start3A_103 = tpu.memref_slice %arg7[%dma_start3A_98, %dma_start3A_102] : memref<4x80xi32, #tpu.memory_space<vmem>> -> memref<1x80xi32, #tpu.memory_space<vmem>>
    %dma_start3A_104 = tpu.memref_squeeze %dma_start3A_103 : memref<1x80xi32, #tpu.memory_space<vmem>> -> memref<80xi32, #tpu.memory_space<vmem>>
    %dma_start3A_105 = arith.constant 0 : i32
    %dma_start3A_106 = tpu.memref_slice %arg6[%dma_start3A_105] : memref<10240xf32, #tpu.memory_space<hbm>> -> memref<10240xf32, #tpu.memory_space<hbm>>
    tpu.enqueue_indirect_dma source(%dma_start3A_101 : memref<80xf32, #tpu.memory_space<vmem>>) target(%dma_start3A_106 : memref<10240xf32, #tpu.memory_space<hbm>>) offsets(%dma_start3A_104 : memref<80xi32, #tpu.memory_space<vmem>>) semaphore(%arg10 : memref<!tpu.dma_semaphore, #tpu.memory_space<semaphore_mem>>)
    %dma_start3A_107 = arith.constant 3 : i32
    %dma_start3A_108 = arith.constant 3 : i32
    %dma_start3A_109 = arith.constant 0 : i32
    %dma_start3A_110 = tpu.memref_slice %arg8[%dma_start3A_107, %dma_start3A_109] : memref<4x80xf32, #tpu.memory_space<vmem>> -> memref<1x80xf32, #tpu.memory_space<vmem>>
    %dma_start3A_111 = tpu.memref_squeeze %dma_start3A_110 : memref<1x80xf32, #tpu.memory_space<vmem>> -> memref<80xf32, #tpu.memory_space<vmem>>
    %dma_start3A_112 = arith.constant 0 : i32
    %dma_start3A_113 = tpu.memref_slice %arg7[%dma_start3A_108, %dma_start3A_112] : memref<4x80xi32, #tpu.memory_space<vmem>> -> memref<1x80xi32, #tpu.memory_space<vmem>>
    %dma_start3A_114 = tpu.memref_squeeze %dma_start3A_113 : memref<1x80xi32, #tpu.memory_space<vmem>> -> memref<80xi32, #tpu.memory_space<vmem>>
    %dma_start3A_115 = arith.constant 0 : i32
    %dma_start3A_116 = tpu.memref_slice %arg5[%dma_start3A_115] : memref<10240xf32, #tpu.memory_space<hbm>> -> memref<10240xf32, #tpu.memory_space<hbm>>
    tpu.enqueue_indirect_dma source(%dma_start3A_111 : memref<80xf32, #tpu.memory_space<vmem>>) target(%dma_start3A_116 : memref<10240xf32, #tpu.memory_space<hbm>>) offsets(%dma_start3A_114 : memref<80xi32, #tpu.memory_space<vmem>>) semaphore(%arg10 : memref<!tpu.dma_semaphore, #tpu.memory_space<semaphore_mem>>)
    %dma_start3A_117 = arith.constant 3 : i32
    %dma_start3A_118 = arith.constant 3 : i32
    %dma_start3A_119 = arith.constant 0 : i32
    %dma_start3A_120 = tpu.memref_slice %arg9[%dma_start3A_117, %dma_start3A_119] : memref<4x80xf32, #tpu.memory_space<vmem>> -> memref<1x80xf32, #tpu.memory_space<vmem>>
    %dma_start3A_121 = tpu.memref_squeeze %dma_start3A_120 : memref<1x80xf32, #tpu.memory_space<vmem>> -> memref<80xf32, #tpu.memory_space<vmem>>
    %dma_start3A_122 = arith.constant 0 : i32
    %dma_start3A_123 = tpu.memref_slice %arg7[%dma_start3A_118, %dma_start3A_122] : memref<4x80xi32, #tpu.memory_space<vmem>> -> memref<1x80xi32, #tpu.memory_space<vmem>>
    %dma_start3A_124 = tpu.memref_squeeze %dma_start3A_123 : memref<1x80xi32, #tpu.memory_space<vmem>> -> memref<80xi32, #tpu.memory_space<vmem>>
    %dma_start3A_125 = arith.constant 0 : i32
    %dma_start3A_126 = tpu.memref_slice %arg6[%dma_start3A_125] : memref<10240xf32, #tpu.memory_space<hbm>> -> memref<10240xf32, #tpu.memory_space<hbm>>
    tpu.enqueue_indirect_dma source(%dma_start3A_121 : memref<80xf32, #tpu.memory_space<vmem>>) target(%dma_start3A_126 : memref<10240xf32, #tpu.memory_space<hbm>>) offsets(%dma_start3A_124 : memref<80xi32, #tpu.memory_space<vmem>>) semaphore(%arg10 : memref<!tpu.dma_semaphore, #tpu.memory_space<semaphore_mem>>)
    %dma_wait3A_127 = arith.constant 0 : i32
    %dma_wait3A_128 = arith.constant 0 : i32
    %dma_wait3A_129 = arith.constant 0 : i32
    %dma_wait3A_130 = tpu.memref_slice %arg8[%dma_wait3A_127, %dma_wait3A_129] : memref<4x80xf32, #tpu.memory_space<vmem>> -> memref<1x80xf32, #tpu.memory_space<vmem>>
    %dma_wait3A_131 = tpu.memref_squeeze %dma_wait3A_130 : memref<1x80xf32, #tpu.memory_space<vmem>> -> memref<80xf32, #tpu.memory_space<vmem>>
    %dma_wait3A_132 = arith.constant 0 : i32
    %dma_wait3A_133 = tpu.memref_slice %arg7[%dma_wait3A_128, %dma_wait3A_132] : memref<4x80xi32, #tpu.memory_space<vmem>> -> memref<1x80xi32, #tpu.memory_space<vmem>>
    %dma_wait3A_134 = tpu.memref_squeeze %dma_wait3A_133 : memref<1x80xi32, #tpu.memory_space<vmem>> -> memref<80xi32, #tpu.memory_space<vmem>>
    %dma_wait3A_135 = arith.constant 0 : i32
    %dma_wait3A_136 = tpu.memref_slice %arg5[%dma_wait3A_135] : memref<10240xf32, #tpu.memory_space<hbm>> -> memref<10240xf32, #tpu.memory_space<hbm>>
    tpu.wait_indirect_dma semaphore(%arg10 : memref<!tpu.dma_semaphore, #tpu.memory_space<semaphore_mem>>) src(%dma_wait3A_131 : memref<80xf32, #tpu.memory_space<vmem>>) dst(%dma_wait3A_136 : memref<10240xf32, #tpu.memory_space<hbm>>)
    %dma_wait3A_137 = arith.constant 0 : i32
    %dma_wait3A_138 = arith.constant 0 : i32
    %dma_wait3A_139 = arith.constant 0 : i32
    %dma_wait3A_140 = tpu.memref_slice %arg9[%dma_wait3A_137, %dma_wait3A_139] : memref<4x80xf32, #tpu.memory_space<vmem>> -> memref<1x80xf32, #tpu.memory_space<vmem>>
    %dma_wait3A_141 = tpu.memref_squeeze %dma_wait3A_140 : memref<1x80xf32, #tpu.memory_space<vmem>> -> memref<80xf32, #tpu.memory_space<vmem>>
    %dma_wait3A_142 = arith.constant 0 : i32
    %dma_wait3A_143 = tpu.memref_slice %arg7[%dma_wait3A_138, %dma_wait3A_142] : memref<4x80xi32, #tpu.memory_space<vmem>> -> memref<1x80xi32, #tpu.memory_space<vmem>>
    %dma_wait3A_144 = tpu.memref_squeeze %dma_wait3A_143 : memref<1x80xi32, #tpu.memory_space<vmem>> -> memref<80xi32, #tpu.memory_space<vmem>>
    %dma_wait3A_145 = arith.constant 0 : i32
    %dma_wait3A_146 = tpu.memref_slice %arg6[%dma_wait3A_145] : memref<10240xf32, #tpu.memory_space<hbm>> -> memref<10240xf32, #tpu.memory_space<hbm>>
    tpu.wait_indirect_dma semaphore(%arg10 : memref<!tpu.dma_semaphore, #tpu.memory_space<semaphore_mem>>) src(%dma_wait3A_141 : memref<80xf32, #tpu.memory_space<vmem>>) dst(%dma_wait3A_146 : memref<10240xf32, #tpu.memory_space<hbm>>)
    %dma_wait3A_147 = arith.constant 1 : i32
    %dma_wait3A_148 = arith.constant 1 : i32
    %dma_wait3A_149 = arith.constant 0 : i32
    %dma_wait3A_150 = tpu.memref_slice %arg8[%dma_wait3A_147, %dma_wait3A_149] : memref<4x80xf32, #tpu.memory_space<vmem>> -> memref<1x80xf32, #tpu.memory_space<vmem>>
    %dma_wait3A_151 = tpu.memref_squeeze %dma_wait3A_150 : memref<1x80xf32, #tpu.memory_space<vmem>> -> memref<80xf32, #tpu.memory_space<vmem>>
    %dma_wait3A_152 = arith.constant 0 : i32
    %dma_wait3A_153 = tpu.memref_slice %arg7[%dma_wait3A_148, %dma_wait3A_152] : memref<4x80xi32, #tpu.memory_space<vmem>> -> memref<1x80xi32, #tpu.memory_space<vmem>>
    %dma_wait3A_154 = tpu.memref_squeeze %dma_wait3A_153 : memref<1x80xi32, #tpu.memory_space<vmem>> -> memref<80xi32, #tpu.memory_space<vmem>>
    %dma_wait3A_155 = arith.constant 0 : i32
    %dma_wait3A_156 = tpu.memref_slice %arg5[%dma_wait3A_155] : memref<10240xf32, #tpu.memory_space<hbm>> -> memref<10240xf32, #tpu.memory_space<hbm>>
    tpu.wait_indirect_dma semaphore(%arg10 : memref<!tpu.dma_semaphore, #tpu.memory_space<semaphore_mem>>) src(%dma_wait3A_151 : memref<80xf32, #tpu.memory_space<vmem>>) dst(%dma_wait3A_156 : memref<10240xf32, #tpu.memory_space<hbm>>)
    %dma_wait3A_157 = arith.constant 1 : i32
    %dma_wait3A_158 = arith.constant 1 : i32
    %dma_wait3A_159 = arith.constant 0 : i32
    %dma_wait3A_160 = tpu.memref_slice %arg9[%dma_wait3A_157, %dma_wait3A_159] : memref<4x80xf32, #tpu.memory_space<vmem>> -> memref<1x80xf32, #tpu.memory_space<vmem>>
    %dma_wait3A_161 = tpu.memref_squeeze %dma_wait3A_160 : memref<1x80xf32, #tpu.memory_space<vmem>> -> memref<80xf32, #tpu.memory_space<vmem>>
    %dma_wait3A_162 = arith.constant 0 : i32
    %dma_wait3A_163 = tpu.memref_slice %arg7[%dma_wait3A_158, %dma_wait3A_162] : memref<4x80xi32, #tpu.memory_space<vmem>> -> memref<1x80xi32, #tpu.memory_space<vmem>>
    %dma_wait3A_164 = tpu.memref_squeeze %dma_wait3A_163 : memref<1x80xi32, #tpu.memory_space<vmem>> -> memref<80xi32, #tpu.memory_space<vmem>>
    %dma_wait3A_165 = arith.constant 0 : i32
    %dma_wait3A_166 = tpu.memref_slice %arg6[%dma_wait3A_165] : memref<10240xf32, #tpu.memory_space<hbm>> -> memref<10240xf32, #tpu.memory_space<hbm>>
    tpu.wait_indirect_dma semaphore(%arg10 : memref<!tpu.dma_semaphore, #tpu.memory_space<semaphore_mem>>) src(%dma_wait3A_161 : memref<80xf32, #tpu.memory_space<vmem>>) dst(%dma_wait3A_166 : memref<10240xf32, #tpu.memory_space<hbm>>)
    %dma_wait3A_167 = arith.constant 2 : i32
    %dma_wait3A_168 = arith.constant 2 : i32
    %dma_wait3A_169 = arith.constant 0 : i32
    %dma_wait3A_170 = tpu.memref_slice %arg8[%dma_wait3A_167, %dma_wait3A_169] : memref<4x80xf32, #tpu.memory_space<vmem>> -> memref<1x80xf32, #tpu.memory_space<vmem>>
    %dma_wait3A_171 = tpu.memref_squeeze %dma_wait3A_170 : memref<1x80xf32, #tpu.memory_space<vmem>> -> memref<80xf32, #tpu.memory_space<vmem>>
    %dma_wait3A_172 = arith.constant 0 : i32
    %dma_wait3A_173 = tpu.memref_slice %arg7[%dma_wait3A_168, %dma_wait3A_172] : memref<4x80xi32, #tpu.memory_space<vmem>> -> memref<1x80xi32, #tpu.memory_space<vmem>>
    %dma_wait3A_174 = tpu.memref_squeeze %dma_wait3A_173 : memref<1x80xi32, #tpu.memory_space<vmem>> -> memref<80xi32, #tpu.memory_space<vmem>>
    %dma_wait3A_175 = arith.constant 0 : i32
    %dma_wait3A_176 = tpu.memref_slice %arg5[%dma_wait3A_175] : memref<10240xf32, #tpu.memory_space<hbm>> -> memref<10240xf32, #tpu.memory_space<hbm>>
    tpu.wait_indirect_dma semaphore(%arg10 : memref<!tpu.dma_semaphore, #tpu.memory_space<semaphore_mem>>) src(%dma_wait3A_171 : memref<80xf32, #tpu.memory_space<vmem>>) dst(%dma_wait3A_176 : memref<10240xf32, #tpu.memory_space<hbm>>)
    %dma_wait3A_177 = arith.constant 2 : i32
    %dma_wait3A_178 = arith.constant 2 : i32
    %dma_wait3A_179 = arith.constant 0 : i32
    %dma_wait3A_180 = tpu.memref_slice %arg9[%dma_wait3A_177, %dma_wait3A_179] : memref<4x80xf32, #tpu.memory_space<vmem>> -> memref<1x80xf32, #tpu.memory_space<vmem>>
    %dma_wait3A_181 = tpu.memref_squeeze %dma_wait3A_180 : memref<1x80xf32, #tpu.memory_space<vmem>> -> memref<80xf32, #tpu.memory_space<vmem>>
    %dma_wait3A_182 = arith.constant 0 : i32
    %dma_wait3A_183 = tpu.memref_slice %arg7[%dma_wait3A_178, %dma_wait3A_182] : memref<4x80xi32, #tpu.memory_space<vmem>> -> memref<1x80xi32, #tpu.memory_space<vmem>>
    %dma_wait3A_184 = tpu.memref_squeeze %dma_wait3A_183 : memref<1x80xi32, #tpu.memory_space<vmem>> -> memref<80xi32, #tpu.memory_space<vmem>>
    %dma_wait3A_185 = arith.constant 0 : i32
    %dma_wait3A_186 = tpu.memref_slice %arg6[%dma_wait3A_185] : memref<10240xf32, #tpu.memory_space<hbm>> -> memref<10240xf32, #tpu.memory_space<hbm>>
    tpu.wait_indirect_dma semaphore(%arg10 : memref<!tpu.dma_semaphore, #tpu.memory_space<semaphore_mem>>) src(%dma_wait3A_181 : memref<80xf32, #tpu.memory_space<vmem>>) dst(%dma_wait3A_186 : memref<10240xf32, #tpu.memory_space<hbm>>)
    %dma_wait3A_187 = arith.constant 3 : i32
    %dma_wait3A_188 = arith.constant 3 : i32
    %dma_wait3A_189 = arith.constant 0 : i32
    %dma_wait3A_190 = tpu.memref_slice %arg8[%dma_wait3A_187, %dma_wait3A_189] : memref<4x80xf32, #tpu.memory_space<vmem>> -> memref<1x80xf32, #tpu.memory_space<vmem>>
    %dma_wait3A_191 = tpu.memref_squeeze %dma_wait3A_190 : memref<1x80xf32, #tpu.memory_space<vmem>> -> memref<80xf32, #tpu.memory_space<vmem>>
    %dma_wait3A_192 = arith.constant 0 : i32
    %dma_wait3A_193 = tpu.memref_slice %arg7[%dma_wait3A_188, %dma_wait3A_192] : memref<4x80xi32, #tpu.memory_space<vmem>> -> memref<1x80xi32, #tpu.memory_space<vmem>>
    %dma_wait3A_194 = tpu.memref_squeeze %dma_wait3A_193 : memref<1x80xi32, #tpu.memory_space<vmem>> -> memref<80xi32, #tpu.memory_space<vmem>>
    %dma_wait3A_195 = arith.constant 0 : i32
    %dma_wait3A_196 = tpu.memref_slice %arg5[%dma_wait3A_195] : memref<10240xf32, #tpu.memory_space<hbm>> -> memref<10240xf32, #tpu.memory_space<hbm>>
    tpu.wait_indirect_dma semaphore(%arg10 : memref<!tpu.dma_semaphore, #tpu.memory_space<semaphore_mem>>) src(%dma_wait3A_191 : memref<80xf32, #tpu.memory_space<vmem>>) dst(%dma_wait3A_196 : memref<10240xf32, #tpu.memory_space<hbm>>)
    %dma_wait3A_197 = arith.constant 3 : i32
    %dma_wait3A_198 = arith.constant 3 : i32
    %dma_wait3A_199 = arith.constant 0 : i32
    %dma_wait3A_200 = tpu.memref_slice %arg9[%dma_wait3A_197, %dma_wait3A_199] : memref<4x80xf32, #tpu.memory_space<vmem>> -> memref<1x80xf32, #tpu.memory_space<vmem>>
    %dma_wait3A_201 = tpu.memref_squeeze %dma_wait3A_200 : memref<1x80xf32, #tpu.memory_space<vmem>> -> memref<80xf32, #tpu.memory_space<vmem>>
    %dma_wait3A_202 = arith.constant 0 : i32
    %dma_wait3A_203 = tpu.memref_slice %arg7[%dma_wait3A_198, %dma_wait3A_202] : memref<4x80xi32, #tpu.memory_space<vmem>> -> memref<1x80xi32, #tpu.memory_space<vmem>>
    %dma_wait3A_204 = tpu.memref_squeeze %dma_wait3A_203 : memref<1x80xi32, #tpu.memory_space<vmem>> -> memref<80xi32, #tpu.memory_space<vmem>>
    %dma_wait3A_205 = arith.constant 0 : i32
    %dma_wait3A_206 = tpu.memref_slice %arg6[%dma_wait3A_205] : memref<10240xf32, #tpu.memory_space<hbm>> -> memref<10240xf32, #tpu.memory_space<hbm>>
    tpu.wait_indirect_dma semaphore(%arg10 : memref<!tpu.dma_semaphore, #tpu.memory_space<semaphore_mem>>) src(%dma_wait3A_201 : memref<80xf32, #tpu.memory_space<vmem>>) dst(%dma_wait3A_206 : memref<10240xf32, #tpu.memory_space<hbm>>)
    return
  }
}

module attributes {stable_mosaic.version = 14 : i64} {
  func.func @_mid_body(%arg0: memref<80x128xf32, #tpu.memory_space<vmem>>, %arg1: memref<80x128xf32, #tpu.memory_space<vmem>>, %arg2: memref<10240x128xf32, #tpu.memory_space<vmem>>, %arg3: memref<128x128xf32, #tpu.memory_space<vmem>>, %arg4: memref<80x128xf32, #tpu.memory_space<vmem>>, %arg5: memref<10240x128xf32, #tpu.memory_space<vmem>>) attributes {dimension_semantics = [], scalar_prefetch = 0 : i64, scratch_operands = 0 : i64, tpu.core_type = #tpu.core_type<tc>} {
    %get3A = arith.constant 0 : index
    %get3A_0 = arith.constant 0 : index
    %get3A_1 = vector.load %arg0[%get3A, %get3A_0] : memref<80x128xf32, #tpu.memory_space<vmem>>, vector<80x128xf32>
    %get3A_2 = arith.constant 0 : index
    %get3A_3 = arith.constant 0 : index
    %get3A_4 = vector.load %arg1[%get3A_2, %get3A_3] : memref<80x128xf32, #tpu.memory_space<vmem>>, vector<80x128xf32>
    %add3A = arith.addf %get3A_1, %get3A_4 : vector<80x128xf32>
    %add3A_5 = arith.constant 1.000000e+00 : f32
    %add3A_6 = vector.broadcast %add3A_5 : f32 to vector<80x128xf32>
    %add3A_7 = arith.addf %add3A, %add3A_6 : vector<80x128xf32>
    %sqrt3A = math.sqrt %add3A_7 : vector<80x128xf32>
    %div3A = arith.constant 1.000000e+00 : f32
    %div3A_8 = vector.broadcast %div3A : f32 to vector<80x128xf32>
    %div3A_9 = arith.divf %div3A_8, %sqrt3A : vector<80x128xf32>
    %swap3A = arith.constant 0 : index
    %swap3A_10 = arith.constant 0 : index
    %swap3A_11 = vector.load %arg4[%swap3A, %swap3A_10] : memref<80x128xf32, #tpu.memory_space<vmem>>, vector<80x128xf32>
    tpu.vector_store %arg4[%swap3A, %swap3A_10], %div3A_9 {strides = array<i32>} : memref<80x128xf32, #tpu.memory_space<vmem>>, vector<80x128xf32>,
    %get3A_12 = arith.constant 0 : index
    %get3A_13 = arith.constant 0 : index
    %get3A_14 = vector.load %arg2[%get3A_12, %get3A_13] : memref<10240x128xf32, #tpu.memory_space<vmem>>, vector<10240x128xf32>
    %get3A_15 = arith.constant 0 : index
    %get3A_16 = arith.constant 0 : index
    %get3A_17 = vector.load %arg3[%get3A_15, %get3A_16] : memref<128x128xf32, #tpu.memory_space<vmem>>, vector<128x128xf32>
    %dot_general3A = arith.constant dense<0.000000e+00> : vector<10240x128xf32>
    %dot_general3A_18 = tpu.matmul %get3A_14, %get3A_17, %dot_general3A {dimension_numbers = #tpu.dot_dimension_numbers<[1], [0], [0], [1], [0, 0, 1, 1], [], []>, transpose_lhs_hint = false} : vector<10240x128xf32>, vector<128x128xf32>, vector<10240x128xf32> -> vector<10240x128xf32>
    %swap3A_19 = arith.constant 0 : index
    %swap3A_20 = arith.constant 0 : index
    %swap3A_21 = vector.load %arg5[%swap3A_19, %swap3A_20] : memref<10240x128xf32, #tpu.memory_space<vmem>>, vector<10240x128xf32>
    tpu.vector_store %arg5[%swap3A_19, %swap3A_20], %dot_general3A_18 {strides = array<i32>} : memref<10240x128xf32, #tpu.memory_space<vmem>>, vector<10240x128xf32>,
    return
  }
}

module attributes {stable_mosaic.version = 14 : i64} {
  func.func @_elem_body(%arg0: memref<80x128xf32, #tpu.memory_space<vmem>>, %arg1: memref<80x128xf32, #tpu.memory_space<vmem>>, %arg2: memref<80x128xf32, #tpu.memory_space<vmem>>, %arg3: memref<80x128xf32, #tpu.memory_space<vmem>>, %arg4: memref<80x128xf32, #tpu.memory_space<vmem>>, %arg5: memref<80x128xf32, #tpu.memory_space<vmem>>, %arg6: memref<80x128xf32, #tpu.memory_space<vmem>>, %arg7: memref<2xf32, #tpu.memory_space<smem>>, %arg8: memref<2xf32, #tpu.memory_space<smem>>, %arg9: memref<80x128xf32, #tpu.memory_space<vmem>>, %arg10: memref<80x128xf32, #tpu.memory_space<vmem>>, %arg11: memref<80x128xf32, #tpu.memory_space<vmem>>) attributes {dimension_semantics = [], scalar_prefetch = 0 : i64, scratch_operands = 0 : i64, tpu.core_type = #tpu.core_type<tc>} {
    %get3A = arith.constant 0 : index
    %get3A_0 = arith.constant 0 : index
    %get3A_1 = vector.load %arg6[%get3A, %get3A_0] : memref<80x128xf32, #tpu.memory_space<vmem>>, vector<80x128xf32>
    %mul3A = arith.mulf %get3A_1, %get3A_1 : vector<80x128xf32>
    %get3A_2 = arith.constant 0 : index
    %get3A_3 = arith.constant 0 : index
    %get3A_4 = vector.load %arg0[%get3A_2, %get3A_3] : memref<80x128xf32, #tpu.memory_space<vmem>>, vector<80x128xf32>
    %get3A_5 = arith.constant 0 : index
    %get3A_6 = arith.constant 0 : index
    %get3A_7 = vector.load %arg1[%get3A_5, %get3A_6] : memref<80x128xf32, #tpu.memory_space<vmem>>, vector<80x128xf32>
    %add3A = arith.addf %get3A_4, %get3A_7 : vector<80x128xf32>
    %get3A_8 = arith.constant 0 : index
    %get3A_9 = arith.constant 0 : index
    %get3A_10 = vector.load %arg4[%get3A_8, %get3A_9] : memref<80x128xf32, #tpu.memory_space<vmem>>, vector<80x128xf32>
    %mul3A_11 = arith.mulf %get3A_10, %mul3A : vector<80x128xf32>
    %add3A_12 = arith.addf %add3A, %mul3A_11 : vector<80x128xf32>
    %get3A_13 = arith.constant 0 : index
    %get3A_14 = memref.load %arg8[%get3A_13] : memref<2xf32, #tpu.memory_space<smem>>
    %add3A_15 = vector.broadcast %get3A_14 : f32 to vector<80x128xf32>
    %add3A_16 = arith.addf %add3A_12, %add3A_15 : vector<80x128xf32>
    %max3A = arith.constant 0.000000e+00 : f32
    %max3A_17 = vector.broadcast %max3A : f32 to vector<80x128xf32>
    %max3A_18 = arith.maximumf %add3A_16, %max3A_17 : vector<80x128xf32>
    %get3A_19 = arith.constant 0 : index
    %get3A_20 = arith.constant 0 : index
    %get3A_21 = vector.load %arg2[%get3A_19, %get3A_20] : memref<80x128xf32, #tpu.memory_space<vmem>>, vector<80x128xf32>
    %get3A_22 = arith.constant 0 : index
    %get3A_23 = arith.constant 0 : index
    %get3A_24 = vector.load %arg3[%get3A_22, %get3A_23] : memref<80x128xf32, #tpu.memory_space<vmem>>, vector<80x128xf32>
    %add3A_25 = arith.addf %get3A_21, %get3A_24 : vector<80x128xf32>
    %get3A_26 = arith.constant 0 : index
    %get3A_27 = arith.constant 0 : index
    %get3A_28 = vector.load %arg5[%get3A_26, %get3A_27] : memref<80x128xf32, #tpu.memory_space<vmem>>, vector<80x128xf32>
    %mul3A_29 = arith.mulf %get3A_28, %mul3A : vector<80x128xf32>
    %add3A_30 = arith.addf %add3A_25, %mul3A_29 : vector<80x128xf32>
    %get3A_31 = arith.constant 1 : index
    %get3A_32 = memref.load %arg8[%get3A_31] : memref<2xf32, #tpu.memory_space<smem>>
    %add3A_33 = vector.broadcast %get3A_32 : f32 to vector<80x128xf32>
    %add3A_34 = arith.addf %add3A_30, %add3A_33 : vector<80x128xf32>
    %max3A_35 = arith.constant 0.000000e+00 : f32
    %max3A_36 = vector.broadcast %max3A_35 : f32 to vector<80x128xf32>
    %max3A_37 = arith.maximumf %add3A_34, %max3A_36 : vector<80x128xf32>
    %get3A_38 = arith.constant 0 : index
    %get3A_39 = memref.load %arg7[%get3A_38] : memref<2xf32, #tpu.memory_space<smem>>
    %get3A_40 = arith.constant 0 : index
    %get3A_41 = memref.load %arg7[%get3A_40] : memref<2xf32, #tpu.memory_space<smem>>
    %mul3A_42 = arith.mulf %get3A_39, %get3A_41 : f32
    %get3A_43 = arith.constant 1 : index
    %get3A_44 = memref.load %arg7[%get3A_43] : memref<2xf32, #tpu.memory_space<smem>>
    %get3A_45 = arith.constant 1 : index
    %get3A_46 = memref.load %arg7[%get3A_45] : memref<2xf32, #tpu.memory_space<smem>>
    %mul3A_47 = arith.mulf %get3A_44, %get3A_46 : f32
    %add3A_48 = arith.addf %mul3A_42, %mul3A_47 : f32
    %sqrt3A = math.sqrt %add3A_48 : f32
    %get3A_49 = arith.constant 0 : index
    %get3A_50 = memref.load %arg7[%get3A_49] : memref<2xf32, #tpu.memory_space<smem>>
    %mul3A_51 = vector.broadcast %get3A_50 : f32 to vector<80x128xf32>
    %mul3A_52 = arith.mulf %max3A_18, %mul3A_51 : vector<80x128xf32>
    %get3A_53 = arith.constant 1 : index
    %get3A_54 = memref.load %arg7[%get3A_53] : memref<2xf32, #tpu.memory_space<smem>>
    %mul3A_55 = vector.broadcast %get3A_54 : f32 to vector<80x128xf32>
    %mul3A_56 = arith.mulf %max3A_37, %mul3A_55 : vector<80x128xf32>
    %add3A_57 = arith.addf %mul3A_52, %mul3A_56 : vector<80x128xf32>
    %div3A = vector.broadcast %sqrt3A : f32 to vector<80x128xf32>
    %div3A_58 = arith.divf %add3A_57, %div3A : vector<80x128xf32>
    %tanh3A = math.tanh %div3A_58 : vector<80x128xf32>
    %iota3A = tpu.iota {dimensions = array<i32: 0>} : vector<80x128xi32>
    %mul3A_59 = arith.constant 128 : i32
    %mul3A_60 = vector.broadcast %mul3A_59 : i32 to vector<80x128xi32>
    %mul3A_61 = arith.muli %iota3A, %mul3A_60 : vector<80x128xi32>
    %iota3A_62 = tpu.iota {dimensions = array<i32: 1>} : vector<80x128xi32>
    %add3A_63 = arith.addi %mul3A_61, %iota3A_62 : vector<80x128xi32>
    %lt3A = arith.constant 10000 : i32
    %lt3A_64 = vector.broadcast %lt3A : i32 to vector<80x128xi32>
    %lt3A_65 = arith.cmpi slt, %add3A_63, %lt3A_64 : vector<80x128xi32>
    %jit3A = arith.constant -2.000000e+00 : f32
    %broadcast_in_dim3A = vector.broadcast %jit3A : f32 to vector<80x128xf32>
    %select_n3A = arith.select %lt3A_65, %tanh3A, %broadcast_in_dim3A : vector<80x128xi1>, vector<80x128xf32>
    %swap3A = arith.constant 0 : index
    %swap3A_66 = arith.constant 0 : index
    %swap3A_67 = vector.load %arg9[%swap3A, %swap3A_66] : memref<80x128xf32, #tpu.memory_space<vmem>>, vector<80x128xf32>
    tpu.vector_store %arg9[%swap3A, %swap3A_66], %select_n3A {strides = array<i32>} : memref<80x128xf32, #tpu.memory_space<vmem>>, vector<80x128xf32>,
    %mul3A_68 = arith.mulf %max3A_18, %select_n3A : vector<80x128xf32>
    %jit3A_69 = arith.constant 0.000000e+00 : f32
    %broadcast_in_dim3A_70 = vector.broadcast %jit3A_69 : f32 to vector<80x128xf32>
    %select_n3A_71 = arith.select %lt3A_65, %mul3A_68, %broadcast_in_dim3A_70 : vector<80x128xi1>, vector<80x128xf32>
    %swap3A_72 = arith.constant 0 : index
    %swap3A_73 = arith.constant 0 : index
    %swap3A_74 = vector.load %arg10[%swap3A_72, %swap3A_73] : memref<80x128xf32, #tpu.memory_space<vmem>>, vector<80x128xf32>
    tpu.vector_store %arg10[%swap3A_72, %swap3A_73], %select_n3A_71 {strides = array<i32>} : memref<80x128xf32, #tpu.memory_space<vmem>>, vector<80x128xf32>,
    %mul3A_75 = arith.mulf %max3A_37, %select_n3A : vector<80x128xf32>
    %jit3A_76 = arith.constant 0.000000e+00 : f32
    %broadcast_in_dim3A_77 = vector.broadcast %jit3A_76 : f32 to vector<80x128xf32>
    %select_n3A_78 = arith.select %lt3A_65, %mul3A_75, %broadcast_in_dim3A_77 : vector<80x128xi1>, vector<80x128xf32>
    %swap3A_79 = arith.constant 0 : index
    %swap3A_80 = arith.constant 0 : index
    %swap3A_81 = vector.load %arg11[%swap3A_79, %swap3A_80] : memref<80x128xf32, #tpu.memory_space<vmem>>, vector<80x128xf32>
    tpu.vector_store %arg11[%swap3A_79, %swap3A_80], %select_n3A_78 {strides = array<i32>} : memref<80x128xf32, #tpu.memory_space<vmem>>, vector<80x128xf32>,
    return
  }
}

module attributes {stable_mosaic.version = 14 : i64} {
  func.func @_rank_body(%arg0: i32, %arg1: i32, %arg2: memref<1x256xf32, #tpu.memory_space<vmem>>, %arg3: memref<2048x1xf32, #tpu.memory_space<vmem>>, %arg4: memref<1x256xf32, #tpu.memory_space<vmem>>) attributes {dimension_semantics = [#tpu.dimension_semantics<arbitrary>, #tpu.dimension_semantics<arbitrary>], iteration_bounds = array<i64: 40, 5>, scalar_prefetch = 0 : i64, scratch_operands = 0 : i64, tpu.core_type = #tpu.core_type<tc>, window_params = [{transform_indices = @transform_0, window_bounds = array<i64: 1, 256>}, {transform_indices = @transform_1, window_bounds = array<i64: 2048, 1>}, {transform_indices = @transform_2, window_bounds = array<i64: 1, 256>}]} {
    %get3A = arith.constant 0 : index
    %get3A_0 = arith.constant 0 : index
    %get3A_1 = vector.load %arg2[%get3A, %get3A_0] : memref<1x256xf32, #tpu.memory_space<vmem>>, vector<1x256xf32>
    %get3A_2 = arith.constant 0 : index
    %get3A_3 = arith.constant 0 : index
    %get3A_4 = vector.load %arg3[%get3A_2, %get3A_3] : memref<2048x1xf32, #tpu.memory_space<vmem>>, vector<2048x1xf32>
    %jit3A = arith.constant 8 : i32
    %div3A = arith.divsi %arg0, %jit3A : i32
    %sign3A = arith.constant 0 : i32
    %sign3A_5 = arith.cmpi sgt, %arg0, %sign3A : i32
    %sign3A_6 = arith.extui %sign3A_5 : i1 to i32
    %sign3A_7 = arith.constant 0 : i32
    %sign3A_8 = arith.cmpi slt, %arg0, %sign3A_7 : i32
    %sign3A_9 = arith.extui %sign3A_8 : i1 to i32
    %sign3A_10 = arith.subi %sign3A_6, %sign3A_9 : i32
    %sign3A_11 = arith.constant 0 : i32
    %sign3A_12 = arith.cmpi sgt, %jit3A, %sign3A_11 : i32
    %sign3A_13 = arith.extui %sign3A_12 : i1 to i32
    %sign3A_14 = arith.constant 0 : i32
    %sign3A_15 = arith.cmpi slt, %jit3A, %sign3A_14 : i32
    %sign3A_16 = arith.extui %sign3A_15 : i1 to i32
    %sign3A_17 = arith.subi %sign3A_13, %sign3A_16 : i32
    %ne3A = arith.cmpi ne, %sign3A_10, %sign3A_17 : i32
    %rem3A = arith.remsi %arg0, %jit3A : i32
    %ne3A_18 = arith.constant 0 : i32
    %ne3A_19 = arith.cmpi ne, %rem3A, %ne3A_18 : i32
    %and3A = arith.andi %ne3A, %ne3A_19 : i1
    %sub3A = arith.constant 1 : i32
    %sub3A_20 = arith.subi %div3A, %sub3A : i32
    %select_n3A = arith.select %and3A, %sub3A_20, %div3A : i32
    %eq3A = arith.constant 0 : i32
    %eq3A_21 = arith.cmpi eq, %arg1, %eq3A : i32
    %convert_element_type3A = arith.extui %eq3A_21 : i1 to i32
    %cond3A = arith.constant 0 : i32
    %cond3A_22 = arith.cmpi ne, %convert_element_type3A, %cond3A : i32
    scf.if %cond3A_22 {
      %broadcast_in_dim3A = arith.constant 0.000000e+00 : f32
      %broadcast_in_dim3A_33 = vector.broadcast %broadcast_in_dim3A : f32 to vector<1x256xf32>
      %swap3A = arith.constant 0 : index
      %swap3A_34 = arith.constant 0 : index
      %swap3A_35 = vector.load %arg4[%swap3A, %swap3A_34] : memref<1x256xf32, #tpu.memory_space<vmem>>, vector<1x256xf32>
      tpu.vector_store %arg4[%swap3A, %swap3A_34], %broadcast_in_dim3A_33 {strides = array<i32>} : memref<1x256xf32, #tpu.memory_space<vmem>>, vector<1x256xf32>,
    } else {
    }
    %lt3A = arith.cmpi slt, %arg1, %select_n3A : i32
    %convert_element_type3A_23 = arith.extui %lt3A : i1 to i32
    %cond3A_24 = arith.constant 0 : i32
    %cond3A_25 = arith.cmpi ne, %convert_element_type3A_23, %cond3A_24 : i32
    scf.if %cond3A_25 {
      %ge3A = vector.broadcast %get3A_4 : vector<2048x1xf32> to vector<2048x256xf32>
      %ge3A_33 = vector.broadcast %get3A_1 : vector<1x256xf32> to vector<2048x256xf32>
      %ge3A_34 = arith.cmpf oge, %ge3A, %ge3A_33 : vector<2048x256xf32>
      %jit3A_35 = arith.constant 1.000000e+00 : f32
      %jit3A_36 = arith.constant 0.000000e+00 : f32
      %broadcast_in_dim3A = vector.broadcast %jit3A_35 : f32 to vector<2048x256xf32>
      %broadcast_in_dim3A_37 = vector.broadcast %jit3A_36 : f32 to vector<2048x256xf32>
      %select_n3A_38 = arith.select %ge3A_34, %broadcast_in_dim3A, %broadcast_in_dim3A_37 : vector<2048x256xi1>, vector<2048x256xf32>
      %reduce_sum3A = arith.constant dense<0.000000e+00> : vector<256xf32>
      %reduce_sum3A_39 = vector.multi_reduction <add>, %select_n3A_38, %reduce_sum3A [0] : vector<2048x256xf32> to vector<256xf32>
      %broadcast_in_dim3A_40 = vector.shape_cast %reduce_sum3A_39 : vector<256xf32> to vector<1x256xf32>
      %get3A_41 = arith.constant 0 : index
      %get3A_42 = arith.constant 0 : index
      %get3A_43 = vector.load %arg4[%get3A_41, %get3A_42] : memref<1x256xf32, #tpu.memory_space<vmem>>, vector<1x256xf32>
      %add3A = arith.addf %get3A_43, %broadcast_in_dim3A_40 : vector<1x256xf32>
      %swap3A = arith.constant 0 : index
      %swap3A_44 = arith.constant 0 : index
      %swap3A_45 = vector.load %arg4[%swap3A, %swap3A_44] : memref<1x256xf32, #tpu.memory_space<vmem>>, vector<1x256xf32>
      tpu.vector_store %arg4[%swap3A, %swap3A_44], %add3A {strides = array<i32>} : memref<1x256xf32, #tpu.memory_space<vmem>>, vector<1x256xf32>,
    } else {
    }
    %gt3A = arith.cmpi sgt, %arg1, %select_n3A : i32
    %convert_element_type3A_26 = arith.extui %gt3A : i1 to i32
    %cond3A_27 = arith.constant 0 : i32
    %cond3A_28 = arith.cmpi ne, %convert_element_type3A_26, %cond3A_27 : i32
    scf.if %cond3A_28 {
      %gt3A_33 = vector.broadcast %get3A_4 : vector<2048x1xf32> to vector<2048x256xf32>
      %gt3A_34 = vector.broadcast %get3A_1 : vector<1x256xf32> to vector<2048x256xf32>
      %gt3A_35 = arith.cmpf ogt, %gt3A_33, %gt3A_34 : vector<2048x256xf32>
      %jit3A_36 = arith.constant 1.000000e+00 : f32
      %jit3A_37 = arith.constant 0.000000e+00 : f32
      %broadcast_in_dim3A = vector.broadcast %jit3A_36 : f32 to vector<2048x256xf32>
      %broadcast_in_dim3A_38 = vector.broadcast %jit3A_37 : f32 to vector<2048x256xf32>
      %select_n3A_39 = arith.select %gt3A_35, %broadcast_in_dim3A, %broadcast_in_dim3A_38 : vector<2048x256xi1>, vector<2048x256xf32>
      %reduce_sum3A = arith.constant dense<0.000000e+00> : vector<256xf32>
      %reduce_sum3A_40 = vector.multi_reduction <add>, %select_n3A_39, %reduce_sum3A [0] : vector<2048x256xf32> to vector<256xf32>
      %broadcast_in_dim3A_41 = vector.shape_cast %reduce_sum3A_40 : vector<256xf32> to vector<1x256xf32>
      %get3A_42 = arith.constant 0 : index
      %get3A_43 = arith.constant 0 : index
      %get3A_44 = vector.load %arg4[%get3A_42, %get3A_43] : memref<1x256xf32, #tpu.memory_space<vmem>>, vector<1x256xf32>
      %add3A = arith.addf %get3A_44, %broadcast_in_dim3A_41 : vector<1x256xf32>
      %swap3A = arith.constant 0 : index
      %swap3A_45 = arith.constant 0 : index
      %swap3A_46 = vector.load %arg4[%swap3A, %swap3A_45] : memref<1x256xf32, #tpu.memory_space<vmem>>, vector<1x256xf32>
      tpu.vector_store %arg4[%swap3A, %swap3A_45], %add3A {strides = array<i32>} : memref<1x256xf32, #tpu.memory_space<vmem>>, vector<1x256xf32>,
    } else {
    }
    %eq3A_29 = arith.cmpi eq, %arg1, %select_n3A : i32
    %convert_element_type3A_30 = arith.extui %eq3A_29 : i1 to i32
    %cond3A_31 = arith.constant 0 : i32
    %cond3A_32 = arith.cmpi ne, %convert_element_type3A_30, %cond3A_31 : i32
    scf.if %cond3A_32 {
      %mul3A = arith.constant 2048 : i32
      %mul3A_33 = arith.muli %arg1, %mul3A : i32
      %iota3A = tpu.iota {dimensions = array<i32: 0>} : vector<2048x256xi32>
      %add3A = vector.broadcast %mul3A_33 : i32 to vector<2048x256xi32>
      %add3A_34 = arith.addi %add3A, %iota3A : vector<2048x256xi32>
      %mul3A_35 = arith.constant 256 : i32
      %mul3A_36 = arith.muli %arg0, %mul3A_35 : i32
      %iota3A_37 = tpu.iota {dimensions = array<i32: 1>} : vector<2048x256xi32>
      %add3A_38 = vector.broadcast %mul3A_36 : i32 to vector<2048x256xi32>
      %add3A_39 = arith.addi %add3A_38, %iota3A_37 : vector<2048x256xi32>
      %gt3A_40 = vector.broadcast %get3A_4 : vector<2048x1xf32> to vector<2048x256xf32>
      %gt3A_41 = vector.broadcast %get3A_1 : vector<1x256xf32> to vector<2048x256xf32>
      %gt3A_42 = arith.cmpf ogt, %gt3A_40, %gt3A_41 : vector<2048x256xf32>
      %eq3A_43 = vector.broadcast %get3A_4 : vector<2048x1xf32> to vector<2048x256xf32>
      %eq3A_44 = vector.broadcast %get3A_1 : vector<1x256xf32> to vector<2048x256xf32>
      %eq3A_45 = arith.cmpf oeq, %eq3A_43, %eq3A_44 : vector<2048x256xf32>
      %lt3A_46 = arith.cmpi slt, %add3A_34, %add3A_39 : vector<2048x256xi32>
      %and3A_47 = arith.andi %eq3A_45, %lt3A_46 : vector<2048x256xi1>
      %or3A = arith.ori %gt3A_42, %and3A_47 : vector<2048x256xi1>
      %get3A_48 = arith.constant 0 : index
      %get3A_49 = arith.constant 0 : index
      %get3A_50 = vector.load %arg4[%get3A_48, %get3A_49] : memref<1x256xf32, #tpu.memory_space<vmem>>, vector<1x256xf32>
      %jit3A_51 = arith.constant 1.000000e+00 : f32
      %jit3A_52 = arith.constant 0.000000e+00 : f32
      %broadcast_in_dim3A = vector.broadcast %jit3A_51 : f32 to vector<2048x256xf32>
      %broadcast_in_dim3A_53 = vector.broadcast %jit3A_52 : f32 to vector<2048x256xf32>
      %select_n3A_54 = arith.select %or3A, %broadcast_in_dim3A, %broadcast_in_dim3A_53 : vector<2048x256xi1>, vector<2048x256xf32>
      %reduce_sum3A = arith.constant dense<0.000000e+00> : vector<256xf32>
      %reduce_sum3A_55 = vector.multi_reduction <add>, %select_n3A_54, %reduce_sum3A [0] : vector<2048x256xf32> to vector<256xf32>
      %broadcast_in_dim3A_56 = vector.shape_cast %reduce_sum3A_55 : vector<256xf32> to vector<1x256xf32>
      %add3A_57 = arith.addf %get3A_50, %broadcast_in_dim3A_56 : vector<1x256xf32>
      %swap3A = arith.constant 0 : index
      %swap3A_58 = arith.constant 0 : index
      %swap3A_59 = vector.load %arg4[%swap3A, %swap3A_58] : memref<1x256xf32, #tpu.memory_space<vmem>>, vector<1x256xf32>
      tpu.vector_store %arg4[%swap3A, %swap3A_58], %add3A_57 {strides = array<i32>} : memref<1x256xf32, #tpu.memory_space<vmem>>, vector<1x256xf32>,
    } else {
    }
    return
  }
  func.func @transform_0(%arg0: i32, %arg1: i32) -> (i32, i32) {
    %c0_i32 = arith.constant 0 : i32
    %c0_i32_0 = arith.constant 0 : i32
    return %c0_i32, %arg0 : i32, i32
  }
  func.func @transform_1(%arg0: i32, %arg1: i32) -> (i32, i32) {
    %c0_i32 = arith.constant 0 : i32
    %c0_i32_0 = arith.constant 0 : i32
    return %arg1, %c0_i32 : i32, i32
  }
  func.func @transform_2(%arg0: i32, %arg1: i32) -> (i32, i32) {
    %c0_i32 = arith.constant 0 : i32
    %c0_i32_0 = arith.constant 0 : i32
    return %c0_i32, %arg0 : i32, i32
  }
}

</mosaic_0001>

<sc_bundles>
// kernel: kernel.11.cloned.1.call-start
scs
__scs_entry_jumppad:
0x0: {  	(pc) =	sbr.rel $0x88, $3  }
0x1: {  	(tag) =	ssettag $0x0;
	lr =	simm.s32 $0x1  }
0x2: {  	[smem:$0x3F9B] =	sst lr;
	_ =	strace $0xD0000000  }
0x3: {  	_ = 	snop  }
0x4: {  	_ = 	snop  }
0x5: {  	_ = 	snop  }
0x6: {  	_ = 	snop  }
0x7: {  	_ = 	snop  }
__scs_overlays_trampoline_lowered:
0x8: {  	[smem:$0x3FAA] =	sst s0  }
0x9: {  	[smem:$0x3FAB] =	sst s1  }
0xa: {  	[smem:$0x3FAC] =	sst s2  }
0xb: {  	[smem:$0x3FAD] =	sst s3  }
0xc: {  	[smem:$0x3FAE] =	sst s4  }
0xd: {  	[smem:$0x3FAF] =	sst s5  }
0xe: {  	[smem:$0x3FB0] =	sst s6  }
0xf: {  	[smem:$0x3FB1] =	sst s7  }
0x10: {  	[smem:$0x3FB2] =	sst s8  }
0x11: {  	[smem:$0x3FB3] =	sst s9;
	s0 =	simm.s32 @!p0 $0x0  }
0x12: {  	s1 =	sld [smem:$0x3F99];
	s0 =	simm.s32 @p0 $0x1  }
0x13: {  	[smem:$0x3FB4] =	sst s0;
	s0 =	simm.s32 @!p1 $0x0  }
0x14: {  	s2 =	sld [smem:$0x3F98];
	s0 =	simm.s32 @p1 $0x1  }
0x15: {  	[smem:$0x3FB5] =	sst s0;
	s0 =	simm.s32 @!p2 $0x0  }
0x16: {  	s3 =	sld [smem:$0x3FDB];
	s0 =	simm.s32 @p2 $0x1  }
0x17: {  	s4 =	simm.s32 $0x1BF5;
	[smem:$0x3FB7] =	sst s0  }
0x18: {  	s0 =	sld [smem:$0x3F9A];
	_ =	swait.ge [sflag:s4], $0x0  }
0x19: {  	s7 =	sld [smem:$0x3F9B]  }
0x1a: {  	s8 =	sadd.s32 $0xFFFFE003, lr  }
0x1b: {  	s9 =	sadd.s32 $0xFFFFFEF7, lr;
	s5 =	simm.s32 $0xFFFFFFFF;
	p2 =	slt.u32 s8, $0xFFFFF086  }
0x1c: {  	p1 =	slt.u32 s9, $0xF7A;
	s5 =	simm.s32 @!p2 $0x0  }
0x1d: {  	s5 =	simm.s32 @p1 $0x1;
	p0 =	seq.s32 s7, s2  }
0x1e: {  	s7 =	smul.u32 @!p0 $0xF7A, s2;
	p2 =	seq.s32 @!p0 s5, $0x0  }
0x1f: {  	s9 =	smul.u32 $0xF7A, s1;
	s8 =	simm.s32 @!p0 $0x1BF5;
	p2 =	por !p2, p0  }
0x20: {  	[sflag:s8] =	ssyncset.s32 @!p0 $0xFFFFF086;
	s6 =	sadd.s32 @!p0 s3, s7;
	s7 =	simm.s32 @!p0 $0x108  }
0x21: {  	s3 =	sadd.s32 s3, s9;
	s6 =	sadd.s32 @!p0 $0x88, s6;
	s7 =	simm.s32 @p2 $0x1082  }
0x22: {  	[simem:s7], [sflag:s8] =	dma.local @!p0 [hbm:s6], $0xF7A  }
0x23: {  	s9 =	sor.u32 $0xD0000000, s2;
	s6 =	simm.s32 $0x108;
	_ =	swait.ge @!p0 [sflag:s8], $0x0  }
0x24: {  	s3 =	sadd.s32 $0x88, s3;
	s6 =	simm.s32 @!p1 $0x1082;
	[sflag:s4] =	ssyncset.s32 $0xFFFFF086  }
0x25: {  	[simem:s6], [sflag:s4] =	dma.local [hbm:s3], $0xF7A  }
0x26: {  	[smem:$0x3F9B] =	sst s1;
	(tag) =	ssettag s2;
	_ =	strace s9  }
0x27: {  	s1 =	sld [smem:$0x3FAB]  }
0x28: {  	s2 =	sld [smem:$0x3FAC]  }
0x29: {  	s4 =	sld [smem:$0x3FAE]  }
0x2a: {  	p0 =	seq.s32 s5, $0x0;
	s5 =	sld [smem:$0x3FAF]  }
0x2b: {  	s6 =	sld [smem:$0x3FB0]  }
0x2c: {  	s7 =	sld [smem:$0x3FB1]  }
0x2d: {  	s3 =	simm.s32 $0x108;
	s8 =	sld [smem:$0x3FB2]  }
0x2e: {  	s3 =	simm.s32 @!p0 $0x1082;
	s9 =	sld [smem:$0x3FB3]  }
0x2f: {  	lr =	sadd.s32 s0, s3;
	s0 =	sld [smem:$0x3FAA]  }
0x30: {  	s3 =	sld [smem:$0x3FAD]  }
0x31: {  	[smem:$0x3FB6] =	sst s10  }
0x32: {  	s10 =	sld [smem:$0x3FB4];
	_ =	sdelay $0x3  }
0x33: {  	p0 =	seq.s32 s10, $0x1;
	s10 =	sld [smem:$0x3FB6];
	_ =	sdelay $0x3  }
0x34: {  	[smem:$0x3FB6] =	sst s10  }
0x35: {  	s10 =	sld [smem:$0x3FB5];
	_ =	sdelay $0x3  }
0x36: {  	p1 =	seq.s32 s10, $0x1;
	s10 =	sld [smem:$0x3FB6];
	_ =	sdelay $0x3  }
0x37: {  	[smem:$0x3FB6] =	sst s10  }
0x38: {  	s10 =	sld [smem:$0x3FB7]  }
0x39: {  	_ = 	snop;
	(pc) =	sbr.ind lr, $3  }
0x3a: {  	_ = 	snop  }
0x3b: {  	_ = 	snop  }
0x3c: {  	p2 =	seq.s32 s10, $0x1;
	s10 =	sld [smem:$0x3FB6]  }
0x3d: {  	_ =	shalt  }
0x3e: {  	_ =	shalt  }
0x3f: {  	_ =	shalt  }
0x40: {  	_ =	shalt  }
0x41: {  	_ =	shalt  }
0x42: {  	_ =	shalt  }
0x43: {  	_ =	shalt  }
0x44: {  	_ =	shalt  }
0x45: {  	_ =	shalt  }
0x46: {  	_ =	shalt  }
0x47: {  	_ =	shalt  }
0x48: {  	_ =	shalt  }
0x49: {  	_ =	shalt  }
0x4a: {  	_ =	shalt  }
0x4b: {  	_ =	shalt  }
0x4c: {  	_ =	shalt  }
0x4d: {  	_ =	shalt  }
0x4e: {  	_ =	shalt  }
0x4f: {  	_ =	shalt  }
0x50: {  	_ =	shalt  }
0x51: {  	_ =	shalt  }
0x52: {  	_ =	shalt  }
0x53: {  	_ =	shalt  }
0x54: {  	_ =	shalt  }
0x55: {  	_ =	shalt  }
0x56: {  	_ =	shalt  }
0x57: {  	_ =	shalt  }
0x58: {  	_ =	shalt  }
0x59: {  	_ =	shalt  }
0x5a: {  	_ =	shalt  }
0x5b: {  	_ =	shalt  }
0x5c: {  	_ =	shalt  }
0x5d: {  	_ =	shalt  }
0x5e: {  	_ =	shalt  }
0x5f: {  	_ =	shalt  }
0x60: {  	_ =	shalt  }
0x61: {  	_ =	shalt  }
0x62: {  	_ =	shalt  }
0x63: {  	_ =	shalt  }
0x64: {  	_ =	shalt  }
0x65: {  	_ =	shalt  }
0x66: {  	_ =	shalt  }
0x67: {  	_ =	shalt  }
0x68: {  	_ =	shalt  }
0x69: {  	_ =	shalt  }
0x6a: {  	_ =	shalt  }
0x6b: {  	_ =	shalt  }
0x6c: {  	_ =	shalt  }
0x6d: {  	_ =	shalt  }
0x6e: {  	_ =	shalt  }
0x6f: {  	_ =	shalt  }
0x70: {  	_ =	shalt  }
0x71: {  	_ =	shalt  }
0x72: {  	_ =	shalt  }
0x73: {  	_ =	shalt  }
0x74: {  	_ =	shalt  }
0x75: {  	_ =	shalt  }
0x76: {  	_ =	shalt  }
0x77: {  	_ =	shalt  }
0x78: {  	_ =	shalt  }
0x79: {  	_ =	shalt  }
0x7a: {  	_ =	shalt  }
0x7b: {  	_ =	shalt  }
0x7c: {  	_ =	shalt  }
0x7d: {  	_ =	shalt  }
0x7e: {  	_ =	shalt  }
0x7f: {  	_ =	shalt  }
0x80: {  	_ =	shalt  }
0x81: {  	_ =	shalt  }
0x82: {  	_ =	shalt  }
0x83: {  	_ =	shalt  }
0x84: {  	_ =	shalt  }
0x85: {  	_ =	shalt  }
0x86: {  	_ =	shalt  }
0x87: {  	_ =	shalt  }
.Lfunc_end0:
.L_simem_size_0:
called_computation.1_lowered:
.L_overlay_start_0:
0x88: {  	s2 =	sld [smem:$0x3FD9]  }
0x89: {  	s3 =	sld [smem:$0x3FFE];
	_ =	sdelay $0x1  }
0x8a: {  	s1 =	srdreg.scid  }
0x8b: {  	s0 =	sand.u32 $0x1, s1  }
0x8c: {  	s17 =	sshll.u32 s0, $0xA;
	s2 =	sadd.s32 s3, s2  }
0x8d: {  	s2 =	sadd.s32 s2, s17  }
0x8e: {  	[smem:$0x3FC2] =	sst s2  }
0x8f: {  	_ = 	snop  }
0x90: {  	s2 =	sld [smem:$0x3FD0];
	(tm) =	ssettm $0x1  }
0x91: {  	s18 =	sld [smem:$0x3FFB];
	_ =	sdelay $0x3  }
0x92: {  	_ =	strace s18  }
0x93: {  	s3 =	sld [smem:$0x3FFC];
	_ =	sdelay $0x3  }
0x94: {  	_ =	strace s3  }
0x95: {  	s3 =	sld [smem:$0x3FFD];
	_ =	sdelay $0x3  }
0x96: {  	_ =	strace s3  }
0x97: {  	_ =	strace $0x8FFFFFFF  }
0x98: {  	s19 =	sld [smem:$0x3FDB];
	_ =	sdelay $0x1  }
0x99: {  	s4 =	simm.s32 $_scs_section_size  }
0x9a: {  	s5 =	simm.s32 $_size__tile_overlayer_lowered;
	s6 =	simm.s32 $_tile_overlayer_lowered  }
0x9b: {  	s22 =	simm.s32 $0x1BFF;
	s21 =	sshll.u32 s6, $0x1;
	s3 =	sadd.s32 s4, s19  }
0x9c: {  	s7 =	simm.s32 $0x0;
	s20 =	sshll.u32 s5, $0x1;
	s5 =	sadd.s32 s21, s3  }
0x9d: {  	[timem:s7], [sflag:s22] =	dma.local [hbm:s5], s20  }
0x9e: {  	_ =	swait.ge [sflag:s22], s20  }
0x9f: {  	s4 =	ssub.s32 $0x0, s20;
	[sflag:s22] =	ssyncset.done $0x0  }
0xa0: {  	[sflag:s22] =	ssyncadd.s32 s4;
	_ =	sdelay $0x1  }
0xa1: {  	s23 =	simm.s32 $0x1B8B  }
0xa2: {  	_ =	swait.ge [sflag:s23], $0x1  }
0xa3: {  	[sflag:s23] =	ssyncset.done $0x0  }
0xa4: {  	s25 =	simm.s32 $0x1B8E;
	s24 =	sld [smem:$0x3FFE];
	[sflag:s23] =	ssyncadd.s32 $0xFFFFFFFF  }
0xa5: {  	s26 =	simm.s32 $execute0_lowered;
	[smem:$0x3FD2] =	sst s25  }
0xa6: {  	s5 =	sshll.u32 s26, $0x1;
	_ =	strace $0x80000049;
	[dreg:$0x1] =	wrdreg $0xFFFFFFFF  }
0xa7: {  	s28 =	simm.s32 $_size_execute0_lowered;
	s3 =	sadd.s32 s3, s5;
	[dreg:$0x0] =	wrdreg $0x0  }
0xa8: {  	s5 =	sshll.u32 s28, $0x1;
	[dreg:$0x2] =	wrdreg s3  }
0xa9: {  	[dreg:$0x3] =	wrdreg s5  }
0xaa: {  	[dreg:$0x4] =	wrdreg $0xC0  }
0xab: {  	_ =	task [dreg:s7], $0x5FFFF  }
0xac: {  	[dreg:$0x1] =	wrdreg $0xFFFFFFFF  }
0xad: {  	[dreg:$0x0] =	wrdreg $0x60  }
0xae: {  	[dreg:$0x2] =	wrdreg s24  }
0xaf: {  	[dreg:$0x3] =	wrdreg s2  }
0xb0: {  	[dreg:$0x4] =	wrdreg $0x1BA800  }
0xb1: {  	[dreg:$0x5] =	wrdreg $0x1BD000  }
0xb2: {  	[dreg:$0x6] =	wrdreg $0x9  }
0xb3: {  	_ =	task.clear_ibuf [dreg:s7], $0x7FFFF;
	_ =	strace $0x90000049  }
0xb4: {  	s29 =	simm.s32 $0x9;
	_ =	strace $0x8000004B  }
0xb5: {  	_ =	swait.ge [sflag:s29], $0x1  }
0xb6: {  	[sflag:s29] =	ssyncadd.s32 $0xFFFFFFFF  }
0xb7: {  	_ =	strace $0x9000004B  }
0xb8: {  	_ =	sfence  }
0xb9: {  	s30 =	sld [smem:$0x0];
	_ =	sdelay $0x2  }
0xba: {  	s31 =	sshll.u32 s1, $0xD;
	s1 =	sshrl.u32 s1, $0x2  }
0xbb: {  	s3 =	sand.u32 $0x4000, s31;
	s1 =	sadd.s32 s1, s30  }
0xbc: {  	s0 =	sor.u32 s3, s0;
	s1 =	sshll.u32 s1, $0x11  }
0xbd: {  	s0 =	sor.u32 s1, s0  }
0xbe: {  	s0 =	sadd.s32 $0x8F2B, s0  }
0xbf: {  	[sflag:s0] =	ssyncadd.remote.s32 $0x1  }
0xc0: {  	_ =	sfence.sel $0xFFFF  }
0xc1: {  	[dreg:$0x0] =	wrdreg $0xFFFFFFFF;
	(pc) =	sbr.abs _section_cstart, $3  }
0xc2: {  	[dreg:$0x1] =	wrdreg $0xFFFFFFFF  }
0xc3: {  	_ =	task.clear_ibuf [dreg:s7], $0x2FFFF;
	_ =	strace $0x9FFFFFFF  }
0xc4: {  	(tm) =	ssettm $0x7FFFFFFF  }
0xc5: {  	_ =	shalt  }
tec
execute0_lowered:
.L_overlay_start_1:
0x0: {  	(tag) =	ssettag $0x1  }
0x1: {  	s0 =	rddreg [dreg:$0x0]  }
0x2: {  	s2 =	rddreg [dreg:$0x2]  }
0x3: {  	s3 =	rddreg [dreg:$0x3];
	s5 =	simm.s32 $0x0;
	s6 =	srdreg.scid  }
0x4: {  	s4 =	stileid.u32;
	s16 =	simm.s32 $0x4000;
	s17 =	simm.s32 $0x8000  }
0x5: {  	s18 =	simm.s32 $0x14000;
	s19 =	simm.s32 $0x16800;
	s20 =	simm.s32 $0x19000  }
0x6: {  	s21 =	simm.s32 $0x1B800;
	s22 =	simm.s32 $0x2;
	s23 =	simm.s32 $0x1  }
0x7: {  	s24 =	simm.s32 $0x50;
	s25 =	simm.s32 $0x20;
	s26 =	simm.s32 $0x10  }
0x8: {  	s28 =	simm.s32 $0x0;
	[smem:$0x7FF] =	sst s5;
	s9 =	smul.u32 $0x500, s4  }
0x9: {  	s8 =	sand.u32 $0x1, s6;
	s7 =	sshll.u32 s4, $0xB;
	s12 =	smul.u32 $0x280, s4  }
0xa: {  	s6 =	sshll.u32 s8, $0xF;
	_ =	strace $0x8000004A;
	s30 =	sshll.u32 s8, $0x7  }
0xb: {  	s8 =	ssub.s32 $0x2, s8;
	s6 =	sor.u32 s7, s6;
	s9 =	sor.u32 s30, s9  }
0xc: {  	s7 =	sadd.s32 $0x21C00, s0;
	s31 =	sshrl.u32 s8, $0x1;
	s11 =	sadd.s32 s12, s2  }
0xd: {  	s12 =	sadd.s32 s12, s3;
	s10 =	sadd.s32 s6, s0;
	s9 =	sshrl.u32 s9, $0x3  }
0xe: {  	s6 =	sadd.s32 $0x32600, s0;
	s15 =	ssub.s32 s8, s31;
	s0 =	sadd.s32 s9, s0  }
0xf: {  	s8 =	sadd.s32 $0x22600, s10;
	s9 =	sadd.s32 $0x1C00, s10;
	s10 =	sadd.s32 $0x11C00, s10  }
0x10: {  	v0 =	vimm.f32 $0.0e+00;
	s15 =	smax.u32 s15, $0x1;
	s13 =	sadd.s32 $0x32C00, s0;
	s14 =	sadd.s32 $0x33600, s0  }
.LBB2_1:
0x11: {  	[tilespmem:s5], [sflag:$0x1] =	stream.linear.gather [hbm4b:s8+s5], $0x3E80, $0x38;
	[tilespmem:$0x1BF80] =	vst v63  }
0x12: {  	_ = 	snop  }
0x13: {  	[tilespmem:s16], [sflag:$0x1] =	stream.linear.gather [hbm4b:s9+s5], $0x3E80, $0x38;
	[tilespmem:$0x1BF80] =	vst v63  }
0x14: {  	_ = 	snop  }
0x15: {  	[tilespmem:s17], [sflag:$0x1] =	stream.linear.gather [hbm4b:s10+s5], $0x3E80, $0x38;
	[tilespmem:$0x1BF80] =	vst v63  }
0x16: {  	s0 =	rddreg [dreg:$0x1]  }
0x17: {  	[tilespmem:s18], [sflag:$0x1] =	stream.linear.gather [hbm4b:s0+s5], $0x2800, $0x38;
	[tilespmem:$0x1BF80] =	vst v63  }
0x18: {  	_ = 	snop  }
0x19: {  	[tilespmem:s19], [sflag:$0x1] =	stream.linear.gather [hbm4b:s6+s5], $0x2800, $0x38;
	[tilespmem:$0x1BF80] =	vst v63  }
0x1a: {  	_ = 	snop  }
0x1b: {  	[tilespmem:s20], [sflag:$0x1] =	stream.linear.gather [hbm4b:s7+s5], $0x2800, $0x38;
	[tilespmem:$0x1BF80] =	vst v63  }
0x1c: {  	[tilespmem:$0x1B800] =	vst v0  }
0x1d: {  	[tilespmem:$0x1B810] =	vst v0  }
0x1e: {  	[tilespmem:$0x1B820] =	vst v0  }
0x1f: {  	[tilespmem:$0x1B830] =	vst v0  }
0x20: {  	[tilespmem:$0x1B840] =	vst v0  }
0x21: {  	[tilespmem:$0x1B850] =	vst v0  }
0x22: {  	[tilespmem:$0x1B860] =	vst v0  }
0x23: {  	[tilespmem:$0x1B870] =	vst v0  }
0x24: {  	[tilespmem:$0x1B880] =	vst v0  }
0x25: {  	[tilespmem:$0x1B890] =	vst v0  }
0x26: {  	[tilespmem:$0x1B8A0] =	vst v0  }
0x27: {  	[tilespmem:$0x1B8B0] =	vst v0  }
0x28: {  	[tilespmem:$0x1B8C0] =	vst v0  }
0x29: {  	[tilespmem:$0x1B8D0] =	vst v0  }
0x2a: {  	[tilespmem:$0x1B8E0] =	vst v0  }
0x2b: {  	[tilespmem:$0x1B8F0] =	vst v0  }
0x2c: {  	[tilespmem:$0x1B900] =	vst v0  }
0x2d: {  	[tilespmem:$0x1B910] =	vst v0  }
0x2e: {  	[tilespmem:$0x1B920] =	vst v0  }
0x2f: {  	[tilespmem:$0x1B930] =	vst v0  }
0x30: {  	[tilespmem:$0x1B940] =	vst v0  }
0x31: {  	[tilespmem:$0x1B950] =	vst v0  }
0x32: {  	[tilespmem:$0x1B960] =	vst v0  }
0x33: {  	[tilespmem:$0x1B970] =	vst v0  }
0x34: {  	[tilespmem:$0x1B980] =	vst v0  }
0x35: {  	[tilespmem:$0x1B990] =	vst v0  }
0x36: {  	[tilespmem:$0x1B9A0] =	vst v0  }
0x37: {  	[tilespmem:$0x1B9B0] =	vst v0  }
0x38: {  	[tilespmem:$0x1B9C0] =	vst v0  }
0x39: {  	[tilespmem:$0x1B9D0] =	vst v0  }
0x3a: {  	[tilespmem:$0x1B9E0] =	vst v0  }
0x3b: {  	[tilespmem:$0x1B9F0] =	vst v0  }
0x3c: {  	[tilespmem:$0x1BA00] =	vst v0  }
0x3d: {  	[tilespmem:$0x1BA10] =	vst v0  }
0x3e: {  	[tilespmem:$0x1BA20] =	vst v0  }
0x3f: {  	[tilespmem:$0x1BA30] =	vst v0  }
0x40: {  	[tilespmem:$0x1BA40] =	vst v0  }
0x41: {  	[tilespmem:$0x1BA50] =	vst v0  }
0x42: {  	[tilespmem:$0x1BA60] =	vst v0  }
0x43: {  	[tilespmem:$0x1BA70] =	vst v0  }
0x44: {  	[spmem:s11] =	stream.linear.scatter [tilespmem:s21], [sflag:$0x2], $0x280, $0x38;
	[tilespmem:$0x1BF80] =	vst v63  }
0x45: {  	_ =	swait.ge [sflag:s22], $0x280  }
0x46: {  	[sflag:s22] =	ssyncset.done $0x0  }
0x47: {  	[sflag:s22] =	ssyncadd.s32 $0xFFFFFD80  }
0x48: {  	[spmem:s12] =	stream.linear.scatter [tilespmem:s21], [sflag:$0x2], $0x280, $0x38;
	[tilespmem:$0x1BF80] =	vst v63  }
0x49: {  	_ =	swait.ge [sflag:s22], $0x280  }
0x4a: {  	[sflag:s22] =	ssyncset.done $0x0  }
0x4b: {  	[sflag:s22] =	ssyncadd.s32 $0xFFFFFD80  }
0x4c: {  	_ =	swait.ge [sflag:s23], $0x3E80  }
0x4d: {  	[sflag:s23] =	ssyncset.done $0x0  }
0x4e: {  	[sflag:s23] =	ssyncadd.s32 $0xFFFFC180  }
0x4f: {  	_ =	swait.ge [sflag:s23], $0x3E80  }
0x50: {  	[sflag:s23] =	ssyncset.done $0x0  }
0x51: {  	[sflag:s23] =	ssyncadd.s32 $0xFFFFC180  }
0x52: {  	_ =	swait.ge [sflag:s23], $0x3E80  }
0x53: {  	[sflag:s23] =	ssyncset.done $0x0  }
0x54: {  	[sflag:s23] =	ssyncadd.s32 $0xFFFFC180  }
0x55: {  	_ =	swait.ge [sflag:s23], $0x2800  }
0x56: {  	[sflag:s23] =	ssyncset.done $0x0  }
0x57: {  	[sflag:s23] =	ssyncadd.s32 $0xFFFFD800  }
0x58: {  	_ =	swait.ge [sflag:s23], $0x2800  }
0x59: {  	[sflag:s23] =	ssyncset.done $0x0  }
0x5a: {  	[sflag:s23] =	ssyncadd.s32 $0xFFFFD800  }
0x5b: {  	_ =	swait.ge [sflag:s23], $0x2800  }
0x5c: {  	[sflag:s23] =	ssyncset.done $0x0  }
0x5d: {  	[sflag:s23] =	ssyncadd.s32 $0xFFFFD800  }
0x5e: {  	s29 =	simm.s32 $0x0;
	[bflag:$0x0] =	sbarrier.arrive $0xFFFF  }
0x5f: {  	v1 =	vld [tilespmem:s29+$0x0];
	_ =	sdelay $0x1  }
0x60: {  	v2 =	vld [tilespmem:s29+$0x4000];
	_ =	sdelay $0x4  }
0x61: {  	v4 =	vld [tilespmem:s29+$0x8000]  }
0x62: {  	v3 =	vld.idx.msk [tilespmem:v1+s18+$0x0], $0xffff;
	_ =	sdelay $0x1  }
0x63: {  	v2 =	vld.idx.msk [tilespmem:v2+s18+$0x0], $0xffff  }
0x64: {  	v5 =	vld.idx.msk [tilespmem:v1+s20+$0x0], $0xffff  }
0x65: {  	v1 =	vld.idx.msk [tilespmem:v1+s19+$0x0], $0xffff  }
0x66: {  	v3 =	vmul.f32 v3, v4;
	v4 =	vld [tilespmem:s29+$0x10];
	_ =	sdelay $0x1  }
0x67: {  	v2 =	vmul.f32 v2, v3;
	v3 =	vld [tilespmem:s29+$0x4010];
	_ =	sdelay $0x1  }
0x68: {  	v1 =	vmul.f32 v2, v1  }
0x69: {  	v2 =	vmul.f32 v5, v2  }
0x6a: {  	[tilespmem:s29+$0xC000] =	vst v1  }
0x6b: {  	[tilespmem:s29+$0x10000] =	vst v2;
	v2 =	vld [tilespmem:s29+$0x8010]  }
0x6c: {  	v1 =	vld.idx.msk [tilespmem:v4+s18+$0x0], $0xffff;
	_ =	sdelay $0x1  }
0x6d: {  	v3 =	vld.idx.msk [tilespmem:v3+s18+$0x0], $0xffff  }
0x6e: {  	v5 =	vld.idx.msk [tilespmem:v4+s20+$0x0], $0xffff  }
0x6f: {  	v4 =	vld.idx.msk [tilespmem:v4+s19+$0x0], $0xffff  }
0x70: {  	v1 =	vmul.f32 v1, v2;
	v2 =	vld [tilespmem:s29+$0x20];
	_ =	sdelay $0x1  }
0x71: {  	v1 =	vmul.f32 v3, v1;
	v3 =	vld [tilespmem:s29+$0x4020];
	_ =	sdelay $0x1  }
0x72: {  	v4 =	vmul.f32 v1, v4  }
0x73: {  	v1 =	vmul.f32 v5, v1  }
0x74: {  	[tilespmem:s29+$0xC010] =	vst v4  }
0x75: {  	[tilespmem:s29+$0x10010] =	vst v1;
	v4 =	vld [tilespmem:s29+$0x8020]  }
0x76: {  	v1 =	vld.idx.msk [tilespmem:v2+s18+$0x0], $0xffff;
	_ =	sdelay $0x1  }
0x77: {  	v3 =	vld.idx.msk [tilespmem:v3+s18+$0x0], $0xffff  }
0x78: {  	v5 =	vld.idx.msk [tilespmem:v2+s19+$0x0], $0xffff  }
0x79: {  	v2 =	vld.idx.msk [tilespmem:v2+s20+$0x0], $0xffff  }
0x7a: {  	v1 =	vmul.f32 v1, v4;
	v4 =	vld [tilespmem:s29+$0x30];
	_ =	sdelay $0x1  }
0x7b: {  	v1 =	vmul.f32 v3, v1;
	v3 =	vld [tilespmem:s29+$0x4030];
	_ =	sdelay $0x1  }
0x7c: {  	v5 =	vmul.f32 v1, v5  }
0x7d: {  	v1 =	vmul.f32 v2, v1  }
0x7e: {  	[tilespmem:s29+$0xC020] =	vst v5  }
0x7f: {  	[tilespmem:s29+$0x10020] =	vst v1;
	v1 =	vld [tilespmem:s29+$0x8030]  }
0x80: {  	v2 =	vld.idx.msk [tilespmem:v4+s18+$0x0], $0xffff;
	_ =	sdelay $0x1  }
0x81: {  	v3 =	vld.idx.msk [tilespmem:v3+s18+$0x0], $0xffff  }
0x82: {  	v6 =	vld [tilespmem:s29+$0x40]  }
0x83: {  	v5 =	vld.idx.msk [tilespmem:v4+s19+$0x0], $0xffff  }
0x84: {  	v4 =	vld.idx.msk [tilespmem:v4+s20+$0x0], $0xffff;
	v1 =	vmul.f32 v2, v1;
	_ =	sdelay $0x1  }
0x85: {  	v2 =	vld [tilespmem:s29+$0x4040];
	v1 =	vmul.f32 v3, v1;
	_ =	sdelay $0x1  }
0x86: {  	v3 =	vmul.f32 v1, v5  }
0x87: {  	v1 =	vmul.f32 v4, v1  }
0x88: {  	[tilespmem:s29+$0xC030] =	vst v3  }
0x89: {  	v5 =	vld [tilespmem:s29+$0x8040];
	[tilespmem:s29+$0x10030] =	vst v1  }
0x8a: {  	v7 =	vld.idx.msk [tilespmem:v6+s18+$0x0], $0xffff;
	_ =	sdelay $0x1  }
0x8b: {  	v4 =	vld.idx.msk [tilespmem:v2+s18+$0x0], $0xffff  }
0x8c: {  	v3 =	vld.idx.msk [tilespmem:v6+s20+$0x0], $0xffff  }
0x8d: {  	s0 =	simm.s32 $0x80;
	v2 =	vld.idx.msk [tilespmem:v6+s19+$0x0], $0xffff  }
0x8e: {  	s30 =	simm.s32 $0x400;
	v1 =	vld [tilespmem:s0+$0x0];
	v5 =	vmul.f32 v7, v5  }
.LBB2_2:
0x8f: {  	p0 =	sne.s32 s30, $0xF800;
	s31 =	smov.u32 s30;
	s30 =	sadd.s32 $0x200, s30  }
0x90: {  	v6 =	vld [tilespmem:s0+$0x4000];
	v4 =	vmul.f32 v4, v5;
	_ =	sdelay $0x1  }
0x91: {  	v2 =	vmul.f32 v4, v2;
	v3 =	vmul.f32 v3, v4;
	_ =	sdelay $0x1  }
0x92: {  	[tilespmem:s29+$0xC040] =	vst v2  }
0x93: {  	[tilespmem:s29+$0x10040] =	vst v3;
	s29 =	smov.u32 s0  }
0x94: {  	v2 =	vld.idx.msk [tilespmem:v1+s18+$0x0], $0xffff  }
0x95: {  	v3 =	vld [tilespmem:s29+$0x8000]  }
0x96: {  	v4 =	vld.idx.msk [tilespmem:v6+s18+$0x0], $0xffff  }
0x97: {  	v5 =	vld.idx.msk [tilespmem:v1+s20+$0x0], $0xffff  }
0x98: {  	v1 =	vld.idx.msk [tilespmem:v1+s19+$0x0], $0xffff;
	_ =	sdelay $0x1  }
0x99: {  	v2 =	vmul.f32 v2, v3;
	v3 =	vld [tilespmem:s29+$0x10];
	_ =	sdelay $0x1  }
0x9a: {  	v2 =	vmul.f32 v4, v2;
	v4 =	vld [tilespmem:s29+$0x4010];
	_ =	sdelay $0x1  }
0x9b: {  	v1 =	vmul.f32 v2, v1;
	v2 =	vmul.f32 v5, v2;
	_ =	sdelay $0x1  }
0x9c: {  	[tilespmem:s29+$0xC000] =	vst v1  }
0x9d: {  	[tilespmem:s29+$0x10000] =	vst v2  }
0x9e: {  	v1 =	vld.idx.msk [tilespmem:v3+s18+$0x0], $0xffff  }
0x9f: {  	v2 =	vld [tilespmem:s29+$0x8010]  }
0xa0: {  	v4 =	vld.idx.msk [tilespmem:v4+s18+$0x0], $0xffff  }
0xa1: {  	v5 =	vld.idx.msk [tilespmem:v3+s20+$0x0], $0xffff  }
0xa2: {  	v3 =	vld.idx.msk [tilespmem:v3+s19+$0x0], $0xffff;
	_ =	sdelay $0x1  }
0xa3: {  	v1 =	vmul.f32 v1, v2;
	v2 =	vld [tilespmem:s29+$0x20];
	_ =	sdelay $0x1  }
0xa4: {  	v1 =	vmul.f32 v4, v1;
	v4 =	vld [tilespmem:s29+$0x4020];
	_ =	sdelay $0x1  }
0xa5: {  	v3 =	vmul.f32 v1, v3;
	v1 =	vmul.f32 v5, v1;
	_ =	sdelay $0x1  }
0xa6: {  	[tilespmem:s29+$0xC010] =	vst v3  }
0xa7: {  	[tilespmem:s29+$0x10010] =	vst v1  }
0xa8: {  	v1 =	vld.idx.msk [tilespmem:v2+s18+$0x0], $0xffff  }
0xa9: {  	v3 =	vld [tilespmem:s29+$0x8020]  }
0xaa: {  	v4 =	vld.idx.msk [tilespmem:v4+s18+$0x0], $0xffff  }
0xab: {  	v5 =	vld.idx.msk [tilespmem:v2+s20+$0x0], $0xffff  }
0xac: {  	v2 =	vld.idx.msk [tilespmem:v2+s19+$0x0], $0xffff;
	_ =	sdelay $0x1  }
0xad: {  	v1 =	vmul.f32 v1, v3;
	v3 =	vld [tilespmem:s29+$0x30]  }
0xae: {  	v6 =	vld [tilespmem:s29+$0x4030]  }
0xaf: {  	v1 =	vmul.f32 v4, v1;
	_ =	sdelay $0x1  }
0xb0: {  	v2 =	vmul.f32 v1, v2;
	v1 =	vmul.f32 v5, v1;
	_ =	sdelay $0x1  }
0xb1: {  	[tilespmem:s29+$0xC020] =	vst v2  }
0xb2: {  	[tilespmem:s29+$0x10020] =	vst v1;
	v1 =	vld [tilespmem:s29+$0x8030]  }
0xb3: {  	v2 =	vld.idx.msk [tilespmem:v3+s18+$0x0], $0xffff  }
0xb4: {  	v4 =	vld.idx.msk [tilespmem:v6+s18+$0x0], $0xffff  }
0xb5: {  	v5 =	vld.idx.msk [tilespmem:v3+s19+$0x0], $0xffff  }
0xb6: {  	v3 =	vld.idx.msk [tilespmem:v3+s20+$0x0], $0xffff;
	_ =	sdelay $0x2  }
0xb7: {  	v1 =	vmul.f32 v2, v1;
	v6 =	vld [tilespmem:s29+$0x40]  }
0xb8: {  	v2 =	vld [tilespmem:s29+$0x4040]  }
0xb9: {  	v1 =	vmul.f32 v4, v1;
	_ =	sdelay $0x1  }
0xba: {  	v4 =	vmul.f32 v1, v5;
	v1 =	vmul.f32 v3, v1;
	_ =	sdelay $0x1  }
0xbb: {  	[tilespmem:s29+$0xC030] =	vst v4  }
0xbc: {  	[tilespmem:s29+$0x10030] =	vst v1;
	v5 =	vld [tilespmem:s29+$0x8040]  }
0xbd: {  	v7 =	vld.idx.msk [tilespmem:v6+s18+$0x0], $0xffff  }
0xbe: {  	v4 =	vld.idx.msk [tilespmem:v2+s18+$0x0], $0xffff  }
.Ltmp0:
0xbf: {  	v2 =	vld.idx.msk [tilespmem:v6+s19+$0x0], $0xffff;
	(pc) =	sbr.rel @p0 .LBB2_2-.Ltmp0, $4  }
0xc0: {  	v3 =	vld.idx.msk [tilespmem:v6+s20+$0x0], $0xffff  }
0xc1: {  	s0 =	sshra.s32 s31, $0x2  }
0xc2: {  	v1 =	vld [tilespmem:s0+$0x0]  }
0xc3: {  	v5 =	vmul.f32 v7, v5  }
0xc4: {  	_ = 	snop  }
0xc5: {  	v4 =	vmul.f32 v4, v5  }
0xc6: {  	v55 =	vld [tilespmem:s0+$0x4000]  }
0xc7: {  	v2 =	vmul.f32 v4, v2  }
0xc8: {  	v3 =	vmul.f32 v3, v4  }
0xc9: {  	[tilespmem:s29+$0xC040] =	vst v2  }
0xca: {  	[tilespmem:s29+$0x10040] =	vst v3  }
0xcb: {  	v2 =	vld.idx.msk [tilespmem:v1+s18+$0x0], $0xffff  }
0xcc: {  	v3 =	vld [tilespmem:s0+$0x8000];
	_ =	sdelay $0x1  }
0xcd: {  	v56 =	vld.idx.msk [tilespmem:v55+s18+$0x0], $0xffff  }
0xce: {  	v57 =	vld.idx.msk [tilespmem:v1+s20+$0x0], $0xffff  }
0xcf: {  	v1 =	vld.idx.msk [tilespmem:v1+s19+$0x0], $0xffff  }
0xd0: {  	v2 =	vmul.f32 v2, v3;
	v3 =	vld [tilespmem:s0+$0x10];
	_ =	sdelay $0x1  }
0xd1: {  	v58 =	vld [tilespmem:s0+$0x4010];
	v2 =	vmul.f32 v56, v2;
	_ =	sdelay $0x1  }
0xd2: {  	v1 =	vmul.f32 v2, v1  }
0xd3: {  	v2 =	vmul.f32 v57, v2  }
0xd4: {  	[tilespmem:s0+$0xC000] =	vst v1  }
0xd5: {  	[tilespmem:s0+$0x10000] =	vst v2;
	v2 =	vld [tilespmem:s0+$0x8010]  }
0xd6: {  	v1 =	vld.idx.msk [tilespmem:v3+s18+$0x0], $0xffff;
	_ =	sdelay $0x1  }
0xd7: {  	v4 =	vld.idx.msk [tilespmem:v58+s18+$0x0], $0xffff  }
0xd8: {  	v59 =	vld.idx.msk [tilespmem:v3+s20+$0x0], $0xffff  }
0xd9: {  	v3 =	vld.idx.msk [tilespmem:v3+s19+$0x0], $0xffff  }
0xda: {  	v1 =	vmul.f32 v1, v2;
	v2 =	vld [tilespmem:s0+$0x20];
	_ =	sdelay $0x1  }
0xdb: {  	v60 =	vld [tilespmem:s0+$0x4020];
	v1 =	vmul.f32 v4, v1;
	_ =	sdelay $0x1  }
0xdc: {  	v3 =	vmul.f32 v1, v3  }
0xdd: {  	v1 =	vmul.f32 v59, v1  }
0xde: {  	[tilespmem:s0+$0xC010] =	vst v3  }
0xdf: {  	[tilespmem:s0+$0x10010] =	vst v1;
	v3 =	vld [tilespmem:s0+$0x8020]  }
0xe0: {  	v1 =	vld.idx.msk [tilespmem:v2+s18+$0x0], $0xffff;
	_ =	sdelay $0x1  }
0xe1: {  	v4 =	vld.idx.msk [tilespmem:v60+s18+$0x0], $0xffff  }
0xe2: {  	v61 =	vld.idx.msk [tilespmem:v2+s19+$0x0], $0xffff  }
0xe3: {  	v2 =	vld.idx.msk [tilespmem:v2+s20+$0x0], $0xffff  }
0xe4: {  	v1 =	vmul.f32 v1, v3;
	v3 =	vld [tilespmem:s0+$0x30];
	_ =	sdelay $0x1  }
0xe5: {  	v62 =	vld [tilespmem:s0+$0x4030];
	v1 =	vmul.f32 v4, v1;
	_ =	sdelay $0x1  }
0xe6: {  	v5 =	vmul.f32 v1, v61  }
0xe7: {  	v1 =	vmul.f32 v2, v1  }
0xe8: {  	[tilespmem:s0+$0xC020] =	vst v5  }
0xe9: {  	[tilespmem:s0+$0x10020] =	vst v1;
	v1 =	vld [tilespmem:s0+$0x8030]  }
0xea: {  	v2 =	vld.idx.msk [tilespmem:v3+s18+$0x0], $0xffff;
	_ =	sdelay $0x1  }
0xeb: {  	v4 =	vld.idx.msk [tilespmem:v62+s18+$0x0], $0xffff  }
0xec: {  	v5 =	vld.idx.msk [tilespmem:v3+s19+$0x0], $0xffff  }
0xed: {  	v3 =	vld.idx.msk [tilespmem:v3+s20+$0x0], $0xffff  }
0xee: {  	v1 =	vmul.f32 v2, v1;
	v2 =	vld [tilespmem:s0+$0x40];
	_ =	sdelay $0x1  }
0xef: {  	v63 =	vld [tilespmem:s0+$0x4040];
	v1 =	vmul.f32 v4, v1;
	_ =	sdelay $0x1  }
0xf0: {  	v5 =	vmul.f32 v1, v5  }
0xf1: {  	v1 =	vmul.f32 v3, v1  }
0xf2: {  	[tilespmem:s0+$0xC030] =	vst v5  }
0xf3: {  	[tilespmem:s0+$0x10030] =	vst v1;
	v1 =	vld [tilespmem:s0+$0x8040]  }
0xf4: {  	v3 =	vld.idx.msk [tilespmem:v2+s18+$0x0], $0xffff;
	_ =	sdelay $0x1  }
0xf5: {  	v4 =	vld.idx.msk [tilespmem:v63+s18+$0x0], $0xffff;
	_ =	sdelay $0x1  }
0xf6: {  	v5 =	vld.idx.msk [tilespmem:v2+s19+$0x0], $0xffff  }
0xf7: {  	v2 =	vld.idx.msk [tilespmem:v2+s20+$0x0], $0xffff;
	v1 =	vmul.f32 v3, v1;
	_ =	sdelay $0x1  }
0xf8: {  	v1 =	vmul.f32 v4, v1;
	_ =	sdelay $0x1  }
0xf9: {  	v3 =	vmul.f32 v1, v5  }
0xfa: {  	v1 =	vmul.f32 v2, v1  }
0xfb: {  	[tilespmem:s0+$0xC040] =	vst v3  }
0xfc: {  	s31 =	simm.s32 $0xC000;
	s29 =	simm.s32 $0x4000;
	[tilespmem:s0+$0x10040] =	vst v1  }
0xfd: {  	[spmem:s2] =	stream.indirect.scatter.add.f32 [tilespmem:s31], [sflag:$0x1], $0x1, s29, s24, $0xb8;
	[tilespmem:$0x1BF80] =	vst v63  }
0xfe: {  	s1 =	simm.s32 $0x10000  }
0xff: {  	[spmem:s3] =	stream.indirect.scatter.add.f32 [tilespmem:s1], [sflag:$0x1], $0x1, s29, s24, $0xb8;
	[tilespmem:$0x1BF80] =	vst v63  }
0x100: {  	s30 =	simm.s32 $0xC080;
	s29 =	simm.s32 $0x4080  }
0x101: {  	[spmem:s2] =	stream.indirect.scatter.add.f32 [tilespmem:s30], [sflag:$0x1], $0x1, s29, s24, $0xb8;
	[tilespmem:$0x1BF80] =	vst v63  }
0x102: {  	s31 =	simm.s32 $0x10080  }
0x103: {  	[spmem:s3] =	stream.indirect.scatter.add.f32 [tilespmem:s31], [sflag:$0x1], $0x1, s29, s24, $0xb8;
	[tilespmem:$0x1BF80] =	vst v63  }
0x104: {  	s1 =	simm.s32 $0xC100;
	s29 =	simm.s32 $0x4100  }
0x105: {  	[spmem:s2] =	stream.indirect.scatter.add.f32 [tilespmem:s1], [sflag:$0x1], $0x1, s29, s24, $0xb8;
	[tilespmem:$0x1BF80] =	vst v63  }
0x106: {  	s30 =	simm.s32 $0x10100  }
0x107: {  	[spmem:s3] =	stream.indirect.scatter.add.f32 [tilespmem:s30], [sflag:$0x1], $0x1, s29, s24, $0xb8;
	[tilespmem:$0x1BF80] =	vst v63  }
0x108: {  	s31 =	simm.s32 $0xC180;
	s29 =	simm.s32 $0x4180  }
0x109: {  	[spmem:s2] =	stream.indirect.scatter.add.f32 [tilespmem:s31], [sflag:$0x1], $0x1, s29, s24, $0xb8;
	[tilespmem:$0x1BF80] =	vst v63  }
0x10a: {  	s1 =	simm.s32 $0x10180  }
0x10b: {  	[spmem:s3] =	stream.indirect.scatter.add.f32 [tilespmem:s1], [sflag:$0x1], $0x1, s29, s24, $0xb8;
	[tilespmem:$0x1BF80] =	vst v63  }
0x10c: {  	s30 =	simm.s32 $0xC200;
	s29 =	simm.s32 $0x4200  }
0x10d: {  	[spmem:s2] =	stream.indirect.scatter.add.f32 [tilespmem:s30], [sflag:$0x1], $0x1, s29, s24, $0xb8;
	[tilespmem:$0x1BF80] =	vst v63  }
0x10e: {  	s31 =	simm.s32 $0x10200  }
0x10f: {  	[spmem:s3] =	stream.indirect.scatter.add.f32 [tilespmem:s31], [sflag:$0x1], $0x1, s29, s24, $0xb8;
	[tilespmem:$0x1BF80] =	vst v63  }
0x110: {  	_ =	swait.ge [sflag:s23], $0x50  }
0x111: {  	[sflag:s23] =	ssyncset.done $0x0  }
0x112: {  	[sflag:s23] =	ssyncadd.s32 $0xFFFFFFB0  }
0x113: {  	_ =	swait.ge [sflag:s23], $0x50  }
0x114: {  	[sflag:s23] =	ssyncset.done $0x0  }
0x115: {  	[sflag:s23] =	ssyncadd.s32 $0xFFFFFFB0  }
0x116: {  	_ =	swait.ge [sflag:s23], $0x50  }
0x117: {  	[sflag:s23] =	ssyncset.done $0x0  }
0x118: {  	[sflag:s23] =	ssyncadd.s32 $0xFFFFFFB0  }
0x119: {  	_ =	swait.ge [sflag:s23], $0x50  }
0x11a: {  	[sflag:s23] =	ssyncset.done $0x0  }
0x11b: {  	[sflag:s23] =	ssyncadd.s32 $0xFFFFFFB0  }
0x11c: {  	_ =	swait.ge [sflag:s23], $0x50  }
0x11d: {  	[sflag:s23] =	ssyncset.done $0x0  }
0x11e: {  	[sflag:s23] =	ssyncadd.s32 $0xFFFFFFB0  }
0x11f: {  	_ =	swait.ge [sflag:s23], $0x50  }
0x120: {  	[sflag:s23] =	ssyncset.done $0x0  }
0x121: {  	[sflag:s23] =	ssyncadd.s32 $0xFFFFFFB0  }
0x122: {  	_ =	swait.ge [sflag:s23], $0x50  }
0x123: {  	[sflag:s23] =	ssyncset.done $0x0  }
0x124: {  	[sflag:s23] =	ssyncadd.s32 $0xFFFFFFB0  }
0x125: {  	_ =	swait.ge [sflag:s23], $0x50  }
0x126: {  	[sflag:s23] =	ssyncset.done $0x0  }
0x127: {  	[sflag:s23] =	ssyncadd.s32 $0xFFFFFFB0  }
0x128: {  	_ =	swait.ge [sflag:s23], $0x50  }
0x129: {  	[sflag:s23] =	ssyncset.done $0x0  }
0x12a: {  	[sflag:s23] =	ssyncadd.s32 $0xFFFFFFB0  }
0x12b: {  	_ =	swait.ge [sflag:s23], $0x50  }
0x12c: {  	s0 =	simm.s32 $0x280;
	s29 =	simm.s32 $0x1400;
	[sflag:s23] =	ssyncset.done $0x0  }
.LBB2_4:
0x12d: {  	s31 =	sadd.s32 $0xC000, s0  }
0x12e: {  	s1 =	sadd.s32 $0x4000, s0;
	[sflag:s23] =	ssyncadd.s32 $0xFFFFFFB0;
	s30 =	smov.u32 s29  }
0x12f: {  	[spmem:s2] =	stream.indirect.scatter.add.f32 [tilespmem:s31], [sflag:$0x1], $0x1, s1, s24, $0xb8;
	[tilespmem:$0x1BF80] =	vst v63  }
0x130: {  	p0 =	sne.s32 s29, $0xF000;
	s29 =	sadd.s32 $0xA00, s29;
	s31 =	sadd.s32 $0x10000, s0  }
0x131: {  	[spmem:s3] =	stream.indirect.scatter.add.f32 [tilespmem:s31], [sflag:$0x1], $0x1, s1, s24, $0xb8;
	[tilespmem:$0x1BF80] =	vst v63  }
0x132: {  	s1 =	sadd.s32 $0xC080, s0;
	s31 =	sadd.s32 $0x4080, s0  }
0x133: {  	[spmem:s2] =	stream.indirect.scatter.add.f32 [tilespmem:s1], [sflag:$0x1], $0x1, s31, s24, $0xb8;
	[tilespmem:$0x1BF80] =	vst v63  }
0x134: {  	s1 =	sadd.s32 $0x10080, s0  }
0x135: {  	[spmem:s3] =	stream.indirect.scatter.add.f32 [tilespmem:s1], [sflag:$0x1], $0x1, s31, s24, $0xb8;
	[tilespmem:$0x1BF80] =	vst v63  }
0x136: {  	s1 =	sadd.s32 $0xC100, s0;
	s31 =	sadd.s32 $0x4100, s0  }
0x137: {  	[spmem:s2] =	stream.indirect.scatter.add.f32 [tilespmem:s1], [sflag:$0x1], $0x1, s31, s24, $0xb8;
	[tilespmem:$0x1BF80] =	vst v63  }
0x138: {  	s1 =	sadd.s32 $0x10100, s0  }
0x139: {  	[spmem:s3] =	stream.indirect.scatter.add.f32 [tilespmem:s1], [sflag:$0x1], $0x1, s31, s24, $0xb8;
	[tilespmem:$0x1BF80] =	vst v63  }
0x13a: {  	s1 =	sadd.s32 $0xC180, s0;
	s31 =	sadd.s32 $0x4180, s0  }
0x13b: {  	[spmem:s2] =	stream.indirect.scatter.add.f32 [tilespmem:s1], [sflag:$0x1], $0x1, s31, s24, $0xb8;
	[tilespmem:$0x1BF80] =	vst v63  }
0x13c: {  	s1 =	sadd.s32 $0x10180, s0  }
0x13d: {  	[spmem:s3] =	stream.indirect.scatter.add.f32 [tilespmem:s1], [sflag:$0x1], $0x1, s31, s24, $0xb8;
	[tilespmem:$0x1BF80] =	vst v63  }
0x13e: {  	s1 =	sadd.s32 $0xC200, s0;
	s31 =	sadd.s32 $0x4200, s0  }
0x13f: {  	[spmem:s2] =	stream.indirect.scatter.add.f32 [tilespmem:s1], [sflag:$0x1], $0x1, s31, s24, $0xb8;
	[tilespmem:$0x1BF80] =	vst v63  }
0x140: {  	s0 =	sadd.s32 $0x10200, s0  }
0x141: {  	[spmem:s3] =	stream.indirect.scatter.add.f32 [tilespmem:s0], [sflag:$0x1], $0x1, s31, s24, $0xb8;
	[tilespmem:$0x1BF80] =	vst v63  }
0x142: {  	_ =	swait.ge [sflag:s23], $0x50  }
0x143: {  	[sflag:s23] =	ssyncset.done $0x0  }
0x144: {  	[sflag:s23] =	ssyncadd.s32 $0xFFFFFFB0  }
0x145: {  	_ =	swait.ge [sflag:s23], $0x50  }
0x146: {  	[sflag:s23] =	ssyncset.done $0x0  }
0x147: {  	[sflag:s23] =	ssyncadd.s32 $0xFFFFFFB0  }
0x148: {  	_ =	swait.ge [sflag:s23], $0x50  }
0x149: {  	[sflag:s23] =	ssyncset.done $0x0  }
0x14a: {  	[sflag:s23] =	ssyncadd.s32 $0xFFFFFFB0  }
0x14b: {  	_ =	swait.ge [sflag:s23], $0x50  }
0x14c: {  	[sflag:s23] =	ssyncset.done $0x0  }
0x14d: {  	[sflag:s23] =	ssyncadd.s32 $0xFFFFFFB0  }
0x14e: {  	_ =	swait.ge [sflag:s23], $0x50  }
0x14f: {  	[sflag:s23] =	ssyncset.done $0x0  }
0x150: {  	[sflag:s23] =	ssyncadd.s32 $0xFFFFFFB0  }
0x151: {  	_ =	swait.ge [sflag:s23], $0x50  }
0x152: {  	[sflag:s23] =	ssyncset.done $0x0  }
0x153: {  	[sflag:s23] =	ssyncadd.s32 $0xFFFFFFB0  }
0x154: {  	_ =	swait.ge [sflag:s23], $0x50  }
0x155: {  	[sflag:s23] =	ssyncset.done $0x0  }
0x156: {  	[sflag:s23] =	ssyncadd.s32 $0xFFFFFFB0  }
0x157: {  	_ =	swait.ge [sflag:s23], $0x50  }
0x158: {  	[sflag:s23] =	ssyncset.done $0x0  }
0x159: {  	[sflag:s23] =	ssyncadd.s32 $0xFFFFFFB0  }
.Ltmp1:
0x15a: {  	_ =	swait.ge [sflag:s23], $0x50;
	(pc) =	sbr.rel @p0 .LBB2_4-.Ltmp1, $4  }
0x15b: {  	[sflag:s23] =	ssyncset.done $0x0  }
0x15c: {  	[sflag:s23] =	ssyncadd.s32 $0xFFFFFFB0  }
0x15d: {  	_ =	swait.ge [sflag:s23], $0x50  }
0x15e: {  	s0 =	sshra.s32 s30, $0x2;
	[sflag:s23] =	ssyncset.done $0x0  }
0x15f: {  	s1 =	sadd.s32 $0xC000, s0;
	s29 =	sadd.s32 $0x4000, s0;
	[sflag:s23] =	ssyncadd.s32 $0xFFFFFFB0  }
0x160: {  	[spmem:s2] =	stream.indirect.scatter.add.f32 [tilespmem:s1], [sflag:$0x1], $0x1, s29, s24, $0xb8;
	[tilespmem:$0x1BF80] =	vst v63  }
0x161: {  	s30 =	sadd.s32 $0x10000, s0  }
0x162: {  	[spmem:s3] =	stream.indirect.scatter.add.f32 [tilespmem:s30], [sflag:$0x1], $0x1, s29, s24, $0xb8;
	[tilespmem:$0x1BF80] =	vst v63  }
0x163: {  	s31 =	sadd.s32 $0xC080, s0;
	s30 =	sadd.s32 $0x4080, s0  }
0x164: {  	[spmem:s2] =	stream.indirect.scatter.add.f32 [tilespmem:s31], [sflag:$0x1], $0x1, s30, s24, $0xb8;
	[tilespmem:$0x1BF80] =	vst v63  }
0x165: {  	s31 =	sadd.s32 $0x10080, s0  }
0x166: {  	[spmem:s3] =	stream.indirect.scatter.add.f32 [tilespmem:s31], [sflag:$0x1], $0x1, s30, s24, $0xb8;
	[tilespmem:$0x1BF80] =	vst v63  }
0x167: {  	s30 =	sadd.s32 $0xC100, s0;
	s31 =	sadd.s32 $0x4100, s0  }
0x168: {  	[spmem:s2] =	stream.indirect.scatter.add.f32 [tilespmem:s30], [sflag:$0x1], $0x1, s31, s24, $0xb8;
	[tilespmem:$0x1BF80] =	vst v63  }
0x169: {  	s30 =	sadd.s32 $0x10100, s0  }
0x16a: {  	[spmem:s3] =	stream.indirect.scatter.add.f32 [tilespmem:s30], [sflag:$0x1], $0x1, s31, s24, $0xb8;
	[tilespmem:$0x1BF80] =	vst v63  }
0x16b: {  	s31 =	sadd.s32 $0xC180, s0;
	s30 =	sadd.s32 $0x4180, s0  }
0x16c: {  	[spmem:s2] =	stream.indirect.scatter.add.f32 [tilespmem:s31], [sflag:$0x1], $0x1, s30, s24, $0xb8;
	[tilespmem:$0x1BF80] =	vst v63  }
0x16d: {  	s31 =	sadd.s32 $0x10180, s0  }
0x16e: {  	[spmem:s3] =	stream.indirect.scatter.add.f32 [tilespmem:s31], [sflag:$0x1], $0x1, s30, s24, $0xb8;
	[tilespmem:$0x1BF80] =	vst v63  }
0x16f: {  	s30 =	sadd.s32 $0xC200, s0;
	s31 =	sadd.s32 $0x4200, s0  }
0x170: {  	[spmem:s2] =	stream.indirect.scatter.add.f32 [tilespmem:s30], [sflag:$0x1], $0x1, s31, s24, $0xb8;
	[tilespmem:$0x1BF80] =	vst v63  }
0x171: {  	s1 =	sadd.s32 $0x10200, s0  }
0x172: {  	[spmem:s3] =	stream.indirect.scatter.add.f32 [tilespmem:s1], [sflag:$0x1], $0x1, s31, s24, $0xb8;
	[tilespmem:$0x1BF80] =	vst v63  }
0x173: {  	_ =	swait.ge [sflag:s23], $0x50  }
0x174: {  	[sflag:s23] =	ssyncset.done $0x0  }
0x175: {  	[sflag:s23] =	ssyncadd.s32 $0xFFFFFFB0  }
0x176: {  	_ =	swait.ge [sflag:s23], $0x50  }
0x177: {  	[sflag:s23] =	ssyncset.done $0x0  }
0x178: {  	[sflag:s23] =	ssyncadd.s32 $0xFFFFFFB0  }
0x179: {  	_ =	swait.ge [sflag:s23], $0x50  }
0x17a: {  	[sflag:s23] =	ssyncset.done $0x0  }
0x17b: {  	[sflag:s23] =	ssyncadd.s32 $0xFFFFFFB0  }
0x17c: {  	_ =	swait.ge [sflag:s23], $0x50  }
0x17d: {  	[sflag:s23] =	ssyncset.done $0x0  }
0x17e: {  	[sflag:s23] =	ssyncadd.s32 $0xFFFFFFB0  }
0x17f: {  	_ =	swait.ge [sflag:s23], $0x50  }
0x180: {  	[sflag:s23] =	ssyncset.done $0x0  }
0x181: {  	[sflag:s23] =	ssyncadd.s32 $0xFFFFFFB0  }
0x182: {  	_ =	swait.ge [sflag:s23], $0x50  }
0x183: {  	[sflag:s23] =	ssyncset.done $0x0  }
0x184: {  	[sflag:s23] =	ssyncadd.s32 $0xFFFFFFB0  }
0x185: {  	_ =	swait.ge [sflag:s23], $0x50  }
0x186: {  	[sflag:s23] =	ssyncset.done $0x0  }
0x187: {  	[sflag:s23] =	ssyncadd.s32 $0xFFFFFFB0  }
0x188: {  	_ =	swait.ge [sflag:s23], $0x50  }
0x189: {  	[sflag:s23] =	ssyncset.done $0x0  }
0x18a: {  	[sflag:s23] =	ssyncadd.s32 $0xFFFFFFB0  }
0x18b: {  	_ =	swait.ge [sflag:s23], $0x50  }
0x18c: {  	[sflag:s23] =	ssyncset.done $0x0  }
0x18d: {  	[sflag:s23] =	ssyncadd.s32 $0xFFFFFFB0  }
0x18e: {  	_ =	swait.ge [sflag:s23], $0x50  }
0x18f: {  	s29 =	sshll.u32 s4, $0x6;
	[sflag:s23] =	ssyncset.done $0x0  }
0x190: {  	s28 =	sadd.s32 $0x1, s28;
	s0 =	sor.u32 $0x1C01, s29;
	[sflag:s23] =	ssyncadd.s32 $0xFFFFFFB0  }
0x191: {  	s30 =	sshrl.u32 s11, $0x3;
	s31 =	sshrl.u32 s12, $0x3;
	[bflag:$0x0] =	sbarrier.arrive $0xFFFF  }
0x192: {  	[hbm:s13@s25], [sflag:s0] =	dma.strided [spmem:s30@s26], $0x50, s23, $0x10   }
0x193: {  	[hbm:s14@s25], [sflag:s0] =	dma.strided [spmem:s31@s26], $0x50, s23, $0x10   }
0x194: {  	p0 =	sne.s32 s28, s15;
	_ =	swait.ge [sflag:s23], $0x50  }
.Ltmp2:
0x195: {  	[sflag:s23] =	ssyncset.done $0x0;
	(pc) =	sbr.rel @p0 .LBB2_1-.Ltmp2, $4  }
0x196: {  	[sflag:s23] =	ssyncadd.s32 $0xFFFFFFB0  }
0x197: {  	_ =	swait.ge [sflag:s23], $0x50  }
0x198: {  	[sflag:s23] =	ssyncset.done $0x0  }
0x199: {  	[sflag:s23] =	ssyncadd.s32 $0xFFFFFFB0  }
0x19a: {  	_ =	sfence.sel $0x180000  }
0x19b: {  	[bflag:$0x0] =	sbarrier.arrive $0xFFFF  }
0x19c: {  	_ =	strace $0x9000004A  }
0x19d: {  	[bflag:$0x2] =	sbarrier.arrive $0xFFFF  }
0x19e: {  	p0 =	sne.s32 s4, $0x0;
	s0 =	rddreg [dreg:$0x4]  }
0x19f: {  	s0 =	sadd.s32 @!p0 $0x100000, s0  }
0x1a0: {  	[sflag:s0] =	ssyncadd.tile.s32 @!p0 $0x1;
	_ =	shalt  }
.Lfunc_end2:
_tile_overlayer_lowered:
.L_overlay_start_2:
0x1a1: {  	(tag) =	ssettag $0x2  }
0x1a2: {  	s0 =	rddreg [dreg:$0x0];
	s2 =	stileid.u32  }
0x1a3: {  	s1 =	rddreg [dreg:$0x1];
	p0 =	sne.s32 s2, $0x0  }
0x1a4: {  	s3 =	rddreg [dreg:$0x2];
	[bflag:$0x3] =	sbarrier.arrive $0xFFFF;
	s2 =	simm.s32 @!p0 $0x1C02  }
0x1a5: {  	[timem:s3], [sflag:s2] =	dma.local @!p0 [hbm:s0], s1  }
0x1a6: {  	s0 =	simm.s32 @!p0 $0x2  }
0x1a7: {  	_ =	swait.ge @!p0 [sflag:s0], s1  }
0x1a8: {  	s1 =	ssub.s32 @!p0 $0x0, s1;
	[sflag:s0] =	ssyncset.done @!p0 $0x0  }
0x1a9: {  	[sflag:s0] =	ssyncadd.s32 @!p0 s1  }
0x1aa: {  	[bflag:$0x3] =	sbarrier.arrive $0xFFFF  }
0x1ab: {  	_ =	shalt  }

// kernel: kernel.14.cloned.1.call-start
scs
__scs_entry_jumppad:
0x0: {  	(pc) =	sbr.rel $0x88, $3  }
0x1: {  	(tag) =	ssettag $0x0;
	lr =	simm.s32 $0x1  }
0x2: {  	[smem:$0x3F9B] =	sst lr;
	_ =	strace $0xD0000000  }
0x3: {  	_ = 	snop  }
0x4: {  	_ = 	snop  }
0x5: {  	_ = 	snop  }
0x6: {  	_ = 	snop  }
0x7: {  	_ = 	snop  }
__scs_overlays_trampoline_lowered:
0x8: {  	[smem:$0x3FAA] =	sst s0  }
0x9: {  	[smem:$0x3FAB] =	sst s1  }
0xa: {  	[smem:$0x3FAC] =	sst s2  }
0xb: {  	[smem:$0x3FAD] =	sst s3  }
0xc: {  	[smem:$0x3FAE] =	sst s4  }
0xd: {  	[smem:$0x3FAF] =	sst s5  }
0xe: {  	[smem:$0x3FB0] =	sst s6  }
0xf: {  	[smem:$0x3FB1] =	sst s7  }
0x10: {  	[smem:$0x3FB2] =	sst s8  }
0x11: {  	[smem:$0x3FB3] =	sst s9;
	s0 =	simm.s32 @!p0 $0x0  }
0x12: {  	s1 =	sld [smem:$0x3F99];
	s0 =	simm.s32 @p0 $0x1  }
0x13: {  	[smem:$0x3FB4] =	sst s0;
	s0 =	simm.s32 @!p1 $0x0  }
0x14: {  	s2 =	sld [smem:$0x3F98];
	s0 =	simm.s32 @p1 $0x1  }
0x15: {  	[smem:$0x3FB5] =	sst s0;
	s0 =	simm.s32 @!p2 $0x0  }
0x16: {  	s3 =	sld [smem:$0x3FDB];
	s0 =	simm.s32 @p2 $0x1  }
0x17: {  	s4 =	simm.s32 $0x1BF5;
	[smem:$0x3FB7] =	sst s0  }
0x18: {  	s0 =	sld [smem:$0x3F9A];
	_ =	swait.ge [sflag:s4], $0x0  }
0x19: {  	s7 =	sld [smem:$0x3F9B]  }
0x1a: {  	s8 =	sadd.s32 $0xFFFFE003, lr  }
0x1b: {  	s9 =	sadd.s32 $0xFFFFFEF7, lr;
	s5 =	simm.s32 $0xFFFFFFFF;
	p2 =	slt.u32 s8, $0xFFFFF086  }
0x1c: {  	p1 =	slt.u32 s9, $0xF7A;
	s5 =	simm.s32 @!p2 $0x0  }
0x1d: {  	s5 =	simm.s32 @p1 $0x1;
	p0 =	seq.s32 s7, s2  }
0x1e: {  	s7 =	smul.u32 @!p0 $0xF7A, s2;
	p2 =	seq.s32 @!p0 s5, $0x0  }
0x1f: {  	s9 =	smul.u32 $0xF7A, s1;
	s8 =	simm.s32 @!p0 $0x1BF5;
	p2 =	por !p2, p0  }
0x20: {  	[sflag:s8] =	ssyncset.s32 @!p0 $0xFFFFF086;
	s6 =	sadd.s32 @!p0 s3, s7;
	s7 =	simm.s32 @!p0 $0x108  }
0x21: {  	s3 =	sadd.s32 s3, s9;
	s6 =	sadd.s32 @!p0 $0x88, s6;
	s7 =	simm.s32 @p2 $0x1082  }
0x22: {  	[simem:s7], [sflag:s8] =	dma.local @!p0 [hbm:s6], $0xF7A  }
0x23: {  	s9 =	sor.u32 $0xD0000000, s2;
	s6 =	simm.s32 $0x108;
	_ =	swait.ge @!p0 [sflag:s8], $0x0  }
0x24: {  	s3 =	sadd.s32 $0x88, s3;
	s6 =	simm.s32 @!p1 $0x1082;
	[sflag:s4] =	ssyncset.s32 $0xFFFFF086  }
0x25: {  	[simem:s6], [sflag:s4] =	dma.local [hbm:s3], $0xF7A  }
0x26: {  	[smem:$0x3F9B] =	sst s1;
	(tag) =	ssettag s2;
	_ =	strace s9  }
0x27: {  	s1 =	sld [smem:$0x3FAB]  }
0x28: {  	s2 =	sld [smem:$0x3FAC]  }
0x29: {  	s4 =	sld [smem:$0x3FAE]  }
0x2a: {  	p0 =	seq.s32 s5, $0x0;
	s5 =	sld [smem:$0x3FAF]  }
0x2b: {  	s6 =	sld [smem:$0x3FB0]  }
0x2c: {  	s7 =	sld [smem:$0x3FB1]  }
0x2d: {  	s3 =	simm.s32 $0x108;
	s8 =	sld [smem:$0x3FB2]  }
0x2e: {  	s3 =	simm.s32 @!p0 $0x1082;
	s9 =	sld [smem:$0x3FB3]  }
0x2f: {  	lr =	sadd.s32 s0, s3;
	s0 =	sld [smem:$0x3FAA]  }
0x30: {  	s3 =	sld [smem:$0x3FAD]  }
0x31: {  	[smem:$0x3FB6] =	sst s10  }
0x32: {  	s10 =	sld [smem:$0x3FB4];
	_ =	sdelay $0x3  }
0x33: {  	p0 =	seq.s32 s10, $0x1;
	s10 =	sld [smem:$0x3FB6];
	_ =	sdelay $0x3  }
0x34: {  	[smem:$0x3FB6] =	sst s10  }
0x35: {  	s10 =	sld [smem:$0x3FB5];
	_ =	sdelay $0x3  }
0x36: {  	p1 =	seq.s32 s10, $0x1;
	s10 =	sld [smem:$0x3FB6];
	_ =	sdelay $0x3  }
0x37: {  	[smem:$0x3FB6] =	sst s10  }
0x38: {  	s10 =	sld [smem:$0x3FB7]  }
0x39: {  	_ = 	snop;
	(pc) =	sbr.ind lr, $3  }
0x3a: {  	_ = 	snop  }
0x3b: {  	_ = 	snop  }
0x3c: {  	p2 =	seq.s32 s10, $0x1;
	s10 =	sld [smem:$0x3FB6]  }
0x3d: {  	_ =	shalt  }
0x3e: {  	_ =	shalt  }
0x3f: {  	_ =	shalt  }
0x40: {  	_ =	shalt  }
0x41: {  	_ =	shalt  }
0x42: {  	_ =	shalt  }
0x43: {  	_ =	shalt  }
0x44: {  	_ =	shalt  }
0x45: {  	_ =	shalt  }
0x46: {  	_ =	shalt  }
0x47: {  	_ =	shalt  }
0x48: {  	_ =	shalt  }
0x49: {  	_ =	shalt  }
0x4a: {  	_ =	shalt  }
0x4b: {  	_ =	shalt  }
0x4c: {  	_ =	shalt  }
0x4d: {  	_ =	shalt  }
0x4e: {  	_ =	shalt  }
0x4f: {  	_ =	shalt  }
0x50: {  	_ =	shalt  }
0x51: {  	_ =	shalt  }
0x52: {  	_ =	shalt  }
0x53: {  	_ =	shalt  }
0x54: {  	_ =	shalt  }
0x55: {  	_ =	shalt  }
0x56: {  	_ =	shalt  }
0x57: {  	_ =	shalt  }
0x58: {  	_ =	shalt  }
0x59: {  	_ =	shalt  }
0x5a: {  	_ =	shalt  }
0x5b: {  	_ =	shalt  }
0x5c: {  	_ =	shalt  }
0x5d: {  	_ =	shalt  }
0x5e: {  	_ =	shalt  }
0x5f: {  	_ =	shalt  }
0x60: {  	_ =	shalt  }
0x61: {  	_ =	shalt  }
0x62: {  	_ =	shalt  }
0x63: {  	_ =	shalt  }
0x64: {  	_ =	shalt  }
0x65: {  	_ =	shalt  }
0x66: {  	_ =	shalt  }
0x67: {  	_ =	shalt  }
0x68: {  	_ =	shalt  }
0x69: {  	_ =	shalt  }
0x6a: {  	_ =	shalt  }
0x6b: {  	_ =	shalt  }
0x6c: {  	_ =	shalt  }
0x6d: {  	_ =	shalt  }
0x6e: {  	_ =	shalt  }
0x6f: {  	_ =	shalt  }
0x70: {  	_ =	shalt  }
0x71: {  	_ =	shalt  }
0x72: {  	_ =	shalt  }
0x73: {  	_ =	shalt  }
0x74: {  	_ =	shalt  }
0x75: {  	_ =	shalt  }
0x76: {  	_ =	shalt  }
0x77: {  	_ =	shalt  }
0x78: {  	_ =	shalt  }
0x79: {  	_ =	shalt  }
0x7a: {  	_ =	shalt  }
0x7b: {  	_ =	shalt  }
0x7c: {  	_ =	shalt  }
0x7d: {  	_ =	shalt  }
0x7e: {  	_ =	shalt  }
0x7f: {  	_ =	shalt  }
0x80: {  	_ =	shalt  }
0x81: {  	_ =	shalt  }
0x82: {  	_ =	shalt  }
0x83: {  	_ =	shalt  }
0x84: {  	_ =	shalt  }
0x85: {  	_ =	shalt  }
0x86: {  	_ =	shalt  }
0x87: {  	_ =	shalt  }
.Lfunc_end0:
.L_simem_size_0:
called_computation.2_lowered:
.L_overlay_start_0:
0x88: {  	s2 =	sld [smem:$0x3FD9]  }
0x89: {  	s3 =	sld [smem:$0x3FFE];
	_ =	sdelay $0x1  }
0x8a: {  	s1 =	srdreg.scid  }
0x8b: {  	s0 =	sand.u32 $0x1, s1  }
0x8c: {  	s17 =	sshll.u32 s0, $0xA;
	s2 =	sadd.s32 s3, s2  }
0x8d: {  	s2 =	sadd.s32 s2, s17  }
0x8e: {  	[smem:$0x3FC2] =	sst s2  }
0x8f: {  	_ = 	snop  }
0x90: {  	s2 =	sld [smem:$0x3FD0];
	(tm) =	ssettm $0x1  }
0x91: {  	s18 =	sld [smem:$0x3FFB];
	_ =	sdelay $0x3  }
0x92: {  	_ =	strace s18  }
0x93: {  	s3 =	sld [smem:$0x3FFC];
	_ =	sdelay $0x3  }
0x94: {  	_ =	strace s3  }
0x95: {  	s3 =	sld [smem:$0x3FFD];
	_ =	sdelay $0x3  }
0x96: {  	_ =	strace s3  }
0x97: {  	_ =	strace $0x8FFFFFFF  }
0x98: {  	s19 =	sld [smem:$0x3FDB];
	_ =	sdelay $0x1  }
0x99: {  	s4 =	simm.s32 $_scs_section_size  }
0x9a: {  	s5 =	simm.s32 $_size__tile_overlayer_lowered;
	s6 =	simm.s32 $_tile_overlayer_lowered  }
0x9b: {  	s22 =	simm.s32 $0x1BFF;
	s21 =	sshll.u32 s6, $0x1;
	s3 =	sadd.s32 s4, s19  }
0x9c: {  	s7 =	simm.s32 $0x0;
	s20 =	sshll.u32 s5, $0x1;
	s5 =	sadd.s32 s21, s3  }
0x9d: {  	[timem:s7], [sflag:s22] =	dma.local [hbm:s5], s20  }
0x9e: {  	_ =	swait.ge [sflag:s22], s20  }
0x9f: {  	s4 =	ssub.s32 $0x0, s20;
	[sflag:s22] =	ssyncset.done $0x0  }
0xa0: {  	[sflag:s22] =	ssyncadd.s32 s4;
	_ =	sdelay $0x1  }
0xa1: {  	s23 =	simm.s32 $0x1B8B  }
0xa2: {  	_ =	swait.ge [sflag:s23], $0x1  }
0xa3: {  	[sflag:s23] =	ssyncset.done $0x0  }
0xa4: {  	s25 =	simm.s32 $0x1B8E;
	s24 =	sld [smem:$0x3FFE];
	[sflag:s23] =	ssyncadd.s32 $0xFFFFFFFF  }
0xa5: {  	s26 =	simm.s32 $execute0_lowered;
	[smem:$0x3FD2] =	sst s25  }
0xa6: {  	s5 =	sshll.u32 s26, $0x1;
	_ =	strace $0x8000004C;
	[dreg:$0x1] =	wrdreg $0xFFFFFFFF  }
0xa7: {  	s28 =	simm.s32 $_size_execute0_lowered;
	s3 =	sadd.s32 s3, s5;
	[dreg:$0x0] =	wrdreg $0x0  }
0xa8: {  	s5 =	sshll.u32 s28, $0x1;
	[dreg:$0x2] =	wrdreg s3  }
0xa9: {  	[dreg:$0x3] =	wrdreg s5  }
0xaa: {  	[dreg:$0x4] =	wrdreg $0xC0  }
0xab: {  	_ =	task [dreg:s7], $0x5FFFF  }
0xac: {  	[dreg:$0x1] =	wrdreg $0xFFFFFFFF  }
0xad: {  	[dreg:$0x0] =	wrdreg $0x60  }
0xae: {  	[dreg:$0x2] =	wrdreg s2  }
0xaf: {  	[dreg:$0x3] =	wrdreg s24  }
0xb0: {  	[dreg:$0x4] =	wrdreg $0x9  }
0xb1: {  	_ =	task.clear_ibuf [dreg:s7], $0x5FFFF;
	_ =	strace $0x9000004C  }
0xb2: {  	s29 =	simm.s32 $0x9;
	_ =	strace $0x8000004E  }
0xb3: {  	_ =	swait.ge [sflag:s29], $0x1  }
0xb4: {  	[sflag:s29] =	ssyncadd.s32 $0xFFFFFFFF  }
0xb5: {  	_ =	strace $0x9000004E  }
0xb6: {  	_ =	sfence  }
0xb7: {  	s30 =	sld [smem:$0x0];
	_ =	sdelay $0x2  }
0xb8: {  	s31 =	sshll.u32 s1, $0xD;
	s1 =	sshrl.u32 s1, $0x2  }
0xb9: {  	s3 =	sand.u32 $0x4000, s31;
	s1 =	sadd.s32 s1, s30  }
0xba: {  	s0 =	sor.u32 s3, s0;
	s1 =	sshll.u32 s1, $0x11  }
0xbb: {  	s0 =	sor.u32 s1, s0  }
0xbc: {  	s0 =	sadd.s32 $0x8F2B, s0  }
0xbd: {  	[sflag:s0] =	ssyncadd.remote.s32 $0x1  }
0xbe: {  	_ =	sfence.sel $0xFFFF  }
0xbf: {  	[dreg:$0x0] =	wrdreg $0xFFFFFFFF;
	(pc) =	sbr.abs _section_cstart, $3  }
0xc0: {  	[dreg:$0x1] =	wrdreg $0xFFFFFFFF  }
0xc1: {  	_ =	task.clear_ibuf [dreg:s7], $0x2FFFF;
	_ =	strace $0x9FFFFFFF  }
0xc2: {  	(tm) =	ssettm $0x7FFFFFFF  }
0xc3: {  	_ =	shalt  }
tec
execute0_lowered:
.L_overlay_start_1:
0x0: {  	(tag) =	ssettag $0x1  }
0x1: {  	s3 =	rddreg [dreg:$0x0]  }
0x2: {  	s11 =	rddreg [dreg:$0x1];
	s2 =	srdreg.scid  }
0x3: {  	s0 =	rddreg [dreg:$0x2];
	s1 =	stileid.u32;
	s21 =	sand.u32 $0x1, s2  }
0x4: {  	s2 =	simm.s32 $0x0;
	s5 =	sshll.u32 s1, $0x6;
	s4 =	sshll.u32 s21, $0xA  }
0x5: {  	[smem:$0x7FF] =	sst s2;
	s4 =	sor.u32 s5, s4  }
0x6: {  	_ =	strace $0x8000004D;
	s6 =	sadd.s32 s4, s11;
	s3 =	sadd.s32 s3, s4  }
0x7: {  	[tilespmem:s2], [sflag:$0x1] =	stream.linear.gather [hbm4b:s3+s2], $0x200, $0x38;
	[tilespmem:$0x600] =	vst v63  }
0x8: {  	s5 =	simm.s32 $0x200;
	s4 =	sadd.s32 $0x1C00, s6  }
0x9: {  	[tilespmem:s5], [sflag:$0x1] =	stream.linear.gather [hbm4b:s4+s2], $0x200, $0x38;
	[tilespmem:$0x600] =	vst v63  }
0xa: {  	s8 =	simm.s32 $0x400;
	s7 =	simm.s32 $0x1;
	s6 =	sadd.s32 $0x2400, s6  }
0xb: {  	[tilespmem:s8], [sflag:$0x1] =	stream.linear.gather [hbm4b:s6+s2], $0x200, $0x38;
	[tilespmem:$0x600] =	vst v63  }
0xc: {  	_ =	swait.ge [sflag:s7], $0x200  }
0xd: {  	[sflag:s7] =	ssyncset.done $0x0  }
0xe: {  	[sflag:s7] =	ssyncadd.s32 $0xFFFFFE00  }
0xf: {  	_ =	swait.ge [sflag:s7], $0x200  }
0x10: {  	[sflag:s7] =	ssyncset.done $0x0  }
0x11: {  	[sflag:s7] =	ssyncadd.s32 $0xFFFFFE00  }
0x12: {  	_ =	swait.ge [sflag:s7], $0x200  }
0x13: {  	[sflag:s7] =	ssyncset.done $0x0  }
0x14: {  	s10 =	simm.s32 $0x50;
	s9 =	sadd.s32 $0x2C00, s11;
	[sflag:s7] =	ssyncadd.s32 $0xFFFFFE00  }
0x15: {  	[hbm4b:s9+s10] =	stream.indirect.scatter [tilespmem:s5], [sflag:$0x1], $0x1, s2, s10, $0xb8;
	[tilespmem:$0x600] =	vst v63  }
0x16: {  	s11 =	sadd.s32 $0x3200, s11  }
0x17: {  	[hbm4b:s11+s10] =	stream.indirect.scatter [tilespmem:s8], [sflag:$0x1], $0x1, s2, s10, $0xb8;
	[tilespmem:$0x600] =	vst v63  }
0x18: {  	s12 =	simm.s32 $0x80;
	s13 =	simm.s32 $0x280  }
0x19: {  	[hbm4b:s9+s10] =	stream.indirect.scatter [tilespmem:s13], [sflag:$0x1], $0x1, s12, s10, $0xb8;
	[tilespmem:$0x600] =	vst v63  }
0x1a: {  	s14 =	simm.s32 $0x480  }
0x1b: {  	[hbm4b:s11+s10] =	stream.indirect.scatter [tilespmem:s14], [sflag:$0x1], $0x1, s12, s10, $0xb8;
	[tilespmem:$0x600] =	vst v63  }
0x1c: {  	s15 =	simm.s32 $0x100;
	s16 =	simm.s32 $0x300  }
0x1d: {  	[hbm4b:s9+s10] =	stream.indirect.scatter [tilespmem:s16], [sflag:$0x1], $0x1, s15, s10, $0xb8;
	[tilespmem:$0x600] =	vst v63  }
0x1e: {  	s17 =	simm.s32 $0x500  }
0x1f: {  	[hbm4b:s11+s10] =	stream.indirect.scatter [tilespmem:s17], [sflag:$0x1], $0x1, s15, s10, $0xb8;
	[tilespmem:$0x600] =	vst v63  }
0x20: {  	s18 =	simm.s32 $0x180;
	s19 =	simm.s32 $0x380  }
0x21: {  	[hbm4b:s9+s10] =	stream.indirect.scatter [tilespmem:s19], [sflag:$0x1], $0x1, s18, s10, $0xb8;
	[tilespmem:$0x600] =	vst v63  }
0x22: {  	s20 =	simm.s32 $0x580  }
0x23: {  	[hbm4b:s11+s10] =	stream.indirect.scatter [tilespmem:s20], [sflag:$0x1], $0x1, s18, s10, $0xb8;
	[tilespmem:$0x600] =	vst v63  }
0x24: {  	_ =	swait.ge [sflag:s7], $0x50  }
0x25: {  	[sflag:s7] =	ssyncset.done $0x0  }
0x26: {  	[sflag:s7] =	ssyncadd.s32 $0xFFFFFFB0  }
0x27: {  	_ =	swait.ge [sflag:s7], $0x50  }
0x28: {  	[sflag:s7] =	ssyncset.done $0x0  }
0x29: {  	[sflag:s7] =	ssyncadd.s32 $0xFFFFFFB0  }
0x2a: {  	_ =	swait.ge [sflag:s7], $0x50  }
0x2b: {  	[sflag:s7] =	ssyncset.done $0x0  }
0x2c: {  	[sflag:s7] =	ssyncadd.s32 $0xFFFFFFB0  }
0x2d: {  	_ =	swait.ge [sflag:s7], $0x50  }
0x2e: {  	[sflag:s7] =	ssyncset.done $0x0  }
0x2f: {  	[sflag:s7] =	ssyncadd.s32 $0xFFFFFFB0  }
0x30: {  	_ =	swait.ge [sflag:s7], $0x50  }
0x31: {  	s21 =	ssub.s32 $0x2, s21;
	[sflag:s7] =	ssyncset.done $0x0  }
0x32: {  	s22 =	sshrl.u32 s21, $0x1;
	[sflag:s7] =	ssyncadd.s32 $0xFFFFFFB0  }
0x33: {  	s21 =	ssub.s32 s21, s22;
	_ =	swait.ge [sflag:s7], $0x50  }
0x34: {  	s21 =	smax.u32 s21, $0x1;
	[sflag:s7] =	ssyncset.done $0x0  }
0x35: {  	p0 =	sne.s32 s21, $0x1;
	[sflag:s7] =	ssyncadd.s32 $0xFFFFFFB0  }
.Ltmp0:
0x36: {  	_ =	swait.ge [sflag:s7], $0x50;
	(pc) =	sbr.rel @!p0 .LBB2_2-.Ltmp0, $4  }
0x37: {  	[sflag:s7] =	ssyncset.done $0x0  }
0x38: {  	[sflag:s7] =	ssyncadd.s32 $0xFFFFFFB0  }
0x39: {  	_ =	swait.ge [sflag:s7], $0x50  }
0x3a: {  	s21 =	sadd.s32 $0xFFFFFFFF, s21;
	[sflag:s7] =	ssyncset.done $0x0  }
.LBB2_1:
0x3b: {  	p0 =	sne.s32 s21, $0x1;
	s21 =	sadd.s32 $0xFFFFFFFF, s21;
	[sflag:s7] =	ssyncadd.s32 $0xFFFFFFB0  }
0x3c: {  	[tilespmem:s2], [sflag:$0x1] =	stream.linear.gather [hbm4b:s3+s2], $0x200, $0x38;
	[tilespmem:$0x600] =	vst v63  }
0x3d: {  	_ = 	snop  }
0x3e: {  	[tilespmem:s5], [sflag:$0x1] =	stream.linear.gather [hbm4b:s4+s2], $0x200, $0x38;
	[tilespmem:$0x600] =	vst v63  }
0x3f: {  	_ = 	snop  }
0x40: {  	[tilespmem:s8], [sflag:$0x1] =	stream.linear.gather [hbm4b:s6+s2], $0x200, $0x38;
	[tilespmem:$0x600] =	vst v63  }
0x41: {  	_ =	swait.ge [sflag:s7], $0x200  }
0x42: {  	[sflag:s7] =	ssyncset.done $0x0  }
0x43: {  	[sflag:s7] =	ssyncadd.s32 $0xFFFFFE00  }
0x44: {  	_ =	swait.ge [sflag:s7], $0x200  }
0x45: {  	[sflag:s7] =	ssyncset.done $0x0  }
0x46: {  	[sflag:s7] =	ssyncadd.s32 $0xFFFFFE00  }
0x47: {  	_ =	swait.ge [sflag:s7], $0x200  }
0x48: {  	[sflag:s7] =	ssyncset.done $0x0  }
0x49: {  	[sflag:s7] =	ssyncadd.s32 $0xFFFFFE00  }
0x4a: {  	[hbm4b:s9+s10] =	stream.indirect.scatter [tilespmem:s5], [sflag:$0x1], $0x1, s2, s10, $0xb8;
	[tilespmem:$0x600] =	vst v63  }
0x4b: {  	_ = 	snop  }
0x4c: {  	[hbm4b:s11+s10] =	stream.indirect.scatter [tilespmem:s8], [sflag:$0x1], $0x1, s2, s10, $0xb8;
	[tilespmem:$0x600] =	vst v63  }
0x4d: {  	_ = 	snop  }
0x4e: {  	[hbm4b:s9+s10] =	stream.indirect.scatter [tilespmem:s13], [sflag:$0x1], $0x1, s12, s10, $0xb8;
	[tilespmem:$0x600] =	vst v63  }
0x4f: {  	_ = 	snop  }
0x50: {  	[hbm4b:s11+s10] =	stream.indirect.scatter [tilespmem:s14], [sflag:$0x1], $0x1, s12, s10, $0xb8;
	[tilespmem:$0x600] =	vst v63  }
0x51: {  	_ = 	snop  }
0x52: {  	[hbm4b:s9+s10] =	stream.indirect.scatter [tilespmem:s16], [sflag:$0x1], $0x1, s15, s10, $0xb8;
	[tilespmem:$0x600] =	vst v63  }
0x53: {  	_ = 	snop  }
0x54: {  	[hbm4b:s11+s10] =	stream.indirect.scatter [tilespmem:s17], [sflag:$0x1], $0x1, s15, s10, $0xb8;
	[tilespmem:$0x600] =	vst v63  }
0x55: {  	_ = 	snop  }
0x56: {  	[hbm4b:s9+s10] =	stream.indirect.scatter [tilespmem:s19], [sflag:$0x1], $0x1, s18, s10, $0xb8;
	[tilespmem:$0x600] =	vst v63  }
0x57: {  	_ = 	snop  }
0x58: {  	[hbm4b:s11+s10] =	stream.indirect.scatter [tilespmem:s20], [sflag:$0x1], $0x1, s18, s10, $0xb8;
	[tilespmem:$0x600] =	vst v63  }
0x59: {  	_ =	swait.ge [sflag:s7], $0x50  }
0x5a: {  	[sflag:s7] =	ssyncset.done $0x0  }
0x5b: {  	[sflag:s7] =	ssyncadd.s32 $0xFFFFFFB0  }
0x5c: {  	_ =	swait.ge [sflag:s7], $0x50  }
0x5d: {  	[sflag:s7] =	ssyncset.done $0x0  }
0x5e: {  	[sflag:s7] =	ssyncadd.s32 $0xFFFFFFB0  }
0x5f: {  	_ =	swait.ge [sflag:s7], $0x50  }
0x60: {  	[sflag:s7] =	ssyncset.done $0x0  }
0x61: {  	[sflag:s7] =	ssyncadd.s32 $0xFFFFFFB0  }
0x62: {  	_ =	swait.ge [sflag:s7], $0x50  }
0x63: {  	[sflag:s7] =	ssyncset.done $0x0  }
0x64: {  	[sflag:s7] =	ssyncadd.s32 $0xFFFFFFB0  }
0x65: {  	_ =	swait.ge [sflag:s7], $0x50  }
0x66: {  	[sflag:s7] =	ssyncset.done $0x0  }
0x67: {  	[sflag:s7] =	ssyncadd.s32 $0xFFFFFFB0  }
0x68: {  	_ =	swait.ge [sflag:s7], $0x50  }
0x69: {  	[sflag:s7] =	ssyncset.done $0x0  }
0x6a: {  	[sflag:s7] =	ssyncadd.s32 $0xFFFFFFB0  }
.Ltmp1:
0x6b: {  	_ =	swait.ge [sflag:s7], $0x50;
	(pc) =	sbr.rel @p0 .LBB2_1-.Ltmp1, $4  }
0x6c: {  	[sflag:s7] =	ssyncset.done $0x0  }
0x6d: {  	[sflag:s7] =	ssyncadd.s32 $0xFFFFFFB0  }
0x6e: {  	_ =	swait.ge [sflag:s7], $0x50  }
0x6f: {  	[sflag:s7] =	ssyncset.done $0x0  }
.LBB2_2:
0x70: {  	[sflag:s7] =	ssyncadd.s32 $0xFFFFFFB0  }
0x71: {  	_ =	sfence.sel $0x180000  }
0x72: {  	[bflag:$0x0] =	sbarrier.arrive $0xFFFF  }
0x73: {  	p0 =	sne.s32 s1, $0x0;
	_ =	strace $0x9000004D  }
0x74: {  	s0 =	sadd.s32 @!p0 $0x100000, s0;
	[bflag:$0x2] =	sbarrier.arrive $0xFFFF  }
0x75: {  	[sflag:s0] =	ssyncadd.tile.s32 @!p0 $0x1;
	_ =	shalt  }
.Lfunc_end2:
_tile_overlayer_lowered:
.L_overlay_start_2:
0x76: {  	(tag) =	ssettag $0x2  }
0x77: {  	s0 =	rddreg [dreg:$0x0];
	s2 =	stileid.u32  }
0x78: {  	s1 =	rddreg [dreg:$0x1];
	p0 =	sne.s32 s2, $0x0  }
0x79: {  	s3 =	rddreg [dreg:$0x2];
	[bflag:$0x3] =	sbarrier.arrive $0xFFFF;
	s2 =	simm.s32 @!p0 $0x1C02  }
0x7a: {  	[timem:s3], [sflag:s2] =	dma.local @!p0 [hbm:s0], s1  }
0x7b: {  	s0 =	simm.s32 @!p0 $0x2  }
0x7c: {  	_ =	swait.ge @!p0 [sflag:s0], s1  }
0x7d: {  	s1 =	ssub.s32 @!p0 $0x0, s1;
	[sflag:s0] =	ssyncset.done @!p0 $0x0  }
0x7e: {  	[sflag:s0] =	ssyncadd.s32 @!p0 s1  }
0x7f: {  	[bflag:$0x3] =	sbarrier.arrive $0xFFFF  }
0x80: {  	_ =	shalt  }

// kernel: kernel.8.cloned.1.call-start
scs
__scs_entry_jumppad:
0x0: {  	(pc) =	sbr.rel $0x88, $3  }
0x1: {  	(tag) =	ssettag $0x0;
	lr =	simm.s32 $0x1  }
0x2: {  	[smem:$0x3F9B] =	sst lr;
	_ =	strace $0xD0000000  }
0x3: {  	_ = 	snop  }
0x4: {  	_ = 	snop  }
0x5: {  	_ = 	snop  }
0x6: {  	_ = 	snop  }
0x7: {  	_ = 	snop  }
__scs_overlays_trampoline_lowered:
0x8: {  	[smem:$0x3FAA] =	sst s0  }
0x9: {  	[smem:$0x3FAB] =	sst s1  }
0xa: {  	[smem:$0x3FAC] =	sst s2  }
0xb: {  	[smem:$0x3FAD] =	sst s3  }
0xc: {  	[smem:$0x3FAE] =	sst s4  }
0xd: {  	[smem:$0x3FAF] =	sst s5  }
0xe: {  	[smem:$0x3FB0] =	sst s6  }
0xf: {  	[smem:$0x3FB1] =	sst s7  }
0x10: {  	[smem:$0x3FB2] =	sst s8  }
0x11: {  	[smem:$0x3FB3] =	sst s9;
	s0 =	simm.s32 @!p0 $0x0  }
0x12: {  	s1 =	sld [smem:$0x3F99];
	s0 =	simm.s32 @p0 $0x1  }
0x13: {  	[smem:$0x3FB4] =	sst s0;
	s0 =	simm.s32 @!p1 $0x0  }
0x14: {  	s2 =	sld [smem:$0x3F98];
	s0 =	simm.s32 @p1 $0x1  }
0x15: {  	[smem:$0x3FB5] =	sst s0;
	s0 =	simm.s32 @!p2 $0x0  }
0x16: {  	s3 =	sld [smem:$0x3FDB];
	s0 =	simm.s32 @p2 $0x1  }
0x17: {  	s4 =	simm.s32 $0x1BF5;
	[smem:$0x3FB7] =	sst s0  }
0x18: {  	s0 =	sld [smem:$0x3F9A];
	_ =	swait.ge [sflag:s4], $0x0  }
0x19: {  	s7 =	sld [smem:$0x3F9B]  }
0x1a: {  	s8 =	sadd.s32 $0xFFFFE003, lr  }
0x1b: {  	s9 =	sadd.s32 $0xFFFFFEF7, lr;
	s5 =	simm.s32 $0xFFFFFFFF;
	p2 =	slt.u32 s8, $0xFFFFF086  }
0x1c: {  	p1 =	slt.u32 s9, $0xF7A;
	s5 =	simm.s32 @!p2 $0x0  }
0x1d: {  	s5 =	simm.s32 @p1 $0x1;
	p0 =	seq.s32 s7, s2  }
0x1e: {  	s7 =	smul.u32 @!p0 $0xF7A, s2;
	p2 =	seq.s32 @!p0 s5, $0x0  }
0x1f: {  	s9 =	smul.u32 $0xF7A, s1;
	s8 =	simm.s32 @!p0 $0x1BF5;
	p2 =	por !p2, p0  }
0x20: {  	[sflag:s8] =	ssyncset.s32 @!p0 $0xFFFFF086;
	s6 =	sadd.s32 @!p0 s3, s7;
	s7 =	simm.s32 @!p0 $0x108  }
0x21: {  	s3 =	sadd.s32 s3, s9;
	s6 =	sadd.s32 @!p0 $0x88, s6;
	s7 =	simm.s32 @p2 $0x1082  }
0x22: {  	[simem:s7], [sflag:s8] =	dma.local @!p0 [hbm:s6], $0xF7A  }
0x23: {  	s9 =	sor.u32 $0xD0000000, s2;
	s6 =	simm.s32 $0x108;
	_ =	swait.ge @!p0 [sflag:s8], $0x0  }
0x24: {  	s3 =	sadd.s32 $0x88, s3;
	s6 =	simm.s32 @!p1 $0x1082;
	[sflag:s4] =	ssyncset.s32 $0xFFFFF086  }
0x25: {  	[simem:s6], [sflag:s4] =	dma.local [hbm:s3], $0xF7A  }
0x26: {  	[smem:$0x3F9B] =	sst s1;
	(tag) =	ssettag s2;
	_ =	strace s9  }
0x27: {  	s1 =	sld [smem:$0x3FAB]  }
0x28: {  	s2 =	sld [smem:$0x3FAC]  }
0x29: {  	s4 =	sld [smem:$0x3FAE]  }
0x2a: {  	p0 =	seq.s32 s5, $0x0;
	s5 =	sld [smem:$0x3FAF]  }
0x2b: {  	s6 =	sld [smem:$0x3FB0]  }
0x2c: {  	s7 =	sld [smem:$0x3FB1]  }
0x2d: {  	s3 =	simm.s32 $0x108;
	s8 =	sld [smem:$0x3FB2]  }
0x2e: {  	s3 =	simm.s32 @!p0 $0x1082;
	s9 =	sld [smem:$0x3FB3]  }
0x2f: {  	lr =	sadd.s32 s0, s3;
	s0 =	sld [smem:$0x3FAA]  }
0x30: {  	s3 =	sld [smem:$0x3FAD]  }
0x31: {  	[smem:$0x3FB6] =	sst s10  }
0x32: {  	s10 =	sld [smem:$0x3FB4];
	_ =	sdelay $0x3  }
0x33: {  	p0 =	seq.s32 s10, $0x1;
	s10 =	sld [smem:$0x3FB6];
	_ =	sdelay $0x3  }
0x34: {  	[smem:$0x3FB6] =	sst s10  }
0x35: {  	s10 =	sld [smem:$0x3FB5];
	_ =	sdelay $0x3  }
0x36: {  	p1 =	seq.s32 s10, $0x1;
	s10 =	sld [smem:$0x3FB6];
	_ =	sdelay $0x3  }
0x37: {  	[smem:$0x3FB6] =	sst s10  }
0x38: {  	s10 =	sld [smem:$0x3FB7]  }
0x39: {  	_ = 	snop;
	(pc) =	sbr.ind lr, $3  }
0x3a: {  	_ = 	snop  }
0x3b: {  	_ = 	snop  }
0x3c: {  	p2 =	seq.s32 s10, $0x1;
	s10 =	sld [smem:$0x3FB6]  }
0x3d: {  	_ =	shalt  }
0x3e: {  	_ =	shalt  }
0x3f: {  	_ =	shalt  }
0x40: {  	_ =	shalt  }
0x41: {  	_ =	shalt  }
0x42: {  	_ =	shalt  }
0x43: {  	_ =	shalt  }
0x44: {  	_ =	shalt  }
0x45: {  	_ =	shalt  }
0x46: {  	_ =	shalt  }
0x47: {  	_ =	shalt  }
0x48: {  	_ =	shalt  }
0x49: {  	_ =	shalt  }
0x4a: {  	_ =	shalt  }
0x4b: {  	_ =	shalt  }
0x4c: {  	_ =	shalt  }
0x4d: {  	_ =	shalt  }
0x4e: {  	_ =	shalt  }
0x4f: {  	_ =	shalt  }
0x50: {  	_ =	shalt  }
0x51: {  	_ =	shalt  }
0x52: {  	_ =	shalt  }
0x53: {  	_ =	shalt  }
0x54: {  	_ =	shalt  }
0x55: {  	_ =	shalt  }
0x56: {  	_ =	shalt  }
0x57: {  	_ =	shalt  }
0x58: {  	_ =	shalt  }
0x59: {  	_ =	shalt  }
0x5a: {  	_ =	shalt  }
0x5b: {  	_ =	shalt  }
0x5c: {  	_ =	shalt  }
0x5d: {  	_ =	shalt  }
0x5e: {  	_ =	shalt  }
0x5f: {  	_ =	shalt  }
0x60: {  	_ =	shalt  }
0x61: {  	_ =	shalt  }
0x62: {  	_ =	shalt  }
0x63: {  	_ =	shalt  }
0x64: {  	_ =	shalt  }
0x65: {  	_ =	shalt  }
0x66: {  	_ =	shalt  }
0x67: {  	_ =	shalt  }
0x68: {  	_ =	shalt  }
0x69: {  	_ =	shalt  }
0x6a: {  	_ =	shalt  }
0x6b: {  	_ =	shalt  }
0x6c: {  	_ =	shalt  }
0x6d: {  	_ =	shalt  }
0x6e: {  	_ =	shalt  }
0x6f: {  	_ =	shalt  }
0x70: {  	_ =	shalt  }
0x71: {  	_ =	shalt  }
0x72: {  	_ =	shalt  }
0x73: {  	_ =	shalt  }
0x74: {  	_ =	shalt  }
0x75: {  	_ =	shalt  }
0x76: {  	_ =	shalt  }
0x77: {  	_ =	shalt  }
0x78: {  	_ =	shalt  }
0x79: {  	_ =	shalt  }
0x7a: {  	_ =	shalt  }
0x7b: {  	_ =	shalt  }
0x7c: {  	_ =	shalt  }
0x7d: {  	_ =	shalt  }
0x7e: {  	_ =	shalt  }
0x7f: {  	_ =	shalt  }
0x80: {  	_ =	shalt  }
0x81: {  	_ =	shalt  }
0x82: {  	_ =	shalt  }
0x83: {  	_ =	shalt  }
0x84: {  	_ =	shalt  }
0x85: {  	_ =	shalt  }
0x86: {  	_ =	shalt  }
0x87: {  	_ =	shalt  }
.Lfunc_end0:
.L_simem_size_0:
called_computation_lowered:
.L_overlay_start_0:
0x88: {  	s2 =	sld [smem:$0x3FD9]  }
0x89: {  	s3 =	sld [smem:$0x3FFE];
	_ =	sdelay $0x1  }
0x8a: {  	s1 =	srdreg.scid  }
0x8b: {  	s0 =	sand.u32 $0x1, s1  }
0x8c: {  	s16 =	sshll.u32 s0, $0xA;
	s2 =	sadd.s32 s3, s2  }
0x8d: {  	s2 =	sadd.s32 s2, s16  }
0x8e: {  	[smem:$0x3FC2] =	sst s2  }
0x8f: {  	_ = 	snop  }
0x90: {  	(tm) =	ssettm $0x1  }
0x91: {  	s17 =	sld [smem:$0x3FFB];
	_ =	sdelay $0x3  }
0x92: {  	_ =	strace s17  }
0x93: {  	s2 =	sld [smem:$0x3FFC];
	_ =	sdelay $0x3  }
0x94: {  	_ =	strace s2  }
0x95: {  	s2 =	sld [smem:$0x3FFD];
	_ =	sdelay $0x3  }
0x96: {  	_ =	strace s2  }
0x97: {  	_ =	strace $0x8FFFFFFF  }
0x98: {  	s18 =	sld [smem:$0x3FDB];
	_ =	sdelay $0x1  }
0x99: {  	s19 =	simm.s32 $_scs_section_size  }
0x9a: {  	s4 =	simm.s32 $_size__tile_overlayer_lowered;
	s5 =	simm.s32 $_tile_overlayer_lowered  }
0x9b: {  	s22 =	simm.s32 $0x1BFF;
	s21 =	sshll.u32 s5, $0x1;
	s2 =	sadd.s32 s19, s18  }
0x9c: {  	s6 =	simm.s32 $0x0;
	s20 =	sshll.u32 s4, $0x1;
	s4 =	sadd.s32 s21, s2  }
0x9d: {  	[timem:s6], [sflag:s22] =	dma.local [hbm:s4], s20  }
0x9e: {  	_ =	swait.ge [sflag:s22], s20  }
0x9f: {  	s3 =	ssub.s32 $0x0, s20;
	[sflag:s22] =	ssyncset.done $0x0  }
0xa0: {  	[sflag:s22] =	ssyncadd.s32 s3;
	_ =	sdelay $0x1  }
0xa1: {  	s23 =	simm.s32 $0x1B8B  }
0xa2: {  	_ =	swait.ge [sflag:s23], $0x1  }
0xa3: {  	[sflag:s23] =	ssyncset.done $0x0  }
0xa4: {  	s25 =	simm.s32 $0x1B8E;
	s24 =	sld [smem:$0x3FFE];
	[sflag:s23] =	ssyncadd.s32 $0xFFFFFFFF  }
0xa5: {  	s26 =	simm.s32 $execute0_lowered;
	[smem:$0x3FD2] =	sst s25  }
0xa6: {  	s4 =	sshll.u32 s26, $0x1;
	_ =	strace $0x80000046;
	[dreg:$0x1] =	wrdreg $0xFFFFFFFF  }
0xa7: {  	s28 =	simm.s32 $_size_execute0_lowered;
	s2 =	sadd.s32 s2, s4;
	[dreg:$0x0] =	wrdreg $0x0  }
0xa8: {  	s4 =	sshll.u32 s28, $0x1;
	[dreg:$0x2] =	wrdreg s2  }
0xa9: {  	[dreg:$0x3] =	wrdreg s4  }
0xaa: {  	[dreg:$0x4] =	wrdreg $0xC0  }
0xab: {  	_ =	task [dreg:s6], $0x5FFFF  }
0xac: {  	[dreg:$0x1] =	wrdreg $0xFFFFFFFF  }
0xad: {  	[dreg:$0x0] =	wrdreg $0x60  }
0xae: {  	[dreg:$0x2] =	wrdreg s24  }
0xaf: {  	[dreg:$0x3] =	wrdreg $0x82800  }
0xb0: {  	[dreg:$0x4] =	wrdreg $0x9  }
0xb1: {  	_ =	task.clear_ibuf [dreg:s6], $0x5FFFF;
	_ =	strace $0x90000046  }
0xb2: {  	s29 =	simm.s32 $0x9;
	_ =	strace $0x80000048  }
0xb3: {  	_ =	swait.ge [sflag:s29], $0x1  }
0xb4: {  	[sflag:s29] =	ssyncadd.s32 $0xFFFFFFFF  }
0xb5: {  	_ =	strace $0x90000048  }
0xb6: {  	_ =	sfence  }
0xb7: {  	s30 =	sld [smem:$0x0];
	_ =	sdelay $0x2  }
0xb8: {  	s31 =	sshll.u32 s1, $0xD;
	s1 =	sshrl.u32 s1, $0x2  }
0xb9: {  	s3 =	sand.u32 $0x4000, s31;
	s1 =	sadd.s32 s1, s30  }
0xba: {  	s0 =	sor.u32 s3, s0;
	s1 =	sshll.u32 s1, $0x11  }
0xbb: {  	s0 =	sor.u32 s1, s0  }
0xbc: {  	s0 =	sadd.s32 $0x8F2B, s0  }
0xbd: {  	[sflag:s0] =	ssyncadd.remote.s32 $0x1  }
0xbe: {  	_ =	sfence.sel $0xFFFF  }
0xbf: {  	[dreg:$0x0] =	wrdreg $0xFFFFFFFF;
	(pc) =	sbr.abs _section_cstart, $3  }
0xc0: {  	[dreg:$0x1] =	wrdreg $0xFFFFFFFF  }
0xc1: {  	_ =	task.clear_ibuf [dreg:s6], $0x2FFFF;
	_ =	strace $0x9FFFFFFF  }
0xc2: {  	(tm) =	ssettm $0x7FFFFFFF  }
0xc3: {  	_ =	shalt  }
tec
execute0_lowered:
.L_overlay_start_1:
0x0: {  	(tag) =	ssettag $0x1  }
0x1: {  	s4 =	rddreg [dreg:$0x0]  }
0x2: {  	s2 =	rddreg [dreg:$0x1]  }
0x3: {  	s0 =	rddreg [dreg:$0x2]  }
0x4: {  	s3 =	simm.s32 $0x0;
	s5 =	srdreg.scid;
	s1 =	stileid.u32  }
0x5: {  	s11 =	simm.s32 $0x2;
	s12 =	simm.s32 $0x1;
	s13 =	simm.s32 $0x50  }
0x6: {  	s16 =	simm.s32 $0x20;
	s17 =	simm.s32 $0x10;
	s18 =	simm.s32 $0x0  }
0x7: {  	[smem:$0x7FF] =	sst s3;
	s5 =	sand.u32 $0x1, s5;
	s6 =	smul.u32 $0x500, s1  }
0x8: {  	s8 =	sshll.u32 s1, $0xB;
	s28 =	smul.u32 $0xA00, s1;
	s14 =	sshll.u32 s1, $0x6  }
0x9: {  	s7 =	sshll.u32 s5, $0xF;
	s9 =	sshll.u32 s5, $0x7;
	_ =	strace $0x80000047  }
0xa: {  	s5 =	ssub.s32 $0x2, s5;
	s14 =	sor.u32 $0x1C02, s14;
	s7 =	sor.u32 s8, s7  }
0xb: {  	s6 =	sor.u32 s9, s6;
	s30 =	sshrl.u32 s5, $0x1;
	s31 =	sshrl.u32 s28, $0x2  }
0xc: {  	s9 =	simm.s32 $0x4000;
	s6 =	sshrl.u32 s6, $0x3;
	s7 =	sadd.s32 s7, s4  }
0xd: {  	s10 =	ssub.s32 s5, s30;
	s29 =	sadd.s32 s6, s4;
	s4 =	sadd.s32 $0x1C00, s7  }
0xe: {  	s5 =	sadd.s32 $0x11C00, s7;
	s6 =	sadd.s32 s31, s2;
	s8 =	smax.u32 s10, $0x1  }
0xf: {  	v0 =	vimm.f32 $0.0e+00;
	s10 =	simm.s32 $0x8000;
	s7 =	sadd.s32 $0x21C00, s29;
	s15 =	sshrl.u32 s6, $0x3  }
.LBB2_1:
0x10: {  	[tilespmem:s3], [sflag:$0x1] =	stream.linear.gather [hbm4b:s4+s3], $0x3E80, $0x38;
	[tilespmem:$0x8500] =	vst v63  }
0x11: {  	_ = 	snop  }
0x12: {  	[tilespmem:s9], [sflag:$0x1] =	stream.linear.gather [hbm4b:s5+s3], $0x3E80, $0x38;
	[tilespmem:$0x8500] =	vst v63  }
0x13: {  	[tilespmem:$0x8000] =	vst v0  }
0x14: {  	[tilespmem:$0x8010] =	vst v0  }
0x15: {  	[tilespmem:$0x8020] =	vst v0  }
0x16: {  	[tilespmem:$0x8030] =	vst v0  }
0x17: {  	[tilespmem:$0x8040] =	vst v0  }
0x18: {  	[tilespmem:$0x8050] =	vst v0  }
0x19: {  	[tilespmem:$0x8060] =	vst v0  }
0x1a: {  	[tilespmem:$0x8070] =	vst v0  }
0x1b: {  	[tilespmem:$0x8080] =	vst v0  }
0x1c: {  	[tilespmem:$0x8090] =	vst v0  }
0x1d: {  	[tilespmem:$0x80A0] =	vst v0  }
0x1e: {  	[tilespmem:$0x80B0] =	vst v0  }
0x1f: {  	[tilespmem:$0x80C0] =	vst v0  }
0x20: {  	[tilespmem:$0x80D0] =	vst v0  }
0x21: {  	[tilespmem:$0x80E0] =	vst v0  }
0x22: {  	[tilespmem:$0x80F0] =	vst v0  }
0x23: {  	[tilespmem:$0x8100] =	vst v0  }
0x24: {  	[tilespmem:$0x8110] =	vst v0  }
0x25: {  	[tilespmem:$0x8120] =	vst v0  }
0x26: {  	[tilespmem:$0x8130] =	vst v0  }
0x27: {  	[tilespmem:$0x8140] =	vst v0  }
0x28: {  	[tilespmem:$0x8150] =	vst v0  }
0x29: {  	[tilespmem:$0x8160] =	vst v0  }
0x2a: {  	[tilespmem:$0x8170] =	vst v0  }
0x2b: {  	[tilespmem:$0x8180] =	vst v0  }
0x2c: {  	[tilespmem:$0x8190] =	vst v0  }
0x2d: {  	[tilespmem:$0x81A0] =	vst v0  }
0x2e: {  	[tilespmem:$0x81B0] =	vst v0  }
0x2f: {  	[tilespmem:$0x81C0] =	vst v0  }
0x30: {  	[tilespmem:$0x81D0] =	vst v0  }
0x31: {  	[tilespmem:$0x81E0] =	vst v0  }
0x32: {  	[tilespmem:$0x81F0] =	vst v0  }
0x33: {  	[tilespmem:$0x8200] =	vst v0  }
0x34: {  	[tilespmem:$0x8210] =	vst v0  }
0x35: {  	[tilespmem:$0x8220] =	vst v0  }
0x36: {  	[tilespmem:$0x8230] =	vst v0  }
0x37: {  	[tilespmem:$0x8240] =	vst v0  }
0x38: {  	[tilespmem:$0x8250] =	vst v0  }
0x39: {  	[tilespmem:$0x8260] =	vst v0  }
0x3a: {  	[tilespmem:$0x8270] =	vst v0  }
0x3b: {  	[spmem:s6] =	stream.linear.scatter [tilespmem:s10], [sflag:$0x2], $0x280, $0x38;
	[tilespmem:$0x8500] =	vst v63  }
0x3c: {  	_ =	swait.ge [sflag:s11], $0x280  }
0x3d: {  	[sflag:s11] =	ssyncset.done $0x0  }
0x3e: {  	[sflag:s11] =	ssyncadd.s32 $0xFFFFFD80  }
0x3f: {  	_ =	swait.ge [sflag:s12], $0x3E80  }
0x40: {  	[sflag:s12] =	ssyncset.done $0x0  }
0x41: {  	[sflag:s12] =	ssyncadd.s32 $0xFFFFC180  }
0x42: {  	_ =	swait.ge [sflag:s12], $0x3E80  }
0x43: {  	[sflag:s12] =	ssyncset.done $0x0  }
0x44: {  	[sflag:s12] =	ssyncadd.s32 $0xFFFFC180  }
0x45: {  	s19 =	simm.s32 $0x0;
	s20 =	simm.s32 $0x4000;
	[bflag:$0x0] =	sbarrier.arrive $0xFFFF  }
0x46: {  	[spmem:s2] =	stream.indirect.scatter.add.f32 [tilespmem:s20], [sflag:$0x1], $0x1, s19, s13, $0xb8;
	[tilespmem:$0x8500] =	vst v63  }
0x47: {  	s23 =	simm.s32 $0x4080;
	s24 =	simm.s32 $0x80  }
0x48: {  	[spmem:s2] =	stream.indirect.scatter.add.f32 [tilespmem:s23], [sflag:$0x1], $0x1, s24, s13, $0xb8;
	[tilespmem:$0x8500] =	vst v63  }
0x49: {  	s25 =	simm.s32 $0x4100;
	s26 =	simm.s32 $0x100  }
0x4a: {  	[spmem:s2] =	stream.indirect.scatter.add.f32 [tilespmem:s25], [sflag:$0x1], $0x1, s26, s13, $0xb8;
	[tilespmem:$0x8500] =	vst v63  }
0x4b: {  	s28 =	simm.s32 $0x4180;
	s29 =	simm.s32 $0x180  }
0x4c: {  	[spmem:s2] =	stream.indirect.scatter.add.f32 [tilespmem:s28], [sflag:$0x1], $0x1, s29, s13, $0xb8;
	[tilespmem:$0x8500] =	vst v63  }
0x4d: {  	s30 =	simm.s32 $0x4200;
	s31 =	simm.s32 $0x200  }
0x4e: {  	[spmem:s2] =	stream.indirect.scatter.add.f32 [tilespmem:s30], [sflag:$0x1], $0x1, s31, s13, $0xb8;
	[tilespmem:$0x8500] =	vst v63  }
0x4f: {  	_ =	swait.ge [sflag:s12], $0x50  }
0x50: {  	[sflag:s12] =	ssyncset.done $0x0  }
0x51: {  	[sflag:s12] =	ssyncadd.s32 $0xFFFFFFB0  }
0x52: {  	_ =	swait.ge [sflag:s12], $0x50  }
0x53: {  	[sflag:s12] =	ssyncset.done $0x0  }
0x54: {  	[sflag:s12] =	ssyncadd.s32 $0xFFFFFFB0  }
0x55: {  	_ =	swait.ge [sflag:s12], $0x50  }
0x56: {  	[sflag:s12] =	ssyncset.done $0x0  }
0x57: {  	[sflag:s12] =	ssyncadd.s32 $0xFFFFFFB0  }
0x58: {  	_ =	swait.ge [sflag:s12], $0x50  }
0x59: {  	[sflag:s12] =	ssyncset.done $0x0  }
0x5a: {  	[sflag:s12] =	ssyncadd.s32 $0xFFFFFFB0  }
0x5b: {  	_ =	swait.ge [sflag:s12], $0x50  }
0x5c: {  	s20 =	simm.s32 $0x1400;
	s19 =	simm.s32 $0x280;
	[sflag:s12] =	ssyncset.done $0x0  }
.LBB2_2:
0x5d: {  	s21 =	sadd.s32 $0x4000, s19  }
0x5e: {  	[sflag:s12] =	ssyncadd.s32 $0xFFFFFFB0;
	s22 =	smov.u32 s20;
	s23 =	sadd.s32 $0xA00, s20  }
0x5f: {  	[spmem:s2] =	stream.indirect.scatter.add.f32 [tilespmem:s21], [sflag:$0x1], $0x1, s19, s13, $0xb8;
	[tilespmem:$0x8500] =	vst v63  }
0x60: {  	p0 =	sne.s32 s20, $0xF000;
	s20 =	sadd.s32 $0x4080, s19;
	s21 =	sadd.s32 $0x80, s19  }
0x61: {  	[spmem:s2] =	stream.indirect.scatter.add.f32 [tilespmem:s20], [sflag:$0x1], $0x1, s21, s13, $0xb8;
	[tilespmem:$0x8500] =	vst v63  }
0x62: {  	s20 =	sadd.s32 $0x4100, s19;
	s21 =	sadd.s32 $0x100, s19  }
0x63: {  	[spmem:s2] =	stream.indirect.scatter.add.f32 [tilespmem:s20], [sflag:$0x1], $0x1, s21, s13, $0xb8;
	[tilespmem:$0x8500] =	vst v63  }
0x64: {  	s20 =	sadd.s32 $0x4180, s19;
	s21 =	sadd.s32 $0x180, s19  }
0x65: {  	[spmem:s2] =	stream.indirect.scatter.add.f32 [tilespmem:s20], [sflag:$0x1], $0x1, s21, s13, $0xb8;
	[tilespmem:$0x8500] =	vst v63  }
0x66: {  	s20 =	sadd.s32 $0x4200, s19;
	s19 =	sadd.s32 $0x200, s19  }
0x67: {  	[spmem:s2] =	stream.indirect.scatter.add.f32 [tilespmem:s20], [sflag:$0x1], $0x1, s19, s13, $0xb8;
	[tilespmem:$0x8500] =	vst v63  }
0x68: {  	_ =	swait.ge [sflag:s12], $0x50  }
0x69: {  	[sflag:s12] =	ssyncset.done $0x0  }
0x6a: {  	[sflag:s12] =	ssyncadd.s32 $0xFFFFFFB0  }
0x6b: {  	_ =	swait.ge [sflag:s12], $0x50  }
0x6c: {  	[sflag:s12] =	ssyncset.done $0x0  }
0x6d: {  	[sflag:s12] =	ssyncadd.s32 $0xFFFFFFB0  }
0x6e: {  	_ =	swait.ge [sflag:s12], $0x50  }
0x6f: {  	[sflag:s12] =	ssyncset.done $0x0  }
0x70: {  	[sflag:s12] =	ssyncadd.s32 $0xFFFFFFB0  }
.Ltmp0:
0x71: {  	_ =	swait.ge [sflag:s12], $0x50;
	(pc) =	sbr.rel @p0 .LBB2_2-.Ltmp0, $4  }
0x72: {  	[sflag:s12] =	ssyncset.done $0x0  }
0x73: {  	[sflag:s12] =	ssyncadd.s32 $0xFFFFFFB0  }
0x74: {  	_ =	swait.ge [sflag:s12], $0x50  }
0x75: {  	s19 =	sshra.s32 s22, $0x2;
	s20 =	smov.u32 s23;
	[sflag:s12] =	ssyncset.done $0x0  }
0x76: {  	s20 =	sadd.s32 $0x4000, s19;
	[sflag:s12] =	ssyncadd.s32 $0xFFFFFFB0  }
0x77: {  	[spmem:s2] =	stream.indirect.scatter.add.f32 [tilespmem:s20], [sflag:$0x1], $0x1, s19, s13, $0xb8;
	[tilespmem:$0x8500] =	vst v63  }
0x78: {  	s24 =	sadd.s32 $0x4080, s19;
	s21 =	sadd.s32 $0x80, s19  }
0x79: {  	[spmem:s2] =	stream.indirect.scatter.add.f32 [tilespmem:s24], [sflag:$0x1], $0x1, s21, s13, $0xb8;
	[tilespmem:$0x8500] =	vst v63  }
0x7a: {  	s25 =	sadd.s32 $0x4100, s19;
	s26 =	sadd.s32 $0x100, s19  }
0x7b: {  	[spmem:s2] =	stream.indirect.scatter.add.f32 [tilespmem:s25], [sflag:$0x1], $0x1, s26, s13, $0xb8;
	[tilespmem:$0x8500] =	vst v63  }
0x7c: {  	s28 =	sadd.s32 $0x4180, s19;
	s29 =	sadd.s32 $0x180, s19  }
0x7d: {  	[spmem:s2] =	stream.indirect.scatter.add.f32 [tilespmem:s28], [sflag:$0x1], $0x1, s29, s13, $0xb8;
	[tilespmem:$0x8500] =	vst v63  }
0x7e: {  	s30 =	sadd.s32 $0x4200, s19;
	s31 =	sadd.s32 $0x200, s19  }
0x7f: {  	[spmem:s2] =	stream.indirect.scatter.add.f32 [tilespmem:s30], [sflag:$0x1], $0x1, s31, s13, $0xb8;
	[tilespmem:$0x8500] =	vst v63  }
0x80: {  	_ =	swait.ge [sflag:s12], $0x50  }
0x81: {  	[sflag:s12] =	ssyncset.done $0x0  }
0x82: {  	[sflag:s12] =	ssyncadd.s32 $0xFFFFFFB0  }
0x83: {  	_ =	swait.ge [sflag:s12], $0x50  }
0x84: {  	[sflag:s12] =	ssyncset.done $0x0  }
0x85: {  	[sflag:s12] =	ssyncadd.s32 $0xFFFFFFB0  }
0x86: {  	_ =	swait.ge [sflag:s12], $0x50  }
0x87: {  	[sflag:s12] =	ssyncset.done $0x0  }
0x88: {  	[sflag:s12] =	ssyncadd.s32 $0xFFFFFFB0  }
0x89: {  	_ =	swait.ge [sflag:s12], $0x50  }
0x8a: {  	[sflag:s12] =	ssyncset.done $0x0  }
0x8b: {  	[sflag:s12] =	ssyncadd.s32 $0xFFFFFFB0  }
0x8c: {  	_ =	swait.ge [sflag:s12], $0x50  }
0x8d: {  	s18 =	sadd.s32 $0x1, s18;
	[sflag:s12] =	ssyncset.done $0x0  }
0x8e: {  	p0 =	sne.s32 s18, s8;
	[sflag:s12] =	ssyncadd.s32 $0xFFFFFFB0  }
.Ltmp1:
0x8f: {  	[bflag:$0x0] =	sbarrier.arrive $0xFFFF;
	(pc) =	sbr.rel @p0 .LBB2_1-.Ltmp1, $4  }
0x90: {  	[hbm:s7@s16], [sflag:s14] =	dma.strided [spmem:s15@s17], $0x50, s12, $0x10   }
0x91: {  	_ =	swait.ge [sflag:s11], $0x50  }
0x92: {  	[sflag:s11] =	ssyncset.done $0x0  }
0x93: {  	[sflag:s11] =	ssyncadd.s32 $0xFFFFFFB0  }
0x94: {  	_ =	sfence.sel $0x180000  }
0x95: {  	[bflag:$0x0] =	sbarrier.arrive $0xFFFF  }
0x96: {  	p0 =	sne.s32 s1, $0x0;
	_ =	strace $0x90000047  }
0x97: {  	s0 =	sadd.s32 @!p0 $0x100000, s0;
	[bflag:$0x2] =	sbarrier.arrive $0xFFFF  }
0x98: {  	[sflag:s0] =	ssyncadd.tile.s32 @!p0 $0x1;
	_ =	shalt  }
.Lfunc_end2:
_tile_overlayer_lowered:
.L_overlay_start_2:
0x99: {  	(tag) =	ssettag $0x2  }
0x9a: {  	s0 =	rddreg [dreg:$0x0];
	s2 =	stileid.u32  }
0x9b: {  	s1 =	rddreg [dreg:$0x1];
	p0 =	sne.s32 s2, $0x0  }
0x9c: {  	s3 =	rddreg [dreg:$0x2];
	[bflag:$0x3] =	sbarrier.arrive $0xFFFF;
	s2 =	simm.s32 @!p0 $0x1C02  }
0x9d: {  	[timem:s3], [sflag:s2] =	dma.local @!p0 [hbm:s0], s1  }
0x9e: {  	s0 =	simm.s32 @!p0 $0x2  }
0x9f: {  	_ =	swait.ge @!p0 [sflag:s0], s1  }
0xa0: {  	s1 =	ssub.s32 @!p0 $0x0, s1;
	[sflag:s0] =	ssyncset.done @!p0 $0x0  }
0xa1: {  	[sflag:s0] =	ssyncadd.s32 @!p0 s1  }
0xa2: {  	[bflag:$0x3] =	sbarrier.arrive $0xFFFF  }
0xa3: {  	_ =	shalt  }

</sc_bundles>
